<compile_context>
chip_gen: v7x
topology: tpu7x:2x2x1
jax: 0.10.2.dev20260603
libtpu: 0.0.44.dev20260713+nightly
codegen_flags: <defaults>
</compile_context>

<pallas_src>
import functools

import jax
import jax.numpy as jnp
from jax import lax
from jax.experimental import pallas as pl
from jax.experimental.pallas import tpu as pltpu
from jax.experimental.pallas import tpu_sc as plsc

_N = 10000
_NPAD = 10240
_E = 320000
_CHUNK = 128
_EPAD = 327680
_NCHUNKS = _EPAD // _CHUNK
_CH_TILE = _NCHUNKS // 16
_CH_W = _NCHUNKS // 32
_RPT = _NPAD // 16
_PPT = _NPAD // 16
_RB = 1024
_NRB = _NPAD // _RB

_f32 = jnp.float32


def _sc_mesh():
    return plsc.VectorSubcoreMesh(core_axis_name="c", subcore_axis_name="s")


def _deg_body(dst_hbm, out_hbm, deg_sh, idx_v, ones_v, zb_v):
    c = lax.axis_index("c")
    s = lax.axis_index("s")
    w = c * 16 + s

    def _fill(i, _):
        zb_v[pl.ds(i * 16, 16)] = jnp.zeros((16,), _f32)
        return 0

    lax.fori_loop(0, _PPT // 16, _fill, 0)

    def _fill1(i, _):
        ones_v[pl.ds(i * 16, 16)] = jnp.ones((16,), _f32)
        return 0

    lax.fori_loop(0, _CHUNK // 16, _fill1, 0)

    pltpu.sync_copy(zb_v, deg_sh.at[pl.ds(s * _PPT, _PPT)])
    pltpu.sync_copy(dst_hbm.at[pl.ds(w * _CH_W, _CH_W)], idx_v)
    plsc.subcore_barrier()

    def _scat(j, _):
        pltpu.sync_copy(ones_v, deg_sh.at[idx_v.at[j]], add=True)
        return 0

    lax.fori_loop(0, _CH_W, _scat, 0)
    plsc.subcore_barrier()
    pltpu.sync_copy(deg_sh.at[pl.ds(s * _PPT, _PPT)],
                    out_hbm.at[c].at[pl.ds(s * _PPT, _PPT)])


def _deg_call(dst2d):
    fn = pl.kernel(
        _deg_body,
        out_type=jax.ShapeDtypeStruct((2, _NPAD), _f32),
        mesh=_sc_mesh(),
        scratch_types=[
            pltpu.VMEM_SHARED((_NPAD,), _f32),
            pltpu.VMEM((_CH_W, _CHUNK), jnp.int32),
            pltpu.VMEM((_CHUNK,), _f32),
            pltpu.VMEM((_PPT,), _f32),
        ],
    )
    return fn(dst2d)


_ECHUNK = 64
_NECH = _EPAD // _ECHUNK
_ECH_TILE = _NECH // 16
_IDXB = 64
_NBLK = _ECH_TILE // _IDXB
_GRP = _IDXB // 4


def _prop_body(y_hbm, yp_hbm, src_hbm, dst_hbm, out_hbm, acc_sh,
               src_v, dst_v, r0, r1, r2, r3, cv0, cv1,
               g0, g1, g2, g3, s0, s1):
    c = lax.axis_index("c")
    s = lax.axis_index("s")
    rows = [r0, r1, r2, r3]
    conv = [cv0, cv1]
    gs = [g0, g1, g2, g3]
    ss = [s0, s1]

    pltpu.sync_copy(y_hbm.at[c].at[pl.ds(s * _RPT, _RPT)],
                    acc_sh.at[pl.ds(s * _RPT, _RPT)])
    plsc.subcore_barrier()

    def _gather(j, k):
        pltpu.async_copy(yp_hbm.at[c].at[src_v.at[j]], rows[k], gs[k])

    def _wait_gather(k):
        pltpu.make_async_copy(yp_hbm.at[c].at[src_v.at[0]], rows[k],
                              gs[k]).wait()

    def _scatter(j, m):
        pltpu.async_copy(conv[m], acc_sh.at[dst_v.at[j]], ss[m], add=True)

    def _wait_scatter(m):
        pltpu.make_async_copy(conv[m], acc_sh.at[dst_v.at[0]], ss[m]).wait()

    def _convert(k, m):
        bf = rows[k]
        cv = conv[m]

        def _row(r, _):
            for g in range(4):
                u = bf[r, pl.ds(g * 16, 16)]
                lo = plsc.bitcast(lax.shift_left(u, 16), jnp.float32)
                hi = plsc.bitcast(
                    jnp.bitwise_and(u, jnp.int32(-65536)), jnp.float32)
                cv[r, pl.ds(g * 16, 16)] = lo
                cv[r, pl.ds(64 + g * 16, 16)] = hi
            return 0

        lax.fori_loop(0, _ECHUNK, _row, 0)

    def _blk(b, _):
        @pl.when(b > 0)
        def _():
            _wait_scatter(0)
            _wait_scatter(1)

        base = s * _ECH_TILE + b * _IDXB
        pltpu.sync_copy(src_hbm.at[pl.ds(base, _IDXB)], src_v)
        pltpu.sync_copy(dst_hbm.at[pl.ds(base, _IDXB)], dst_v)
        for k in range(3):
            _gather(k, k)

        def _grp(q, _):
            for k in range(4):
                j = q * 4 + k
                m = k % 2
                _wait_gather(k)
                kp = (k + 3) % 4
                if k == 0:
                    _gather(j + 3, kp)
                else:
                    @pl.when(q < _GRP - 1)
                    def _():
                        _gather(j + 3, kp)
                if k < 2:
                    @pl.when(q > 0)
                    def _():
                        _wait_scatter(m)
                else:
                    _wait_scatter(m)
                _convert(k, m)
                _scatter(j, m)
            return 0

        lax.fori_loop(0, _GRP, _grp, 0)
        return 0

    lax.fori_loop(0, _NBLK, _blk, 0)
    _wait_scatter(0)
    _wait_scatter(1)
    plsc.subcore_barrier()
    pltpu.sync_copy(acc_sh.at[pl.ds(s * _RPT, _RPT)],
                    out_hbm.at[c].at[pl.ds(s * _RPT, _RPT)])


def _prop_call(y, src2d, dst2d):
    yb = y.astype(jnp.bfloat16)
    yp = lax.bitcast_convert_type(
        jnp.stack([yb[..., :64], yb[..., 64:]], axis=-1), jnp.int32)
    fn = pl.kernel(
        _prop_body,
        out_type=jax.ShapeDtypeStruct((2, _NPAD, 128), _f32),
        mesh=_sc_mesh(),
        compiler_params=pltpu.CompilerParams(
            use_tc_tiling_on_sc=False, needs_layout_passes=False),
        scratch_types=[
            pltpu.VMEM_SHARED((_NPAD, 128), _f32),
            pltpu.VMEM((_IDXB, _ECHUNK), jnp.int32),
            pltpu.VMEM((_IDXB, _ECHUNK), jnp.int32),
            pltpu.VMEM((_ECHUNK, 64), jnp.int32),
            pltpu.VMEM((_ECHUNK, 64), jnp.int32),
            pltpu.VMEM((_ECHUNK, 64), jnp.int32),
            pltpu.VMEM((_ECHUNK, 64), jnp.int32),
            pltpu.VMEM((_ECHUNK, 128), _f32),
            pltpu.VMEM((_ECHUNK, 128), _f32),
            pltpu.SemaphoreType.DMA,
            pltpu.SemaphoreType.DMA,
            pltpu.SemaphoreType.DMA,
            pltpu.SemaphoreType.DMA,
            pltpu.SemaphoreType.DMA,
            pltpu.SemaphoreType.DMA,
        ],
    )
    return fn(y, yp, src2d, dst2d)


def _dinv(deg_ref):
    return lax.rsqrt(deg_ref[0] + deg_ref[1] + 1.0)


def _mm1_body(x_ref, w1_ref, deg_ref, out_ref):
    dinv = _dinv(deg_ref)
    g = jnp.dot(x_ref[...], w1_ref[...],
                preferred_element_type=_f32)
    y = g * dinv
    out_ref[0] = y[:, :128]
    out_ref[1] = y[:, 128:]


def _mm1_call(x, w1, deg3):
    return pl.pallas_call(
        _mm1_body,
        grid=(_NRB,),
        in_specs=[
            pl.BlockSpec((_RB, 128), lambda r: (r, 0)),
            pl.BlockSpec((128, 256), lambda r: (0, 0)),
            pl.BlockSpec((2, _RB, 1), lambda r: (0, r, 0)),
        ],
        out_specs=pl.BlockSpec((2, _RB, 128), lambda r: (0, r, 0)),
        out_shape=jax.ShapeDtypeStruct((2, _NPAD, 128), _f32),
    )(x, w1, deg3)


def _mm2_body(s1_ref, w2_ref, b1_ref, deg_ref, out_ref):
    dinv = _dinv(deg_ref)
    h_lo = jnp.maximum(s1_ref[0] * dinv + b1_ref[0], 0.0)
    h_hi = jnp.maximum(s1_ref[1] * dinv + b1_ref[1], 0.0)
    g = (jnp.dot(h_lo, w2_ref[0], preferred_element_type=_f32)
         + jnp.dot(h_hi, w2_ref[1], preferred_element_type=_f32))
    y = g * dinv
    out_ref[0] = y[:, :128]
    out_ref[1] = y[:, 128:]


def _mm2_call(s1, w2s, b1s, deg3):
    return pl.pallas_call(
        _mm2_body,
        grid=(_NRB,),
        in_specs=[
            pl.BlockSpec((2, _RB, 128), lambda r: (0, r, 0)),
            pl.BlockSpec((2, 128, 256), lambda r: (0, 0, 0)),
            pl.BlockSpec((2, 1, 128), lambda r: (0, 0, 0)),
            pl.BlockSpec((2, _RB, 1), lambda r: (0, r, 0)),
        ],
        out_specs=pl.BlockSpec((2, _RB, 128), lambda r: (0, r, 0)),
        out_shape=jax.ShapeDtypeStruct((2, _NPAD, 128), _f32),
    )(s1, w2s, b1s, deg3)


def _leaky(v):
    return jnp.where(v > 0, v, 0.01 * v)


def _head_body(s2_ref, deg_ref, b2_ref, gam_ref, bet_ref, fw1_ref, fb1_ref,
               fw2_ref, fb2_ref, out_ref):
    dinv = _dinv(deg_ref)
    bn_c = 1.0 / jnp.sqrt(jnp.float32(1.0 + 1e-5))
    h_lo = _leaky(s2_ref[0] * dinv + b2_ref[0]) * (gam_ref[0] * bn_c) + bet_ref[0]
    h_hi = _leaky(s2_ref[1] * dinv + b2_ref[1]) * (gam_ref[1] * bn_c) + bet_ref[1]
    t = (jnp.dot(h_lo, fw1_ref[:128, :], preferred_element_type=_f32)
         + jnp.dot(h_hi, fw1_ref[128:, :], preferred_element_type=_f32)
         + fb1_ref[...])
    t = _leaky(t)
    out_ref[...] = (jnp.dot(t, fw2_ref[...], preferred_element_type=_f32)
                    + fb2_ref[...])


def _head_call(s2, deg3, b2s, gams, bets, fw1, fb1, fw2, fb2):
    return pl.pallas_call(
        _head_body,
        grid=(_NRB,),
        in_specs=[
            pl.BlockSpec((2, _RB, 128), lambda r: (0, r, 0)),
            pl.BlockSpec((2, _RB, 1), lambda r: (0, r, 0)),
            pl.BlockSpec((2, 1, 128), lambda r: (0, 0, 0)),
            pl.BlockSpec((2, 1, 128), lambda r: (0, 0, 0)),
            pl.BlockSpec((2, 1, 128), lambda r: (0, 0, 0)),
            pl.BlockSpec((256, 10), lambda r: (0, 0)),
            pl.BlockSpec((1, 10), lambda r: (0, 0)),
            pl.BlockSpec((10, 5), lambda r: (0, 0)),
            pl.BlockSpec((1, 5), lambda r: (0, 0)),
        ],
        out_specs=pl.BlockSpec((_RB, 5), lambda r: (r, 0)),
        out_shape=jax.ShapeDtypeStruct((_NPAD, 5), _f32),
    )(s2, deg3, b2s, gams, bets, fw1, fb1, fw2, fb2)


def kernel(x, edge_index, W1, b1, W2, b2, gamma, beta, fw1, fb1, fw2, fb2):
    src = edge_index[0]
    dst = edge_index[1]
    npad = _EPAD - _E
    src2d = jnp.concatenate(
        [src, jnp.zeros((npad,), jnp.int32)]).reshape(_NCHUNKS, _CHUNK)
    dst2d = jnp.concatenate(
        [dst, jnp.full((npad,), _N, jnp.int32)]).reshape(_NCHUNKS, _CHUNK)

    deg3 = _deg_call(dst2d).reshape(2, _NPAD, 1)

    x_pad = jnp.concatenate(
        [x, jnp.zeros((_NPAD - _N, x.shape[1]), _f32)], axis=0)
    y1 = _mm1_call(x_pad, W1, deg3)
    srcp = src2d.reshape(_NECH, _ECHUNK)
    dstp = dst2d.reshape(_NECH, _ECHUNK)
    s1 = _prop_call(y1, srcp, dstp)
    y2 = _mm2_call(s1, W2.reshape(2, 128, 256), b1.reshape(2, 1, 128), deg3)
    s2 = _prop_call(y2, srcp, dstp)
    out = _head_call(s2, deg3, b2.reshape(2, 1, 128),
                     gamma.reshape(2, 1, 128), beta.reshape(2, 1, 128),
                     fw1, fb1.reshape(1, 10), fw2, fb2.reshape(1, 5))
    return out[:_N]

# --- scband reference (transcript-rebuilt; emitter-appended) ---
"""Pipeline reference for scband-model-deep-82592221102829 (READ-ONLY COPY).

The authoritative reference and input builder live on the scoring server;
editing this copy changes nothing except your own understanding.
"""

import jax, jax.numpy as jnp
import numpy as np

N = 10000
E = 320000
IN = 128
HID = 256
OUT = 256


def gcn_conv(x, edge_index, W, b, n_nodes):
    # PyG GCNConv: add self-loops, symmetric normalization D^-1/2 (A+I) D^-1/2 X W + b
    src = edge_index[0]
    dst = edge_index[1]
    loop = jnp.arange(n_nodes, dtype=src.dtype)
    src = jnp.concatenate([src, loop])
    dst = jnp.concatenate([dst, loop])
    deg = jnp.zeros((n_nodes,), dtype=x.dtype).at[dst].add(1.0)
    dinv = jnp.where(deg > 0, deg ** -0.5, 0.0)
    norm = dinv[src] * dinv[dst]
    h = x @ W
    msg = h[src] * norm[:, None]
    out = jnp.zeros((n_nodes, W.shape[1]), dtype=x.dtype).at[dst].add(msg)
    return out + b


def setup_inputs(seed: int = 0) -> dict:
    key = jax.random.key(seed)
    ks = jax.random.split(key, 12)
    x = jax.random.normal(ks[0], (N, IN), dtype=jnp.float32)
    edge_index = jax.random.randint(ks[1], (2, E), 0, N, dtype=jnp.int32)
    W1 = jax.random.normal(ks[2], (IN, HID), dtype=jnp.float32) * (1.0 / np.sqrt(IN))
    b1 = jnp.zeros((HID,), dtype=jnp.float32)
    W2 = jax.random.normal(ks[3], (HID, OUT), dtype=jnp.float32) * (1.0 / np.sqrt(HID))
    b2 = jnp.zeros((OUT,), dtype=jnp.float32)
    gamma = jnp.ones((OUT,), dtype=jnp.float32)
    beta = jnp.zeros((OUT,), dtype=jnp.float32)
    fw1 = jax.random.normal(ks[4], (OUT, 10), dtype=jnp.float32) * (1.0 / np.sqrt(OUT))
    fb1 = jnp.zeros((10,), dtype=jnp.float32)
    fw2 = jax.random.normal(ks[5], (10, 5), dtype=jnp.float32) * (1.0 / np.sqrt(10))
    fb2 = jnp.zeros((5,), dtype=jnp.float32)
    return {"x": x, "edge_index": edge_index, "W1": W1, "b1": b1, "W2": W2, "b2": b2,
            "gamma": gamma, "beta": beta, "fw1": fw1, "fb1": fb1, "fw2": fw2, "fb2": fb2}


def reference(x, edge_index, W1, b1, W2, b2, gamma, beta, fw1, fb1, fw2, fb2):
    h = gcn_conv(x, edge_index, W1, b1, N)
    h = jax.nn.relu(h)
    h = gcn_conv(h, edge_index, W2, b2, N)
    h = jax.nn.leaky_relu(h, negative_slope=0.01)
    # BatchNorm1d in eval mode with freshly initialized running stats (mean=0, var=1)
    h = (h - 0.0) / jnp.sqrt(1.0 + 1e-5) * gamma + beta
    # dropout p=0.2 disabled in eval mode
    h = jax.nn.leaky_relu(h @ fw1 + fb1, negative_slope=0.01)
    out = h @ fw2 + fb2
    return out

if __name__ == "__main__":
    import jax
    _d = setup_inputs()
    print(jax.jit(kernel)(*tuple(_d.values())))

</pallas_src>

<mosaic_0001>
#map = affine_map<(d0, d1) -> (0, 0, 0)>
#map1 = affine_map<(d0, d1) -> (0, 0)>
module attributes {stable_mosaic.version = 14 : i64} {
  func.func @_prop_body(%arg0: i32, %arg1: i32, %arg2: memref<2x10240x128xf32, #tpu.memory_space<hbm>>, %arg3: memref<2x10240x64xi32, #tpu.memory_space<hbm>>, %arg4: memref<5120x64xi32, #tpu.memory_space<hbm>>, %arg5: memref<5120x64xi32, #tpu.memory_space<hbm>>, %arg6: memref<2x10240x128xf32, #tpu.memory_space<hbm>>, %arg7: memref<10240x128xf32, #tpu.memory_space<vmem_shared>>, %arg8: memref<64x64xi32, #tpu.memory_space<vmem>>, %arg9: memref<64x64xi32, #tpu.memory_space<vmem>>, %arg10: memref<64x64xi32, #tpu.memory_space<vmem>>, %arg11: memref<64x64xi32, #tpu.memory_space<vmem>>, %arg12: memref<64x64xi32, #tpu.memory_space<vmem>>, %arg13: memref<64x64xi32, #tpu.memory_space<vmem>>, %arg14: memref<64x128xf32, #tpu.memory_space<vmem>>, %arg15: memref<64x128xf32, #tpu.memory_space<vmem>>, %arg16: memref<!tpu.dma_semaphore, #tpu.memory_space<semaphore_mem>>, %arg17: memref<!tpu.dma_semaphore, #tpu.memory_space<semaphore_mem>>, %arg18: memref<!tpu.dma_semaphore, #tpu.memory_space<semaphore_mem>>, %arg19: memref<!tpu.dma_semaphore, #tpu.memory_space<semaphore_mem>>, %arg20: memref<!tpu.dma_semaphore, #tpu.memory_space<semaphore_mem>>, %arg21: memref<!tpu.dma_semaphore, #tpu.memory_space<semaphore_mem>>) attributes {dimension_semantics = [#tpu.dimension_semantics<core_parallel>, #tpu.dimension_semantics<subcore_parallel>], iteration_bounds = array<i64: 2, 16>, scalar_prefetch = 0 : i64, scratch_operands = 15 : i64, tpu.core_type = #tpu.core_type<sc_vector_subcore>, window_params = [{transform_indices = #map}, {transform_indices = #map}, {transform_indices = #map1}, {transform_indices = #map1}, {transform_indices = #map}]} {
    %mul3A = arith.constant 640 : i32
    %mul3A_0 = arith.muli %arg1, %mul3A : i32
    %mul3A_1 = arith.constant 640 : i32
    %mul3A_2 = arith.muli %arg1, %mul3A_1 : i32
    "tpu.region"() ({
      %run_scoped3A = tpu.sem_alloc : memref<!tpu.dma_semaphore, #tpu.memory_space<semaphore_mem>>
      %dma_start3A = arith.constant 0 : i32
      %dma_start3A_27 = tpu.memref_slice %arg7[%mul3A_2, %dma_start3A] : memref<10240x128xf32, #tpu.memory_space<vmem_shared>> -> memref<640x128xf32, #tpu.memory_space<vmem_shared>>
      %dma_start3A_28 = arith.constant 0 : i32
      %dma_start3A_29 = arith.constant 0 : i32
      %dma_start3A_30 = tpu.memref_slice %arg2[%arg0, %dma_start3A_28, %dma_start3A_29] : memref<2x10240x128xf32, #tpu.memory_space<hbm>> -> memref<1x10240x128xf32, #tpu.memory_space<hbm>>
      %dma_start3A_31 = tpu.memref_squeeze %dma_start3A_30 : memref<1x10240x128xf32, #tpu.memory_space<hbm>> -> memref<10240x128xf32, #tpu.memory_space<hbm>>
      %dma_start3A_32 = arith.constant 0 : i32
      %dma_start3A_33 = tpu.memref_slice %dma_start3A_31[%mul3A_0, %dma_start3A_32] : memref<10240x128xf32, #tpu.memory_space<hbm>> -> memref<640x128xf32, #tpu.memory_space<hbm>>
      tpu.enqueue_dma source(%dma_start3A_33 : memref<640x128xf32, #tpu.memory_space<hbm>>) target(%dma_start3A_27 : memref<640x128xf32, #tpu.memory_space<vmem_shared>>) target_semaphore(%run_scoped3A : memref<!tpu.dma_semaphore, #tpu.memory_space<semaphore_mem>>)
      %dma_wait3A_34 = arith.constant 0 : i32
      %dma_wait3A_35 = tpu.memref_slice %arg7[%mul3A_2, %dma_wait3A_34] : memref<10240x128xf32, #tpu.memory_space<vmem_shared>> -> memref<640x128xf32, #tpu.memory_space<vmem_shared>>
      %dma_wait3A_36 = arith.constant 0 : i32
      %dma_wait3A_37 = arith.constant 0 : i32
      %dma_wait3A_38 = tpu.memref_slice %arg2[%arg0, %dma_wait3A_36, %dma_wait3A_37] : memref<2x10240x128xf32, #tpu.memory_space<hbm>> -> memref<1x10240x128xf32, #tpu.memory_space<hbm>>
      %dma_wait3A_39 = tpu.memref_squeeze %dma_wait3A_38 : memref<1x10240x128xf32, #tpu.memory_space<hbm>> -> memref<10240x128xf32, #tpu.memory_space<hbm>>
      %dma_wait3A_40 = arith.constant 0 : i32
      %dma_wait3A_41 = tpu.memref_slice %dma_wait3A_39[%mul3A_0, %dma_wait3A_40] : memref<10240x128xf32, #tpu.memory_space<hbm>> -> memref<640x128xf32, #tpu.memory_space<hbm>>
      tpu.wait_dma2 semaphore(%run_scoped3A : memref<!tpu.dma_semaphore, #tpu.memory_space<semaphore_mem>>) src(%dma_wait3A_41 : memref<640x128xf32, #tpu.memory_space<hbm>>) dst(%dma_wait3A_35 : memref<640x128xf32, #tpu.memory_space<vmem_shared>>)
      tpu.yield
    }) : () -> ()
    %barrier3A = arith.constant 0 : index
    tpu.barrier barrier_id(%barrier3A)
    %scan3A = arith.constant 0 : i32
    %scan3A_3 = arith.constant 0 : i32
    %scan3A_4 = arith.constant 5 : i32
    %scan3A_5 = arith.addi %scan3A_3, %scan3A_4 : i32
    %scan3A_6 = arith.constant 1 : i32
    %scan3A_7 = scf.for %scan3A_27 = %scan3A_3 to %scan3A_5 step %scan3A_6 iter_args(%scan3A_28 = %scan3A) -> (i32)  : i32 {
      %gt3A = arith.constant 0 : i32
      %gt3A_29 = arith.cmpi sgt, %scan3A_27, %gt3A : i32
      %convert_element_type3A = arith.extui %gt3A_29 : i1 to i32
      %cond3A = arith.constant 0 : i32
      %cond3A_30 = arith.cmpi ne, %convert_element_type3A, %cond3A : i32
      scf.if %cond3A_30 {
        %dma_wait3A_75 = arith.constant 0 : i32
        %dma_wait3A_76 = arith.constant 0 : i32
        %dma_wait3A_77 = tpu.memref_slice %arg9[%dma_wait3A_75, %dma_wait3A_76] : memref<64x64xi32, #tpu.memory_space<vmem>> -> memref<1x64xi32, #tpu.memory_space<vmem>>
        %dma_wait3A_78 = tpu.memref_squeeze %dma_wait3A_77 : memref<1x64xi32, #tpu.memory_space<vmem>> -> memref<64xi32, #tpu.memory_space<vmem>>
        %dma_wait3A_79 = arith.constant 0 : i32
        %dma_wait3A_80 = arith.constant 0 : i32
        %dma_wait3A_81 = tpu.memref_slice %arg7[%dma_wait3A_79, %dma_wait3A_80] : memref<10240x128xf32, #tpu.memory_space<vmem_shared>> -> memref<10240x128xf32, #tpu.memory_space<vmem_shared>>
        tpu.wait_indirect_dma semaphore(%arg20 : memref<!tpu.dma_semaphore, #tpu.memory_space<semaphore_mem>>) src(%arg14 : memref<64x128xf32, #tpu.memory_space<vmem>>) dst(%dma_wait3A_81 : memref<10240x128xf32, #tpu.memory_space<vmem_shared>>)
        %dma_wait3A_82 = arith.constant 0 : i32
        %dma_wait3A_83 = arith.constant 0 : i32
        %dma_wait3A_84 = tpu.memref_slice %arg9[%dma_wait3A_82, %dma_wait3A_83] : memref<64x64xi32, #tpu.memory_space<vmem>> -> memref<1x64xi32, #tpu.memory_space<vmem>>
        %dma_wait3A_85 = tpu.memref_squeeze %dma_wait3A_84 : memref<1x64xi32, #tpu.memory_space<vmem>> -> memref<64xi32, #tpu.memory_space<vmem>>
        %dma_wait3A_86 = arith.constant 0 : i32
        %dma_wait3A_87 = arith.constant 0 : i32
        %dma_wait3A_88 = tpu.memref_slice %arg7[%dma_wait3A_86, %dma_wait3A_87] : memref<10240x128xf32, #tpu.memory_space<vmem_shared>> -> memref<10240x128xf32, #tpu.memory_space<vmem_shared>>
        tpu.wait_indirect_dma semaphore(%arg21 : memref<!tpu.dma_semaphore, #tpu.memory_space<semaphore_mem>>) src(%arg15 : memref<64x128xf32, #tpu.memory_space<vmem>>) dst(%dma_wait3A_88 : memref<10240x128xf32, #tpu.memory_space<vmem_shared>>)
      } else {
      }
      %mul3A_31 = arith.constant 320 : i32
      %mul3A_32 = arith.muli %arg1, %mul3A_31 : i32
      %mul3A_33 = arith.constant 64 : i32
      %mul3A_34 = arith.muli %scan3A_27, %mul3A_33 : i32
      %add3A = arith.addi %mul3A_32, %mul3A_34 : i32
      "tpu.region"() ({
        %run_scoped3A = tpu.sem_alloc : memref<!tpu.dma_semaphore, #tpu.memory_space<semaphore_mem>>
        %dma_start3A_75 = arith.constant 0 : i32
        %dma_start3A_76 = tpu.memref_slice %arg4[%add3A, %dma_start3A_75] : memref<5120x64xi32, #tpu.memory_space<hbm>> -> memref<64x64xi32, #tpu.memory_space<hbm>>
        %dma_start3A_77 = arith.constant 0 : i32
        %dma_start3A_78 = tpu.memref_slice %arg4[%add3A, %dma_start3A_77] : memref<5120x64xi32, #tpu.memory_space<hbm>> -> memref<64x64xi32, #tpu.memory_space<hbm>>
        tpu.enqueue_dma source(%dma_start3A_78 : memref<64x64xi32, #tpu.memory_space<hbm>>) target(%arg8 : memref<64x64xi32, #tpu.memory_space<vmem>>) target_semaphore(%run_scoped3A : memref<!tpu.dma_semaphore, #tpu.memory_space<semaphore_mem>>)
        %dma_wait3A_79 = arith.constant 0 : i32
        %dma_wait3A_80 = tpu.memref_slice %arg4[%add3A, %dma_wait3A_79] : memref<5120x64xi32, #tpu.memory_space<hbm>> -> memref<64x64xi32, #tpu.memory_space<hbm>>
        %dma_wait3A_81 = arith.constant 0 : i32
        %dma_wait3A_82 = tpu.memref_slice %arg4[%add3A, %dma_wait3A_81] : memref<5120x64xi32, #tpu.memory_space<hbm>> -> memref<64x64xi32, #tpu.memory_space<hbm>>
        tpu.wait_dma2 semaphore(%run_scoped3A : memref<!tpu.dma_semaphore, #tpu.memory_space<semaphore_mem>>) src(%dma_wait3A_82 : memref<64x64xi32, #tpu.memory_space<hbm>>) dst(%arg8 : memref<64x64xi32, #tpu.memory_space<vmem>>)
        tpu.yield
      }) : () -> ()
      "tpu.region"() ({
        %run_scoped3A = tpu.sem_alloc : memref<!tpu.dma_semaphore, #tpu.memory_space<semaphore_mem>>
        %dma_start3A_75 = arith.constant 0 : i32
        %dma_start3A_76 = tpu.memref_slice %arg5[%add3A, %dma_start3A_75] : memref<5120x64xi32, #tpu.memory_space<hbm>> -> memref<64x64xi32, #tpu.memory_space<hbm>>
        %dma_start3A_77 = arith.constant 0 : i32
        %dma_start3A_78 = tpu.memref_slice %arg5[%add3A, %dma_start3A_77] : memref<5120x64xi32, #tpu.memory_space<hbm>> -> memref<64x64xi32, #tpu.memory_space<hbm>>
        tpu.enqueue_dma source(%dma_start3A_78 : memref<64x64xi32, #tpu.memory_space<hbm>>) target(%arg9 : memref<64x64xi32, #tpu.memory_space<vmem>>) target_semaphore(%run_scoped3A : memref<!tpu.dma_semaphore, #tpu.memory_space<semaphore_mem>>)
        %dma_wait3A_79 = arith.constant 0 : i32
        %dma_wait3A_80 = tpu.memref_slice %arg5[%add3A, %dma_wait3A_79] : memref<5120x64xi32, #tpu.memory_space<hbm>> -> memref<64x64xi32, #tpu.memory_space<hbm>>
        %dma_wait3A_81 = arith.constant 0 : i32
        %dma_wait3A_82 = tpu.memref_slice %arg5[%add3A, %dma_wait3A_81] : memref<5120x64xi32, #tpu.memory_space<hbm>> -> memref<64x64xi32, #tpu.memory_space<hbm>>
        tpu.wait_dma2 semaphore(%run_scoped3A : memref<!tpu.dma_semaphore, #tpu.memory_space<semaphore_mem>>) src(%dma_wait3A_82 : memref<64x64xi32, #tpu.memory_space<hbm>>) dst(%arg9 : memref<64x64xi32, #tpu.memory_space<vmem>>)
        tpu.yield
      }) : () -> ()
      %dma_start3A = arith.constant 0 : i32
      %dma_start3A_35 = arith.constant 0 : i32
      %dma_start3A_36 = tpu.memref_slice %arg8[%dma_start3A, %dma_start3A_35] : memref<64x64xi32, #tpu.memory_space<vmem>> -> memref<1x64xi32, #tpu.memory_space<vmem>>
      %dma_start3A_37 = tpu.memref_squeeze %dma_start3A_36 : memref<1x64xi32, #tpu.memory_space<vmem>> -> memref<64xi32, #tpu.memory_space<vmem>>
      %dma_start3A_38 = arith.constant 0 : i32
      %dma_start3A_39 = arith.constant 0 : i32
      %dma_start3A_40 = tpu.memref_slice %arg3[%arg0, %dma_start3A_38, %dma_start3A_39] : memref<2x10240x64xi32, #tpu.memory_space<hbm>> -> memref<1x10240x64xi32, #tpu.memory_space<hbm>>
      %dma_start3A_41 = tpu.memref_squeeze %dma_start3A_40 : memref<1x10240x64xi32, #tpu.memory_space<hbm>> -> memref<10240x64xi32, #tpu.memory_space<hbm>>
      %dma_start3A_42 = arith.constant 0 : i32
      %dma_start3A_43 = arith.constant 0 : i32
      %dma_start3A_44 = tpu.memref_slice %dma_start3A_41[%dma_start3A_42, %dma_start3A_43] : memref<10240x64xi32, #tpu.memory_space<hbm>> -> memref<10240x64xi32, #tpu.memory_space<hbm>>
      tpu.enqueue_indirect_dma source(%dma_start3A_44 : memref<10240x64xi32, #tpu.memory_space<hbm>>) target(%arg10 : memref<64x64xi32, #tpu.memory_space<vmem>>) offsets(%dma_start3A_37 : memref<64xi32, #tpu.memory_space<vmem>>) semaphore(%arg16 : memref<!tpu.dma_semaphore, #tpu.memory_space<semaphore_mem>>)
      %dma_start3A_45 = arith.constant 1 : i32
      %dma_start3A_46 = arith.constant 0 : i32
      %dma_start3A_47 = tpu.memref_slice %arg8[%dma_start3A_45, %dma_start3A_46] : memref<64x64xi32, #tpu.memory_space<vmem>> -> memref<1x64xi32, #tpu.memory_space<vmem>>
      %dma_start3A_48 = tpu.memref_squeeze %dma_start3A_47 : memref<1x64xi32, #tpu.memory_space<vmem>> -> memref<64xi32, #tpu.memory_space<vmem>>
      %dma_start3A_49 = arith.constant 0 : i32
      %dma_start3A_50 = arith.constant 0 : i32
      %dma_start3A_51 = tpu.memref_slice %arg3[%arg0, %dma_start3A_49, %dma_start3A_50] : memref<2x10240x64xi32, #tpu.memory_space<hbm>> -> memref<1x10240x64xi32, #tpu.memory_space<hbm>>
      %dma_start3A_52 = tpu.memref_squeeze %dma_start3A_51 : memref<1x10240x64xi32, #tpu.memory_space<hbm>> -> memref<10240x64xi32, #tpu.memory_space<hbm>>
      %dma_start3A_53 = arith.constant 0 : i32
      %dma_start3A_54 = arith.constant 0 : i32
      %dma_start3A_55 = tpu.memref_slice %dma_start3A_52[%dma_start3A_53, %dma_start3A_54] : memref<10240x64xi32, #tpu.memory_space<hbm>> -> memref<10240x64xi32, #tpu.memory_space<hbm>>
      tpu.enqueue_indirect_dma source(%dma_start3A_55 : memref<10240x64xi32, #tpu.memory_space<hbm>>) target(%arg11 : memref<64x64xi32, #tpu.memory_space<vmem>>) offsets(%dma_start3A_48 : memref<64xi32, #tpu.memory_space<vmem>>) semaphore(%arg17 : memref<!tpu.dma_semaphore, #tpu.memory_space<semaphore_mem>>)
      %dma_start3A_56 = arith.constant 2 : i32
      %dma_start3A_57 = arith.constant 0 : i32
      %dma_start3A_58 = tpu.memref_slice %arg8[%dma_start3A_56, %dma_start3A_57] : memref<64x64xi32, #tpu.memory_space<vmem>> -> memref<1x64xi32, #tpu.memory_space<vmem>>
      %dma_start3A_59 = tpu.memref_squeeze %dma_start3A_58 : memref<1x64xi32, #tpu.memory_space<vmem>> -> memref<64xi32, #tpu.memory_space<vmem>>
      %dma_start3A_60 = arith.constant 0 : i32
      %dma_start3A_61 = arith.constant 0 : i32
      %dma_start3A_62 = tpu.memref_slice %arg3[%arg0, %dma_start3A_60, %dma_start3A_61] : memref<2x10240x64xi32, #tpu.memory_space<hbm>> -> memref<1x10240x64xi32, #tpu.memory_space<hbm>>
      %dma_start3A_63 = tpu.memref_squeeze %dma_start3A_62 : memref<1x10240x64xi32, #tpu.memory_space<hbm>> -> memref<10240x64xi32, #tpu.memory_space<hbm>>
      %dma_start3A_64 = arith.constant 0 : i32
      %dma_start3A_65 = arith.constant 0 : i32
      %dma_start3A_66 = tpu.memref_slice %dma_start3A_63[%dma_start3A_64, %dma_start3A_65] : memref<10240x64xi32, #tpu.memory_space<hbm>> -> memref<10240x64xi32, #tpu.memory_space<hbm>>
      tpu.enqueue_indirect_dma source(%dma_start3A_66 : memref<10240x64xi32, #tpu.memory_space<hbm>>) target(%arg12 : memref<64x64xi32, #tpu.memory_space<vmem>>) offsets(%dma_start3A_59 : memref<64xi32, #tpu.memory_space<vmem>>) semaphore(%arg18 : memref<!tpu.dma_semaphore, #tpu.memory_space<semaphore_mem>>)
      %scan3A_67 = arith.constant 0 : i32
      %scan3A_68 = arith.constant 0 : i32
      %scan3A_69 = arith.constant 16 : i32
      %scan3A_70 = arith.addi %scan3A_68, %scan3A_69 : i32
      %scan3A_71 = arith.constant 1 : i32
      %scan3A_72 = scf.for %scan3A_75 = %scan3A_68 to %scan3A_70 step %scan3A_71 iter_args(%scan3A_76 = %scan3A_67) -> (i32)  : i32 {
        %mul3A_77 = arith.constant 4 : i32
        %mul3A_78 = arith.muli %scan3A_75, %mul3A_77 : i32
        %add3A_79 = arith.constant 0 : i32
        %add3A_80 = arith.addi %mul3A_78, %add3A_79 : i32
        %dma_wait3A_81 = arith.constant 0 : i32
        %dma_wait3A_82 = arith.constant 0 : i32
        %dma_wait3A_83 = tpu.memref_slice %arg8[%dma_wait3A_81, %dma_wait3A_82] : memref<64x64xi32, #tpu.memory_space<vmem>> -> memref<1x64xi32, #tpu.memory_space<vmem>>
        %dma_wait3A_84 = tpu.memref_squeeze %dma_wait3A_83 : memref<1x64xi32, #tpu.memory_space<vmem>> -> memref<64xi32, #tpu.memory_space<vmem>>
        %dma_wait3A_85 = arith.constant 0 : i32
        %dma_wait3A_86 = arith.constant 0 : i32
        %dma_wait3A_87 = tpu.memref_slice %arg3[%arg0, %dma_wait3A_85, %dma_wait3A_86] : memref<2x10240x64xi32, #tpu.memory_space<hbm>> -> memref<1x10240x64xi32, #tpu.memory_space<hbm>>
        %dma_wait3A_88 = tpu.memref_squeeze %dma_wait3A_87 : memref<1x10240x64xi32, #tpu.memory_space<hbm>> -> memref<10240x64xi32, #tpu.memory_space<hbm>>
        %dma_wait3A_89 = arith.constant 0 : i32
        %dma_wait3A_90 = arith.constant 0 : i32
        %dma_wait3A_91 = tpu.memref_slice %dma_wait3A_88[%dma_wait3A_89, %dma_wait3A_90] : memref<10240x64xi32, #tpu.memory_space<hbm>> -> memref<10240x64xi32, #tpu.memory_space<hbm>>
        tpu.wait_indirect_dma semaphore(%arg16 : memref<!tpu.dma_semaphore, #tpu.memory_space<semaphore_mem>>) src(%dma_wait3A_91 : memref<10240x64xi32, #tpu.memory_space<hbm>>) dst(%arg10 : memref<64x64xi32, #tpu.memory_space<vmem>>)
        %add3A_92 = arith.constant 3 : i32
        %add3A_93 = arith.addi %add3A_80, %add3A_92 : i32
        %dma_start3A_94 = arith.constant 0 : i32
        %dma_start3A_95 = tpu.memref_slice %arg8[%add3A_93, %dma_start3A_94] : memref<64x64xi32, #tpu.memory_space<vmem>> -> memref<1x64xi32, #tpu.memory_space<vmem>>
        %dma_start3A_96 = tpu.memref_squeeze %dma_start3A_95 : memref<1x64xi32, #tpu.memory_space<vmem>> -> memref<64xi32, #tpu.memory_space<vmem>>
        %dma_start3A_97 = arith.constant 0 : i32
        %dma_start3A_98 = arith.constant 0 : i32
        %dma_start3A_99 = tpu.memref_slice %arg3[%arg0, %dma_start3A_97, %dma_start3A_98] : memref<2x10240x64xi32, #tpu.memory_space<hbm>> -> memref<1x10240x64xi32, #tpu.memory_space<hbm>>
        %dma_start3A_100 = tpu.memref_squeeze %dma_start3A_99 : memref<1x10240x64xi32, #tpu.memory_space<hbm>> -> memref<10240x64xi32, #tpu.memory_space<hbm>>
        %dma_start3A_101 = arith.constant 0 : i32
        %dma_start3A_102 = arith.constant 0 : i32
        %dma_start3A_103 = tpu.memref_slice %dma_start3A_100[%dma_start3A_101, %dma_start3A_102] : memref<10240x64xi32, #tpu.memory_space<hbm>> -> memref<10240x64xi32, #tpu.memory_space<hbm>>
        tpu.enqueue_indirect_dma source(%dma_start3A_103 : memref<10240x64xi32, #tpu.memory_space<hbm>>) target(%arg13 : memref<64x64xi32, #tpu.memory_space<vmem>>) offsets(%dma_start3A_96 : memref<64xi32, #tpu.memory_space<vmem>>) semaphore(%arg19 : memref<!tpu.dma_semaphore, #tpu.memory_space<semaphore_mem>>)
        %gt3A_104 = arith.constant 0 : i32
        %gt3A_105 = arith.cmpi sgt, %scan3A_75, %gt3A_104 : i32
        %convert_element_type3A_106 = arith.extui %gt3A_105 : i1 to i32
        %cond3A_107 = arith.constant 0 : i32
        %cond3A_108 = arith.cmpi ne, %convert_element_type3A_106, %cond3A_107 : i32
        scf.if %cond3A_108 {
          %dma_wait3A_240 = arith.constant 0 : i32
          %dma_wait3A_241 = arith.constant 0 : i32
          %dma_wait3A_242 = tpu.memref_slice %arg9[%dma_wait3A_240, %dma_wait3A_241] : memref<64x64xi32, #tpu.memory_space<vmem>> -> memref<1x64xi32, #tpu.memory_space<vmem>>
          %dma_wait3A_243 = tpu.memref_squeeze %dma_wait3A_242 : memref<1x64xi32, #tpu.memory_space<vmem>> -> memref<64xi32, #tpu.memory_space<vmem>>
          %dma_wait3A_244 = arith.constant 0 : i32
          %dma_wait3A_245 = arith.constant 0 : i32
          %dma_wait3A_246 = tpu.memref_slice %arg7[%dma_wait3A_244, %dma_wait3A_245] : memref<10240x128xf32, #tpu.memory_space<vmem_shared>> -> memref<10240x128xf32, #tpu.memory_space<vmem_shared>>
          tpu.wait_indirect_dma semaphore(%arg20 : memref<!tpu.dma_semaphore, #tpu.memory_space<semaphore_mem>>) src(%arg14 : memref<64x128xf32, #tpu.memory_space<vmem>>) dst(%dma_wait3A_246 : memref<10240x128xf32, #tpu.memory_space<vmem_shared>>)
        } else {
        }
        %scan3A_109 = arith.constant 0 : i32
        %scan3A_110 = arith.constant 0 : i32
        %scan3A_111 = arith.constant 64 : i32
        %scan3A_112 = arith.addi %scan3A_110, %scan3A_111 : i32
        %scan3A_113 = arith.constant 1 : i32
        %scan3A_114 = scf.for %scan3A_240 = %scan3A_110 to %scan3A_112 step %scan3A_113 iter_args(%scan3A_241 = %scan3A_109) -> (i32)  : i32 {
          %get3A = arith.index_cast %scan3A_240 : i32 to index
          %get3A_242 = arith.constant 0 : index
          %get3A_243 = tpu.vector_load %arg10[%get3A, %get3A_242] {strides = array<i32>} : memref<64x64xi32, #tpu.memory_space<vmem>>, vector<16xi32>,
          %shift_left3A = arith.constant 16 : i32
          %shift_left3A_244 = vector.broadcast %shift_left3A : i32 to vector<16xi32>
          %shift_left3A_245 = arith.shli %get3A_243, %shift_left3A_244 : vector<16xi32>
          %bitcast3A = vector.bitcast %shift_left3A_245 : vector<16xi32> to vector<16xf32>
          %and3A = arith.constant -65536 : i32
          %and3A_246 = vector.broadcast %and3A : i32 to vector<16xi32>
          %and3A_247 = arith.andi %get3A_243, %and3A_246 : vector<16xi32>
          %bitcast3A_248 = vector.bitcast %and3A_247 : vector<16xi32> to vector<16xf32>
          %swap3A = arith.index_cast %scan3A_240 : i32 to index
          %swap3A_249 = arith.constant 0 : index
          %swap3A_250 = tpu.vector_load %arg14[%swap3A, %swap3A_249] {strides = array<i32>} : memref<64x128xf32, #tpu.memory_space<vmem>>, vector<16xf32>,
          tpu.vector_store %arg14[%swap3A, %swap3A_249], %bitcast3A {strides = array<i32>} : memref<64x128xf32, #tpu.memory_space<vmem>>, vector<16xf32>,
          %swap3A_251 = arith.index_cast %scan3A_240 : i32 to index
          %swap3A_252 = arith.constant 64 : index
          %swap3A_253 = tpu.vector_load %arg14[%swap3A_251, %swap3A_252] {strides = array<i32>} : memref<64x128xf32, #tpu.memory_space<vmem>>, vector<16xf32>,
          tpu.vector_store %arg14[%swap3A_251, %swap3A_252], %bitcast3A_248 {strides = array<i32>} : memref<64x128xf32, #tpu.memory_space<vmem>>, vector<16xf32>,
          %get3A_254 = arith.index_cast %scan3A_240 : i32 to index
          %get3A_255 = arith.constant 16 : index
          %get3A_256 = tpu.vector_load %arg10[%get3A_254, %get3A_255] {strides = array<i32>} : memref<64x64xi32, #tpu.memory_space<vmem>>, vector<16xi32>,
          %shift_left3A_257 = arith.constant 16 : i32
          %shift_left3A_258 = vector.broadcast %shift_left3A_257 : i32 to vector<16xi32>
          %shift_left3A_259 = arith.shli %get3A_256, %shift_left3A_258 : vector<16xi32>
          %bitcast3A_260 = vector.bitcast %shift_left3A_259 : vector<16xi32> to vector<16xf32>
          %and3A_261 = arith.constant -65536 : i32
          %and3A_262 = vector.broadcast %and3A_261 : i32 to vector<16xi32>
          %and3A_263 = arith.andi %get3A_256, %and3A_262 : vector<16xi32>
          %bitcast3A_264 = vector.bitcast %and3A_263 : vector<16xi32> to vector<16xf32>
          %swap3A_265 = arith.index_cast %scan3A_240 : i32 to index
          %swap3A_266 = arith.constant 16 : index
          %swap3A_267 = tpu.vector_load %arg14[%swap3A_265, %swap3A_266] {strides = array<i32>} : memref<64x128xf32, #tpu.memory_space<vmem>>, vector<16xf32>,
          tpu.vector_store %arg14[%swap3A_265, %swap3A_266], %bitcast3A_260 {strides = array<i32>} : memref<64x128xf32, #tpu.memory_space<vmem>>, vector<16xf32>,
          %swap3A_268 = arith.index_cast %scan3A_240 : i32 to index
          %swap3A_269 = arith.constant 80 : index
          %swap3A_270 = tpu.vector_load %arg14[%swap3A_268, %swap3A_269] {strides = array<i32>} : memref<64x128xf32, #tpu.memory_space<vmem>>, vector<16xf32>,
          tpu.vector_store %arg14[%swap3A_268, %swap3A_269], %bitcast3A_264 {strides = array<i32>} : memref<64x128xf32, #tpu.memory_space<vmem>>, vector<16xf32>,
          %get3A_271 = arith.index_cast %scan3A_240 : i32 to index
          %get3A_272 = arith.constant 32 : index
          %get3A_273 = tpu.vector_load %arg10[%get3A_271, %get3A_272] {strides = array<i32>} : memref<64x64xi32, #tpu.memory_space<vmem>>, vector<16xi32>,
          %shift_left3A_274 = arith.constant 16 : i32
          %shift_left3A_275 = vector.broadcast %shift_left3A_274 : i32 to vector<16xi32>
          %shift_left3A_276 = arith.shli %get3A_273, %shift_left3A_275 : vector<16xi32>
          %bitcast3A_277 = vector.bitcast %shift_left3A_276 : vector<16xi32> to vector<16xf32>
          %and3A_278 = arith.constant -65536 : i32
          %and3A_279 = vector.broadcast %and3A_278 : i32 to vector<16xi32>
          %and3A_280 = arith.andi %get3A_273, %and3A_279 : vector<16xi32>
          %bitcast3A_281 = vector.bitcast %and3A_280 : vector<16xi32> to vector<16xf32>
          %swap3A_282 = arith.index_cast %scan3A_240 : i32 to index
          %swap3A_283 = arith.constant 32 : index
          %swap3A_284 = tpu.vector_load %arg14[%swap3A_282, %swap3A_283] {strides = array<i32>} : memref<64x128xf32, #tpu.memory_space<vmem>>, vector<16xf32>,
          tpu.vector_store %arg14[%swap3A_282, %swap3A_283], %bitcast3A_277 {strides = array<i32>} : memref<64x128xf32, #tpu.memory_space<vmem>>, vector<16xf32>,
          %swap3A_285 = arith.index_cast %scan3A_240 : i32 to index
          %swap3A_286 = arith.constant 96 : index
          %swap3A_287 = tpu.vector_load %arg14[%swap3A_285, %swap3A_286] {strides = array<i32>} : memref<64x128xf32, #tpu.memory_space<vmem>>, vector<16xf32>,
          tpu.vector_store %arg14[%swap3A_285, %swap3A_286], %bitcast3A_281 {strides = array<i32>} : memref<64x128xf32, #tpu.memory_space<vmem>>, vector<16xf32>,
          %get3A_288 = arith.index_cast %scan3A_240 : i32 to index
          %get3A_289 = arith.constant 48 : index
          %get3A_290 = tpu.vector_load %arg10[%get3A_288, %get3A_289] {strides = array<i32>} : memref<64x64xi32, #tpu.memory_space<vmem>>, vector<16xi32>,
          %shift_left3A_291 = arith.constant 16 : i32
          %shift_left3A_292 = vector.broadcast %shift_left3A_291 : i32 to vector<16xi32>
          %shift_left3A_293 = arith.shli %get3A_290, %shift_left3A_292 : vector<16xi32>
          %bitcast3A_294 = vector.bitcast %shift_left3A_293 : vector<16xi32> to vector<16xf32>
          %and3A_295 = arith.constant -65536 : i32
          %and3A_296 = vector.broadcast %and3A_295 : i32 to vector<16xi32>
          %and3A_297 = arith.andi %get3A_290, %and3A_296 : vector<16xi32>
          %bitcast3A_298 = vector.bitcast %and3A_297 : vector<16xi32> to vector<16xf32>
          %swap3A_299 = arith.index_cast %scan3A_240 : i32 to index
          %swap3A_300 = arith.constant 48 : index
          %swap3A_301 = tpu.vector_load %arg14[%swap3A_299, %swap3A_300] {strides = array<i32>} : memref<64x128xf32, #tpu.memory_space<vmem>>, vector<16xf32>,
          tpu.vector_store %arg14[%swap3A_299, %swap3A_300], %bitcast3A_294 {strides = array<i32>} : memref<64x128xf32, #tpu.memory_space<vmem>>, vector<16xf32>,
          %swap3A_302 = arith.index_cast %scan3A_240 : i32 to index
          %swap3A_303 = arith.constant 112 : index
          %swap3A_304 = tpu.vector_load %arg14[%swap3A_302, %swap3A_303] {strides = array<i32>} : memref<64x128xf32, #tpu.memory_space<vmem>>, vector<16xf32>,
          tpu.vector_store %arg14[%swap3A_302, %swap3A_303], %bitcast3A_298 {strides = array<i32>} : memref<64x128xf32, #tpu.memory_space<vmem>>, vector<16xf32>,
          %scan3A_305 = arith.constant 0 : i32
          scf.yield %scan3A_305 : i32
        }
        %scan3A_115 = arith.constant 64 : i32
        %dma_start3A_116 = arith.constant 0 : i32
        %dma_start3A_117 = tpu.memref_slice %arg9[%add3A_80, %dma_start3A_116] : memref<64x64xi32, #tpu.memory_space<vmem>> -> memref<1x64xi32, #tpu.memory_space<vmem>>
        %dma_start3A_118 = tpu.memref_squeeze %dma_start3A_117 : memref<1x64xi32, #tpu.memory_space<vmem>> -> memref<64xi32, #tpu.memory_space<vmem>>
        %dma_start3A_119 = arith.constant 0 : i32
        %dma_start3A_120 = arith.constant 0 : i32
        %dma_start3A_121 = tpu.memref_slice %arg7[%dma_start3A_119, %dma_start3A_120] : memref<10240x128xf32, #tpu.memory_space<vmem_shared>> -> memref<10240x128xf32, #tpu.memory_space<vmem_shared>>
        tpu.enqueue_indirect_dma source(%arg14 : memref<64x128xf32, #tpu.memory_space<vmem>>) target(%dma_start3A_121 : memref<10240x128xf32, #tpu.memory_space<vmem_shared>>) offsets(%dma_start3A_118 : memref<64xi32, #tpu.memory_space<vmem>>) semaphore(%arg20 : memref<!tpu.dma_semaphore, #tpu.memory_space<semaphore_mem>>) {add = true}
        %mul3A_122 = arith.constant 4 : i32
        %mul3A_123 = arith.muli %scan3A_75, %mul3A_122 : i32
        %add3A_124 = arith.constant 1 : i32
        %add3A_125 = arith.addi %mul3A_123, %add3A_124 : i32
        %dma_wait3A_126 = arith.constant 0 : i32
        %dma_wait3A_127 = arith.constant 0 : i32
        %dma_wait3A_128 = tpu.memref_slice %arg8[%dma_wait3A_126, %dma_wait3A_127] : memref<64x64xi32, #tpu.memory_space<vmem>> -> memref<1x64xi32, #tpu.memory_space<vmem>>
        %dma_wait3A_129 = tpu.memref_squeeze %dma_wait3A_128 : memref<1x64xi32, #tpu.memory_space<vmem>> -> memref<64xi32, #tpu.memory_space<vmem>>
        %dma_wait3A_130 = arith.constant 0 : i32
        %dma_wait3A_131 = arith.constant 0 : i32
        %dma_wait3A_132 = tpu.memref_slice %arg3[%arg0, %dma_wait3A_130, %dma_wait3A_131] : memref<2x10240x64xi32, #tpu.memory_space<hbm>> -> memref<1x10240x64xi32, #tpu.memory_space<hbm>>
        %dma_wait3A_133 = tpu.memref_squeeze %dma_wait3A_132 : memref<1x10240x64xi32, #tpu.memory_space<hbm>> -> memref<10240x64xi32, #tpu.memory_space<hbm>>
        %dma_wait3A_134 = arith.constant 0 : i32
        %dma_wait3A_135 = arith.constant 0 : i32
        %dma_wait3A_136 = tpu.memref_slice %dma_wait3A_133[%dma_wait3A_134, %dma_wait3A_135] : memref<10240x64xi32, #tpu.memory_space<hbm>> -> memref<10240x64xi32, #tpu.memory_space<hbm>>
        tpu.wait_indirect_dma semaphore(%arg17 : memref<!tpu.dma_semaphore, #tpu.memory_space<semaphore_mem>>) src(%dma_wait3A_136 : memref<10240x64xi32, #tpu.memory_space<hbm>>) dst(%arg11 : memref<64x64xi32, #tpu.memory_space<vmem>>)
        %lt3A = arith.constant 15 : i32
        %lt3A_137 = arith.cmpi slt, %scan3A_75, %lt3A : i32
        %convert_element_type3A_138 = arith.extui %lt3A_137 : i1 to i32
        %cond3A_139 = arith.constant 0 : i32
        %cond3A_140 = arith.cmpi ne, %convert_element_type3A_138, %cond3A_139 : i32
        scf.if %cond3A_140 {
          %add3A_240 = arith.constant 3 : i32
          %add3A_241 = arith.addi %add3A_125, %add3A_240 : i32
          %dma_start3A_242 = arith.constant 0 : i32
          %dma_start3A_243 = tpu.memref_slice %arg8[%add3A_241, %dma_start3A_242] : memref<64x64xi32, #tpu.memory_space<vmem>> -> memref<1x64xi32, #tpu.memory_space<vmem>>
          %dma_start3A_244 = tpu.memref_squeeze %dma_start3A_243 : memref<1x64xi32, #tpu.memory_space<vmem>> -> memref<64xi32, #tpu.memory_space<vmem>>
          %dma_start3A_245 = arith.constant 0 : i32
          %dma_start3A_246 = arith.constant 0 : i32
          %dma_start3A_247 = tpu.memref_slice %arg3[%arg0, %dma_start3A_245, %dma_start3A_246] : memref<2x10240x64xi32, #tpu.memory_space<hbm>> -> memref<1x10240x64xi32, #tpu.memory_space<hbm>>
          %dma_start3A_248 = tpu.memref_squeeze %dma_start3A_247 : memref<1x10240x64xi32, #tpu.memory_space<hbm>> -> memref<10240x64xi32, #tpu.memory_space<hbm>>
          %dma_start3A_249 = arith.constant 0 : i32
          %dma_start3A_250 = arith.constant 0 : i32
          %dma_start3A_251 = tpu.memref_slice %dma_start3A_248[%dma_start3A_249, %dma_start3A_250] : memref<10240x64xi32, #tpu.memory_space<hbm>> -> memref<10240x64xi32, #tpu.memory_space<hbm>>
          tpu.enqueue_indirect_dma source(%dma_start3A_251 : memref<10240x64xi32, #tpu.memory_space<hbm>>) target(%arg10 : memref<64x64xi32, #tpu.memory_space<vmem>>) offsets(%dma_start3A_244 : memref<64xi32, #tpu.memory_space<vmem>>) semaphore(%arg16 : memref<!tpu.dma_semaphore, #tpu.memory_space<semaphore_mem>>)
        } else {
        }
        %gt3A_141 = arith.constant 0 : i32
        %gt3A_142 = arith.cmpi sgt, %scan3A_75, %gt3A_141 : i32
        %convert_element_type3A_143 = arith.extui %gt3A_142 : i1 to i32
        %cond3A_144 = arith.constant 0 : i32
        %cond3A_145 = arith.cmpi ne, %convert_element_type3A_143, %cond3A_144 : i32
        scf.if %cond3A_145 {
          %dma_wait3A_240 = arith.constant 0 : i32
          %dma_wait3A_241 = arith.constant 0 : i32
          %dma_wait3A_242 = tpu.memref_slice %arg9[%dma_wait3A_240, %dma_wait3A_241] : memref<64x64xi32, #tpu.memory_space<vmem>> -> memref<1x64xi32, #tpu.memory_space<vmem>>
          %dma_wait3A_243 = tpu.memref_squeeze %dma_wait3A_242 : memref<1x64xi32, #tpu.memory_space<vmem>> -> memref<64xi32, #tpu.memory_space<vmem>>
          %dma_wait3A_244 = arith.constant 0 : i32
          %dma_wait3A_245 = arith.constant 0 : i32
          %dma_wait3A_246 = tpu.memref_slice %arg7[%dma_wait3A_244, %dma_wait3A_245] : memref<10240x128xf32, #tpu.memory_space<vmem_shared>> -> memref<10240x128xf32, #tpu.memory_space<vmem_shared>>
          tpu.wait_indirect_dma semaphore(%arg21 : memref<!tpu.dma_semaphore, #tpu.memory_space<semaphore_mem>>) src(%arg15 : memref<64x128xf32, #tpu.memory_space<vmem>>) dst(%dma_wait3A_246 : memref<10240x128xf32, #tpu.memory_space<vmem_shared>>)
        } else {
        }
        %scan3A_146 = arith.constant 0 : i32
        %scan3A_147 = arith.constant 0 : i32
        %scan3A_148 = arith.constant 64 : i32
        %scan3A_149 = arith.addi %scan3A_147, %scan3A_148 : i32
        %scan3A_150 = arith.constant 1 : i32
        %scan3A_151 = scf.for %scan3A_240 = %scan3A_147 to %scan3A_149 step %scan3A_150 iter_args(%scan3A_241 = %scan3A_146) -> (i32)  : i32 {
          %get3A = arith.index_cast %scan3A_240 : i32 to index
          %get3A_242 = arith.constant 0 : index
          %get3A_243 = tpu.vector_load %arg11[%get3A, %get3A_242] {strides = array<i32>} : memref<64x64xi32, #tpu.memory_space<vmem>>, vector<16xi32>,
          %shift_left3A = arith.constant 16 : i32
          %shift_left3A_244 = vector.broadcast %shift_left3A : i32 to vector<16xi32>
          %shift_left3A_245 = arith.shli %get3A_243, %shift_left3A_244 : vector<16xi32>
          %bitcast3A = vector.bitcast %shift_left3A_245 : vector<16xi32> to vector<16xf32>
          %and3A = arith.constant -65536 : i32
          %and3A_246 = vector.broadcast %and3A : i32 to vector<16xi32>
          %and3A_247 = arith.andi %get3A_243, %and3A_246 : vector<16xi32>
          %bitcast3A_248 = vector.bitcast %and3A_247 : vector<16xi32> to vector<16xf32>
          %swap3A = arith.index_cast %scan3A_240 : i32 to index
          %swap3A_249 = arith.constant 0 : index
          %swap3A_250 = tpu.vector_load %arg15[%swap3A, %swap3A_249] {strides = array<i32>} : memref<64x128xf32, #tpu.memory_space<vmem>>, vector<16xf32>,
          tpu.vector_store %arg15[%swap3A, %swap3A_249], %bitcast3A {strides = array<i32>} : memref<64x128xf32, #tpu.memory_space<vmem>>, vector<16xf32>,
          %swap3A_251 = arith.index_cast %scan3A_240 : i32 to index
          %swap3A_252 = arith.constant 64 : index
          %swap3A_253 = tpu.vector_load %arg15[%swap3A_251, %swap3A_252] {strides = array<i32>} : memref<64x128xf32, #tpu.memory_space<vmem>>, vector<16xf32>,
          tpu.vector_store %arg15[%swap3A_251, %swap3A_252], %bitcast3A_248 {strides = array<i32>} : memref<64x128xf32, #tpu.memory_space<vmem>>, vector<16xf32>,
          %get3A_254 = arith.index_cast %scan3A_240 : i32 to index
          %get3A_255 = arith.constant 16 : index
          %get3A_256 = tpu.vector_load %arg11[%get3A_254, %get3A_255] {strides = array<i32>} : memref<64x64xi32, #tpu.memory_space<vmem>>, vector<16xi32>,
          %shift_left3A_257 = arith.constant 16 : i32
          %shift_left3A_258 = vector.broadcast %shift_left3A_257 : i32 to vector<16xi32>
          %shift_left3A_259 = arith.shli %get3A_256, %shift_left3A_258 : vector<16xi32>
          %bitcast3A_260 = vector.bitcast %shift_left3A_259 : vector<16xi32> to vector<16xf32>
          %and3A_261 = arith.constant -65536 : i32
          %and3A_262 = vector.broadcast %and3A_261 : i32 to vector<16xi32>
          %and3A_263 = arith.andi %get3A_256, %and3A_262 : vector<16xi32>
          %bitcast3A_264 = vector.bitcast %and3A_263 : vector<16xi32> to vector<16xf32>
          %swap3A_265 = arith.index_cast %scan3A_240 : i32 to index
          %swap3A_266 = arith.constant 16 : index
          %swap3A_267 = tpu.vector_load %arg15[%swap3A_265, %swap3A_266] {strides = array<i32>} : memref<64x128xf32, #tpu.memory_space<vmem>>, vector<16xf32>,
          tpu.vector_store %arg15[%swap3A_265, %swap3A_266], %bitcast3A_260 {strides = array<i32>} : memref<64x128xf32, #tpu.memory_space<vmem>>, vector<16xf32>,
          %swap3A_268 = arith.index_cast %scan3A_240 : i32 to index
          %swap3A_269 = arith.constant 80 : index
          %swap3A_270 = tpu.vector_load %arg15[%swap3A_268, %swap3A_269] {strides = array<i32>} : memref<64x128xf32, #tpu.memory_space<vmem>>, vector<16xf32>,
          tpu.vector_store %arg15[%swap3A_268, %swap3A_269], %bitcast3A_264 {strides = array<i32>} : memref<64x128xf32, #tpu.memory_space<vmem>>, vector<16xf32>,
          %get3A_271 = arith.index_cast %scan3A_240 : i32 to index
          %get3A_272 = arith.constant 32 : index
          %get3A_273 = tpu.vector_load %arg11[%get3A_271, %get3A_272] {strides = array<i32>} : memref<64x64xi32, #tpu.memory_space<vmem>>, vector<16xi32>,
          %shift_left3A_274 = arith.constant 16 : i32
          %shift_left3A_275 = vector.broadcast %shift_left3A_274 : i32 to vector<16xi32>
          %shift_left3A_276 = arith.shli %get3A_273, %shift_left3A_275 : vector<16xi32>
          %bitcast3A_277 = vector.bitcast %shift_left3A_276 : vector<16xi32> to vector<16xf32>
          %and3A_278 = arith.constant -65536 : i32
          %and3A_279 = vector.broadcast %and3A_278 : i32 to vector<16xi32>
          %and3A_280 = arith.andi %get3A_273, %and3A_279 : vector<16xi32>
          %bitcast3A_281 = vector.bitcast %and3A_280 : vector<16xi32> to vector<16xf32>
          %swap3A_282 = arith.index_cast %scan3A_240 : i32 to index
          %swap3A_283 = arith.constant 32 : index
          %swap3A_284 = tpu.vector_load %arg15[%swap3A_282, %swap3A_283] {strides = array<i32>} : memref<64x128xf32, #tpu.memory_space<vmem>>, vector<16xf32>,
          tpu.vector_store %arg15[%swap3A_282, %swap3A_283], %bitcast3A_277 {strides = array<i32>} : memref<64x128xf32, #tpu.memory_space<vmem>>, vector<16xf32>,
          %swap3A_285 = arith.index_cast %scan3A_240 : i32 to index
          %swap3A_286 = arith.constant 96 : index
          %swap3A_287 = tpu.vector_load %arg15[%swap3A_285, %swap3A_286] {strides = array<i32>} : memref<64x128xf32, #tpu.memory_space<vmem>>, vector<16xf32>,
          tpu.vector_store %arg15[%swap3A_285, %swap3A_286], %bitcast3A_281 {strides = array<i32>} : memref<64x128xf32, #tpu.memory_space<vmem>>, vector<16xf32>,
          %get3A_288 = arith.index_cast %scan3A_240 : i32 to index
          %get3A_289 = arith.constant 48 : index
          %get3A_290 = tpu.vector_load %arg11[%get3A_288, %get3A_289] {strides = array<i32>} : memref<64x64xi32, #tpu.memory_space<vmem>>, vector<16xi32>,
          %shift_left3A_291 = arith.constant 16 : i32
          %shift_left3A_292 = vector.broadcast %shift_left3A_291 : i32 to vector<16xi32>
          %shift_left3A_293 = arith.shli %get3A_290, %shift_left3A_292 : vector<16xi32>
          %bitcast3A_294 = vector.bitcast %shift_left3A_293 : vector<16xi32> to vector<16xf32>
          %and3A_295 = arith.constant -65536 : i32
          %and3A_296 = vector.broadcast %and3A_295 : i32 to vector<16xi32>
          %and3A_297 = arith.andi %get3A_290, %and3A_296 : vector<16xi32>
          %bitcast3A_298 = vector.bitcast %and3A_297 : vector<16xi32> to vector<16xf32>
          %swap3A_299 = arith.index_cast %scan3A_240 : i32 to index
          %swap3A_300 = arith.constant 48 : index
          %swap3A_301 = tpu.vector_load %arg15[%swap3A_299, %swap3A_300] {strides = array<i32>} : memref<64x128xf32, #tpu.memory_space<vmem>>, vector<16xf32>,
          tpu.vector_store %arg15[%swap3A_299, %swap3A_300], %bitcast3A_294 {strides = array<i32>} : memref<64x128xf32, #tpu.memory_space<vmem>>, vector<16xf32>,
          %swap3A_302 = arith.index_cast %scan3A_240 : i32 to index
          %swap3A_303 = arith.constant 112 : index
          %swap3A_304 = tpu.vector_load %arg15[%swap3A_302, %swap3A_303] {strides = array<i32>} : memref<64x128xf32, #tpu.memory_space<vmem>>, vector<16xf32>,
          tpu.vector_store %arg15[%swap3A_302, %swap3A_303], %bitcast3A_298 {strides = array<i32>} : memref<64x128xf32, #tpu.memory_space<vmem>>, vector<16xf32>,
          %scan3A_305 = arith.constant 0 : i32
          scf.yield %scan3A_305 : i32
        }
        %scan3A_152 = arith.constant 64 : i32
        %dma_start3A_153 = arith.constant 0 : i32
        %dma_start3A_154 = tpu.memref_slice %arg9[%add3A_125, %dma_start3A_153] : memref<64x64xi32, #tpu.memory_space<vmem>> -> memref<1x64xi32, #tpu.memory_space<vmem>>
        %dma_start3A_155 = tpu.memref_squeeze %dma_start3A_154 : memref<1x64xi32, #tpu.memory_space<vmem>> -> memref<64xi32, #tpu.memory_space<vmem>>
        %dma_start3A_156 = arith.constant 0 : i32
        %dma_start3A_157 = arith.constant 0 : i32
        %dma_start3A_158 = tpu.memref_slice %arg7[%dma_start3A_156, %dma_start3A_157] : memref<10240x128xf32, #tpu.memory_space<vmem_shared>> -> memref<10240x128xf32, #tpu.memory_space<vmem_shared>>
        tpu.enqueue_indirect_dma source(%arg15 : memref<64x128xf32, #tpu.memory_space<vmem>>) target(%dma_start3A_158 : memref<10240x128xf32, #tpu.memory_space<vmem_shared>>) offsets(%dma_start3A_155 : memref<64xi32, #tpu.memory_space<vmem>>) semaphore(%arg21 : memref<!tpu.dma_semaphore, #tpu.memory_space<semaphore_mem>>) {add = true}
        %mul3A_159 = arith.constant 4 : i32
        %mul3A_160 = arith.muli %scan3A_75, %mul3A_159 : i32
        %add3A_161 = arith.constant 2 : i32
        %add3A_162 = arith.addi %mul3A_160, %add3A_161 : i32
        %dma_wait3A_163 = arith.constant 0 : i32
        %dma_wait3A_164 = arith.constant 0 : i32
        %dma_wait3A_165 = tpu.memref_slice %arg8[%dma_wait3A_163, %dma_wait3A_164] : memref<64x64xi32, #tpu.memory_space<vmem>> -> memref<1x64xi32, #tpu.memory_space<vmem>>
        %dma_wait3A_166 = tpu.memref_squeeze %dma_wait3A_165 : memref<1x64xi32, #tpu.memory_space<vmem>> -> memref<64xi32, #tpu.memory_space<vmem>>
        %dma_wait3A_167 = arith.constant 0 : i32
        %dma_wait3A_168 = arith.constant 0 : i32
        %dma_wait3A_169 = tpu.memref_slice %arg3[%arg0, %dma_wait3A_167, %dma_wait3A_168] : memref<2x10240x64xi32, #tpu.memory_space<hbm>> -> memref<1x10240x64xi32, #tpu.memory_space<hbm>>
        %dma_wait3A_170 = tpu.memref_squeeze %dma_wait3A_169 : memref<1x10240x64xi32, #tpu.memory_space<hbm>> -> memref<10240x64xi32, #tpu.memory_space<hbm>>
        %dma_wait3A_171 = arith.constant 0 : i32
        %dma_wait3A_172 = arith.constant 0 : i32
        %dma_wait3A_173 = tpu.memref_slice %dma_wait3A_170[%dma_wait3A_171, %dma_wait3A_172] : memref<10240x64xi32, #tpu.memory_space<hbm>> -> memref<10240x64xi32, #tpu.memory_space<hbm>>
        tpu.wait_indirect_dma semaphore(%arg18 : memref<!tpu.dma_semaphore, #tpu.memory_space<semaphore_mem>>) src(%dma_wait3A_173 : memref<10240x64xi32, #tpu.memory_space<hbm>>) dst(%arg12 : memref<64x64xi32, #tpu.memory_space<vmem>>)
        %lt3A_174 = arith.constant 15 : i32
        %lt3A_175 = arith.cmpi slt, %scan3A_75, %lt3A_174 : i32
        %convert_element_type3A_176 = arith.extui %lt3A_175 : i1 to i32
        %cond3A_177 = arith.constant 0 : i32
        %cond3A_178 = arith.cmpi ne, %convert_element_type3A_176, %cond3A_177 : i32
        scf.if %cond3A_178 {
          %add3A_240 = arith.constant 3 : i32
          %add3A_241 = arith.addi %add3A_162, %add3A_240 : i32
          %dma_start3A_242 = arith.constant 0 : i32
          %dma_start3A_243 = tpu.memref_slice %arg8[%add3A_241, %dma_start3A_242] : memref<64x64xi32, #tpu.memory_space<vmem>> -> memref<1x64xi32, #tpu.memory_space<vmem>>
          %dma_start3A_244 = tpu.memref_squeeze %dma_start3A_243 : memref<1x64xi32, #tpu.memory_space<vmem>> -> memref<64xi32, #tpu.memory_space<vmem>>
          %dma_start3A_245 = arith.constant 0 : i32
          %dma_start3A_246 = arith.constant 0 : i32
          %dma_start3A_247 = tpu.memref_slice %arg3[%arg0, %dma_start3A_245, %dma_start3A_246] : memref<2x10240x64xi32, #tpu.memory_space<hbm>> -> memref<1x10240x64xi32, #tpu.memory_space<hbm>>
          %dma_start3A_248 = tpu.memref_squeeze %dma_start3A_247 : memref<1x10240x64xi32, #tpu.memory_space<hbm>> -> memref<10240x64xi32, #tpu.memory_space<hbm>>
          %dma_start3A_249 = arith.constant 0 : i32
          %dma_start3A_250 = arith.constant 0 : i32
          %dma_start3A_251 = tpu.memref_slice %dma_start3A_248[%dma_start3A_249, %dma_start3A_250] : memref<10240x64xi32, #tpu.memory_space<hbm>> -> memref<10240x64xi32, #tpu.memory_space<hbm>>
          tpu.enqueue_indirect_dma source(%dma_start3A_251 : memref<10240x64xi32, #tpu.memory_space<hbm>>) target(%arg11 : memref<64x64xi32, #tpu.memory_space<vmem>>) offsets(%dma_start3A_244 : memref<64xi32, #tpu.memory_space<vmem>>) semaphore(%arg17 : memref<!tpu.dma_semaphore, #tpu.memory_space<semaphore_mem>>)
        } else {
        }
        %dma_wait3A_179 = arith.constant 0 : i32
        %dma_wait3A_180 = arith.constant 0 : i32
        %dma_wait3A_181 = tpu.memref_slice %arg9[%dma_wait3A_179, %dma_wait3A_180] : memref<64x64xi32, #tpu.memory_space<vmem>> -> memref<1x64xi32, #tpu.memory_space<vmem>>
        %dma_wait3A_182 = tpu.memref_squeeze %dma_wait3A_181 : memref<1x64xi32, #tpu.memory_space<vmem>> -> memref<64xi32, #tpu.memory_space<vmem>>
        %dma_wait3A_183 = arith.constant 0 : i32
        %dma_wait3A_184 = arith.constant 0 : i32
        %dma_wait3A_185 = tpu.memref_slice %arg7[%dma_wait3A_183, %dma_wait3A_184] : memref<10240x128xf32, #tpu.memory_space<vmem_shared>> -> memref<10240x128xf32, #tpu.memory_space<vmem_shared>>
        tpu.wait_indirect_dma semaphore(%arg20 : memref<!tpu.dma_semaphore, #tpu.memory_space<semaphore_mem>>) src(%arg14 : memref<64x128xf32, #tpu.memory_space<vmem>>) dst(%dma_wait3A_185 : memref<10240x128xf32, #tpu.memory_space<vmem_shared>>)
        %scan3A_186 = arith.constant 0 : i32
        %scan3A_187 = arith.constant 0 : i32
        %scan3A_188 = arith.constant 64 : i32
        %scan3A_189 = arith.addi %scan3A_187, %scan3A_188 : i32
        %scan3A_190 = arith.constant 1 : i32
        %scan3A_191 = scf.for %scan3A_240 = %scan3A_187 to %scan3A_189 step %scan3A_190 iter_args(%scan3A_241 = %scan3A_186) -> (i32)  : i32 {
          %get3A = arith.index_cast %scan3A_240 : i32 to index
          %get3A_242 = arith.constant 0 : index
          %get3A_243 = tpu.vector_load %arg12[%get3A, %get3A_242] {strides = array<i32>} : memref<64x64xi32, #tpu.memory_space<vmem>>, vector<16xi32>,
          %shift_left3A = arith.constant 16 : i32
          %shift_left3A_244 = vector.broadcast %shift_left3A : i32 to vector<16xi32>
          %shift_left3A_245 = arith.shli %get3A_243, %shift_left3A_244 : vector<16xi32>
          %bitcast3A = vector.bitcast %shift_left3A_245 : vector<16xi32> to vector<16xf32>
          %and3A = arith.constant -65536 : i32
          %and3A_246 = vector.broadcast %and3A : i32 to vector<16xi32>
          %and3A_247 = arith.andi %get3A_243, %and3A_246 : vector<16xi32>
          %bitcast3A_248 = vector.bitcast %and3A_247 : vector<16xi32> to vector<16xf32>
          %swap3A = arith.index_cast %scan3A_240 : i32 to index
          %swap3A_249 = arith.constant 0 : index
          %swap3A_250 = tpu.vector_load %arg14[%swap3A, %swap3A_249] {strides = array<i32>} : memref<64x128xf32, #tpu.memory_space<vmem>>, vector<16xf32>,
          tpu.vector_store %arg14[%swap3A, %swap3A_249], %bitcast3A {strides = array<i32>} : memref<64x128xf32, #tpu.memory_space<vmem>>, vector<16xf32>,
          %swap3A_251 = arith.index_cast %scan3A_240 : i32 to index
          %swap3A_252 = arith.constant 64 : index
          %swap3A_253 = tpu.vector_load %arg14[%swap3A_251, %swap3A_252] {strides = array<i32>} : memref<64x128xf32, #tpu.memory_space<vmem>>, vector<16xf32>,
          tpu.vector_store %arg14[%swap3A_251, %swap3A_252], %bitcast3A_248 {strides = array<i32>} : memref<64x128xf32, #tpu.memory_space<vmem>>, vector<16xf32>,
          %get3A_254 = arith.index_cast %scan3A_240 : i32 to index
          %get3A_255 = arith.constant 16 : index
          %get3A_256 = tpu.vector_load %arg12[%get3A_254, %get3A_255] {strides = array<i32>} : memref<64x64xi32, #tpu.memory_space<vmem>>, vector<16xi32>,
          %shift_left3A_257 = arith.constant 16 : i32
          %shift_left3A_258 = vector.broadcast %shift_left3A_257 : i32 to vector<16xi32>
          %shift_left3A_259 = arith.shli %get3A_256, %shift_left3A_258 : vector<16xi32>
          %bitcast3A_260 = vector.bitcast %shift_left3A_259 : vector<16xi32> to vector<16xf32>
          %and3A_261 = arith.constant -65536 : i32
          %and3A_262 = vector.broadcast %and3A_261 : i32 to vector<16xi32>
          %and3A_263 = arith.andi %get3A_256, %and3A_262 : vector<16xi32>
          %bitcast3A_264 = vector.bitcast %and3A_263 : vector<16xi32> to vector<16xf32>
          %swap3A_265 = arith.index_cast %scan3A_240 : i32 to index
          %swap3A_266 = arith.constant 16 : index
          %swap3A_267 = tpu.vector_load %arg14[%swap3A_265, %swap3A_266] {strides = array<i32>} : memref<64x128xf32, #tpu.memory_space<vmem>>, vector<16xf32>,
          tpu.vector_store %arg14[%swap3A_265, %swap3A_266], %bitcast3A_260 {strides = array<i32>} : memref<64x128xf32, #tpu.memory_space<vmem>>, vector<16xf32>,
          %swap3A_268 = arith.index_cast %scan3A_240 : i32 to index
          %swap3A_269 = arith.constant 80 : index
          %swap3A_270 = tpu.vector_load %arg14[%swap3A_268, %swap3A_269] {strides = array<i32>} : memref<64x128xf32, #tpu.memory_space<vmem>>, vector<16xf32>,
          tpu.vector_store %arg14[%swap3A_268, %swap3A_269], %bitcast3A_264 {strides = array<i32>} : memref<64x128xf32, #tpu.memory_space<vmem>>, vector<16xf32>,
          %get3A_271 = arith.index_cast %scan3A_240 : i32 to index
          %get3A_272 = arith.constant 32 : index
          %get3A_273 = tpu.vector_load %arg12[%get3A_271, %get3A_272] {strides = array<i32>} : memref<64x64xi32, #tpu.memory_space<vmem>>, vector<16xi32>,
          %shift_left3A_274 = arith.constant 16 : i32
          %shift_left3A_275 = vector.broadcast %shift_left3A_274 : i32 to vector<16xi32>
          %shift_left3A_276 = arith.shli %get3A_273, %shift_left3A_275 : vector<16xi32>
          %bitcast3A_277 = vector.bitcast %shift_left3A_276 : vector<16xi32> to vector<16xf32>
          %and3A_278 = arith.constant -65536 : i32
          %and3A_279 = vector.broadcast %and3A_278 : i32 to vector<16xi32>
          %and3A_280 = arith.andi %get3A_273, %and3A_279 : vector<16xi32>
          %bitcast3A_281 = vector.bitcast %and3A_280 : vector<16xi32> to vector<16xf32>
          %swap3A_282 = arith.index_cast %scan3A_240 : i32 to index
          %swap3A_283 = arith.constant 32 : index
          %swap3A_284 = tpu.vector_load %arg14[%swap3A_282, %swap3A_283] {strides = array<i32>} : memref<64x128xf32, #tpu.memory_space<vmem>>, vector<16xf32>,
          tpu.vector_store %arg14[%swap3A_282, %swap3A_283], %bitcast3A_277 {strides = array<i32>} : memref<64x128xf32, #tpu.memory_space<vmem>>, vector<16xf32>,
          %swap3A_285 = arith.index_cast %scan3A_240 : i32 to index
          %swap3A_286 = arith.constant 96 : index
          %swap3A_287 = tpu.vector_load %arg14[%swap3A_285, %swap3A_286] {strides = array<i32>} : memref<64x128xf32, #tpu.memory_space<vmem>>, vector<16xf32>,
          tpu.vector_store %arg14[%swap3A_285, %swap3A_286], %bitcast3A_281 {strides = array<i32>} : memref<64x128xf32, #tpu.memory_space<vmem>>, vector<16xf32>,
          %get3A_288 = arith.index_cast %scan3A_240 : i32 to index
          %get3A_289 = arith.constant 48 : index
          %get3A_290 = tpu.vector_load %arg12[%get3A_288, %get3A_289] {strides = array<i32>} : memref<64x64xi32, #tpu.memory_space<vmem>>, vector<16xi32>,
          %shift_left3A_291 = arith.constant 16 : i32
          %shift_left3A_292 = vector.broadcast %shift_left3A_291 : i32 to vector<16xi32>
          %shift_left3A_293 = arith.shli %get3A_290, %shift_left3A_292 : vector<16xi32>
          %bitcast3A_294 = vector.bitcast %shift_left3A_293 : vector<16xi32> to vector<16xf32>
          %and3A_295 = arith.constant -65536 : i32
          %and3A_296 = vector.broadcast %and3A_295 : i32 to vector<16xi32>
          %and3A_297 = arith.andi %get3A_290, %and3A_296 : vector<16xi32>
          %bitcast3A_298 = vector.bitcast %and3A_297 : vector<16xi32> to vector<16xf32>
          %swap3A_299 = arith.index_cast %scan3A_240 : i32 to index
          %swap3A_300 = arith.constant 48 : index
          %swap3A_301 = tpu.vector_load %arg14[%swap3A_299, %swap3A_300] {strides = array<i32>} : memref<64x128xf32, #tpu.memory_space<vmem>>, vector<16xf32>,
          tpu.vector_store %arg14[%swap3A_299, %swap3A_300], %bitcast3A_294 {strides = array<i32>} : memref<64x128xf32, #tpu.memory_space<vmem>>, vector<16xf32>,
          %swap3A_302 = arith.index_cast %scan3A_240 : i32 to index
          %swap3A_303 = arith.constant 112 : index
          %swap3A_304 = tpu.vector_load %arg14[%swap3A_302, %swap3A_303] {strides = array<i32>} : memref<64x128xf32, #tpu.memory_space<vmem>>, vector<16xf32>,
          tpu.vector_store %arg14[%swap3A_302, %swap3A_303], %bitcast3A_298 {strides = array<i32>} : memref<64x128xf32, #tpu.memory_space<vmem>>, vector<16xf32>,
          %scan3A_305 = arith.constant 0 : i32
          scf.yield %scan3A_305 : i32
        }
        %scan3A_192 = arith.constant 64 : i32
        %dma_start3A_193 = arith.constant 0 : i32
        %dma_start3A_194 = tpu.memref_slice %arg9[%add3A_162, %dma_start3A_193] : memref<64x64xi32, #tpu.memory_space<vmem>> -> memref<1x64xi32, #tpu.memory_space<vmem>>
        %dma_start3A_195 = tpu.memref_squeeze %dma_start3A_194 : memref<1x64xi32, #tpu.memory_space<vmem>> -> memref<64xi32, #tpu.memory_space<vmem>>
        %dma_start3A_196 = arith.constant 0 : i32
        %dma_start3A_197 = arith.constant 0 : i32
        %dma_start3A_198 = tpu.memref_slice %arg7[%dma_start3A_196, %dma_start3A_197] : memref<10240x128xf32, #tpu.memory_space<vmem_shared>> -> memref<10240x128xf32, #tpu.memory_space<vmem_shared>>
        tpu.enqueue_indirect_dma source(%arg14 : memref<64x128xf32, #tpu.memory_space<vmem>>) target(%dma_start3A_198 : memref<10240x128xf32, #tpu.memory_space<vmem_shared>>) offsets(%dma_start3A_195 : memref<64xi32, #tpu.memory_space<vmem>>) semaphore(%arg20 : memref<!tpu.dma_semaphore, #tpu.memory_space<semaphore_mem>>) {add = true}
        %mul3A_199 = arith.constant 4 : i32
        %mul3A_200 = arith.muli %scan3A_75, %mul3A_199 : i32
        %add3A_201 = arith.constant 3 : i32
        %add3A_202 = arith.addi %mul3A_200, %add3A_201 : i32
        %dma_wait3A_203 = arith.constant 0 : i32
        %dma_wait3A_204 = arith.constant 0 : i32
        %dma_wait3A_205 = tpu.memref_slice %arg8[%dma_wait3A_203, %dma_wait3A_204] : memref<64x64xi32, #tpu.memory_space<vmem>> -> memref<1x64xi32, #tpu.memory_space<vmem>>
        %dma_wait3A_206 = tpu.memref_squeeze %dma_wait3A_205 : memref<1x64xi32, #tpu.memory_space<vmem>> -> memref<64xi32, #tpu.memory_space<vmem>>
        %dma_wait3A_207 = arith.constant 0 : i32
        %dma_wait3A_208 = arith.constant 0 : i32
        %dma_wait3A_209 = tpu.memref_slice %arg3[%arg0, %dma_wait3A_207, %dma_wait3A_208] : memref<2x10240x64xi32, #tpu.memory_space<hbm>> -> memref<1x10240x64xi32, #tpu.memory_space<hbm>>
        %dma_wait3A_210 = tpu.memref_squeeze %dma_wait3A_209 : memref<1x10240x64xi32, #tpu.memory_space<hbm>> -> memref<10240x64xi32, #tpu.memory_space<hbm>>
        %dma_wait3A_211 = arith.constant 0 : i32
        %dma_wait3A_212 = arith.constant 0 : i32
        %dma_wait3A_213 = tpu.memref_slice %dma_wait3A_210[%dma_wait3A_211, %dma_wait3A_212] : memref<10240x64xi32, #tpu.memory_space<hbm>> -> memref<10240x64xi32, #tpu.memory_space<hbm>>
        tpu.wait_indirect_dma semaphore(%arg19 : memref<!tpu.dma_semaphore, #tpu.memory_space<semaphore_mem>>) src(%dma_wait3A_213 : memref<10240x64xi32, #tpu.memory_space<hbm>>) dst(%arg13 : memref<64x64xi32, #tpu.memory_space<vmem>>)
        %lt3A_214 = arith.constant 15 : i32
        %lt3A_215 = arith.cmpi slt, %scan3A_75, %lt3A_214 : i32
        %convert_element_type3A_216 = arith.extui %lt3A_215 : i1 to i32
        %cond3A_217 = arith.constant 0 : i32
        %cond3A_218 = arith.cmpi ne, %convert_element_type3A_216, %cond3A_217 : i32
        scf.if %cond3A_218 {
          %add3A_240 = arith.constant 3 : i32
          %add3A_241 = arith.addi %add3A_202, %add3A_240 : i32
          %dma_start3A_242 = arith.constant 0 : i32
          %dma_start3A_243 = tpu.memref_slice %arg8[%add3A_241, %dma_start3A_242] : memref<64x64xi32, #tpu.memory_space<vmem>> -> memref<1x64xi32, #tpu.memory_space<vmem>>
          %dma_start3A_244 = tpu.memref_squeeze %dma_start3A_243 : memref<1x64xi32, #tpu.memory_space<vmem>> -> memref<64xi32, #tpu.memory_space<vmem>>
          %dma_start3A_245 = arith.constant 0 : i32
          %dma_start3A_246 = arith.constant 0 : i32
          %dma_start3A_247 = tpu.memref_slice %arg3[%arg0, %dma_start3A_245, %dma_start3A_246] : memref<2x10240x64xi32, #tpu.memory_space<hbm>> -> memref<1x10240x64xi32, #tpu.memory_space<hbm>>
          %dma_start3A_248 = tpu.memref_squeeze %dma_start3A_247 : memref<1x10240x64xi32, #tpu.memory_space<hbm>> -> memref<10240x64xi32, #tpu.memory_space<hbm>>
          %dma_start3A_249 = arith.constant 0 : i32
          %dma_start3A_250 = arith.constant 0 : i32
          %dma_start3A_251 = tpu.memref_slice %dma_start3A_248[%dma_start3A_249, %dma_start3A_250] : memref<10240x64xi32, #tpu.memory_space<hbm>> -> memref<10240x64xi32, #tpu.memory_space<hbm>>
          tpu.enqueue_indirect_dma source(%dma_start3A_251 : memref<10240x64xi32, #tpu.memory_space<hbm>>) target(%arg12 : memref<64x64xi32, #tpu.memory_space<vmem>>) offsets(%dma_start3A_244 : memref<64xi32, #tpu.memory_space<vmem>>) semaphore(%arg18 : memref<!tpu.dma_semaphore, #tpu.memory_space<semaphore_mem>>)
        } else {
        }
        %dma_wait3A_219 = arith.constant 0 : i32
        %dma_wait3A_220 = arith.constant 0 : i32
        %dma_wait3A_221 = tpu.memref_slice %arg9[%dma_wait3A_219, %dma_wait3A_220] : memref<64x64xi32, #tpu.memory_space<vmem>> -> memref<1x64xi32, #tpu.memory_space<vmem>>
        %dma_wait3A_222 = tpu.memref_squeeze %dma_wait3A_221 : memref<1x64xi32, #tpu.memory_space<vmem>> -> memref<64xi32, #tpu.memory_space<vmem>>
        %dma_wait3A_223 = arith.constant 0 : i32
        %dma_wait3A_224 = arith.constant 0 : i32
        %dma_wait3A_225 = tpu.memref_slice %arg7[%dma_wait3A_223, %dma_wait3A_224] : memref<10240x128xf32, #tpu.memory_space<vmem_shared>> -> memref<10240x128xf32, #tpu.memory_space<vmem_shared>>
        tpu.wait_indirect_dma semaphore(%arg21 : memref<!tpu.dma_semaphore, #tpu.memory_space<semaphore_mem>>) src(%arg15 : memref<64x128xf32, #tpu.memory_space<vmem>>) dst(%dma_wait3A_225 : memref<10240x128xf32, #tpu.memory_space<vmem_shared>>)
        %scan3A_226 = arith.constant 0 : i32
        %scan3A_227 = arith.constant 0 : i32
        %scan3A_228 = arith.constant 64 : i32
        %scan3A_229 = arith.addi %scan3A_227, %scan3A_228 : i32
        %scan3A_230 = arith.constant 1 : i32
        %scan3A_231 = scf.for %scan3A_240 = %scan3A_227 to %scan3A_229 step %scan3A_230 iter_args(%scan3A_241 = %scan3A_226) -> (i32)  : i32 {
          %get3A = arith.index_cast %scan3A_240 : i32 to index
          %get3A_242 = arith.constant 0 : index
          %get3A_243 = tpu.vector_load %arg13[%get3A, %get3A_242] {strides = array<i32>} : memref<64x64xi32, #tpu.memory_space<vmem>>, vector<16xi32>,
          %shift_left3A = arith.constant 16 : i32
          %shift_left3A_244 = vector.broadcast %shift_left3A : i32 to vector<16xi32>
          %shift_left3A_245 = arith.shli %get3A_243, %shift_left3A_244 : vector<16xi32>
          %bitcast3A = vector.bitcast %shift_left3A_245 : vector<16xi32> to vector<16xf32>
          %and3A = arith.constant -65536 : i32
          %and3A_246 = vector.broadcast %and3A : i32 to vector<16xi32>
          %and3A_247 = arith.andi %get3A_243, %and3A_246 : vector<16xi32>
          %bitcast3A_248 = vector.bitcast %and3A_247 : vector<16xi32> to vector<16xf32>
          %swap3A = arith.index_cast %scan3A_240 : i32 to index
          %swap3A_249 = arith.constant 0 : index
          %swap3A_250 = tpu.vector_load %arg15[%swap3A, %swap3A_249] {strides = array<i32>} : memref<64x128xf32, #tpu.memory_space<vmem>>, vector<16xf32>,
          tpu.vector_store %arg15[%swap3A, %swap3A_249], %bitcast3A {strides = array<i32>} : memref<64x128xf32, #tpu.memory_space<vmem>>, vector<16xf32>,
          %swap3A_251 = arith.index_cast %scan3A_240 : i32 to index
          %swap3A_252 = arith.constant 64 : index
          %swap3A_253 = tpu.vector_load %arg15[%swap3A_251, %swap3A_252] {strides = array<i32>} : memref<64x128xf32, #tpu.memory_space<vmem>>, vector<16xf32>,
          tpu.vector_store %arg15[%swap3A_251, %swap3A_252], %bitcast3A_248 {strides = array<i32>} : memref<64x128xf32, #tpu.memory_space<vmem>>, vector<16xf32>,
          %get3A_254 = arith.index_cast %scan3A_240 : i32 to index
          %get3A_255 = arith.constant 16 : index
          %get3A_256 = tpu.vector_load %arg13[%get3A_254, %get3A_255] {strides = array<i32>} : memref<64x64xi32, #tpu.memory_space<vmem>>, vector<16xi32>,
          %shift_left3A_257 = arith.constant 16 : i32
          %shift_left3A_258 = vector.broadcast %shift_left3A_257 : i32 to vector<16xi32>
          %shift_left3A_259 = arith.shli %get3A_256, %shift_left3A_258 : vector<16xi32>
          %bitcast3A_260 = vector.bitcast %shift_left3A_259 : vector<16xi32> to vector<16xf32>
          %and3A_261 = arith.constant -65536 : i32
          %and3A_262 = vector.broadcast %and3A_261 : i32 to vector<16xi32>
          %and3A_263 = arith.andi %get3A_256, %and3A_262 : vector<16xi32>
          %bitcast3A_264 = vector.bitcast %and3A_263 : vector<16xi32> to vector<16xf32>
          %swap3A_265 = arith.index_cast %scan3A_240 : i32 to index
          %swap3A_266 = arith.constant 16 : index
          %swap3A_267 = tpu.vector_load %arg15[%swap3A_265, %swap3A_266] {strides = array<i32>} : memref<64x128xf32, #tpu.memory_space<vmem>>, vector<16xf32>,
          tpu.vector_store %arg15[%swap3A_265, %swap3A_266], %bitcast3A_260 {strides = array<i32>} : memref<64x128xf32, #tpu.memory_space<vmem>>, vector<16xf32>,
          %swap3A_268 = arith.index_cast %scan3A_240 : i32 to index
          %swap3A_269 = arith.constant 80 : index
          %swap3A_270 = tpu.vector_load %arg15[%swap3A_268, %swap3A_269] {strides = array<i32>} : memref<64x128xf32, #tpu.memory_space<vmem>>, vector<16xf32>,
          tpu.vector_store %arg15[%swap3A_268, %swap3A_269], %bitcast3A_264 {strides = array<i32>} : memref<64x128xf32, #tpu.memory_space<vmem>>, vector<16xf32>,
          %get3A_271 = arith.index_cast %scan3A_240 : i32 to index
          %get3A_272 = arith.constant 32 : index
          %get3A_273 = tpu.vector_load %arg13[%get3A_271, %get3A_272] {strides = array<i32>} : memref<64x64xi32, #tpu.memory_space<vmem>>, vector<16xi32>,
          %shift_left3A_274 = arith.constant 16 : i32
          %shift_left3A_275 = vector.broadcast %shift_left3A_274 : i32 to vector<16xi32>
          %shift_left3A_276 = arith.shli %get3A_273, %shift_left3A_275 : vector<16xi32>
          %bitcast3A_277 = vector.bitcast %shift_left3A_276 : vector<16xi32> to vector<16xf32>
          %and3A_278 = arith.constant -65536 : i32
          %and3A_279 = vector.broadcast %and3A_278 : i32 to vector<16xi32>
          %and3A_280 = arith.andi %get3A_273, %and3A_279 : vector<16xi32>
          %bitcast3A_281 = vector.bitcast %and3A_280 : vector<16xi32> to vector<16xf32>
          %swap3A_282 = arith.index_cast %scan3A_240 : i32 to index
          %swap3A_283 = arith.constant 32 : index
          %swap3A_284 = tpu.vector_load %arg15[%swap3A_282, %swap3A_283] {strides = array<i32>} : memref<64x128xf32, #tpu.memory_space<vmem>>, vector<16xf32>,
          tpu.vector_store %arg15[%swap3A_282, %swap3A_283], %bitcast3A_277 {strides = array<i32>} : memref<64x128xf32, #tpu.memory_space<vmem>>, vector<16xf32>,
          %swap3A_285 = arith.index_cast %scan3A_240 : i32 to index
          %swap3A_286 = arith.constant 96 : index
          %swap3A_287 = tpu.vector_load %arg15[%swap3A_285, %swap3A_286] {strides = array<i32>} : memref<64x128xf32, #tpu.memory_space<vmem>>, vector<16xf32>,
          tpu.vector_store %arg15[%swap3A_285, %swap3A_286], %bitcast3A_281 {strides = array<i32>} : memref<64x128xf32, #tpu.memory_space<vmem>>, vector<16xf32>,
          %get3A_288 = arith.index_cast %scan3A_240 : i32 to index
          %get3A_289 = arith.constant 48 : index
          %get3A_290 = tpu.vector_load %arg13[%get3A_288, %get3A_289] {strides = array<i32>} : memref<64x64xi32, #tpu.memory_space<vmem>>, vector<16xi32>,
          %shift_left3A_291 = arith.constant 16 : i32
          %shift_left3A_292 = vector.broadcast %shift_left3A_291 : i32 to vector<16xi32>
          %shift_left3A_293 = arith.shli %get3A_290, %shift_left3A_292 : vector<16xi32>
          %bitcast3A_294 = vector.bitcast %shift_left3A_293 : vector<16xi32> to vector<16xf32>
          %and3A_295 = arith.constant -65536 : i32
          %and3A_296 = vector.broadcast %and3A_295 : i32 to vector<16xi32>
          %and3A_297 = arith.andi %get3A_290, %and3A_296 : vector<16xi32>
          %bitcast3A_298 = vector.bitcast %and3A_297 : vector<16xi32> to vector<16xf32>
          %swap3A_299 = arith.index_cast %scan3A_240 : i32 to index
          %swap3A_300 = arith.constant 48 : index
          %swap3A_301 = tpu.vector_load %arg15[%swap3A_299, %swap3A_300] {strides = array<i32>} : memref<64x128xf32, #tpu.memory_space<vmem>>, vector<16xf32>,
          tpu.vector_store %arg15[%swap3A_299, %swap3A_300], %bitcast3A_294 {strides = array<i32>} : memref<64x128xf32, #tpu.memory_space<vmem>>, vector<16xf32>,
          %swap3A_302 = arith.index_cast %scan3A_240 : i32 to index
          %swap3A_303 = arith.constant 112 : index
          %swap3A_304 = tpu.vector_load %arg15[%swap3A_302, %swap3A_303] {strides = array<i32>} : memref<64x128xf32, #tpu.memory_space<vmem>>, vector<16xf32>,
          tpu.vector_store %arg15[%swap3A_302, %swap3A_303], %bitcast3A_298 {strides = array<i32>} : memref<64x128xf32, #tpu.memory_space<vmem>>, vector<16xf32>,
          %scan3A_305 = arith.constant 0 : i32
          scf.yield %scan3A_305 : i32
        }
        %scan3A_232 = arith.constant 64 : i32
        %dma_start3A_233 = arith.constant 0 : i32
        %dma_start3A_234 = tpu.memref_slice %arg9[%add3A_202, %dma_start3A_233] : memref<64x64xi32, #tpu.memory_space<vmem>> -> memref<1x64xi32, #tpu.memory_space<vmem>>
        %dma_start3A_235 = tpu.memref_squeeze %dma_start3A_234 : memref<1x64xi32, #tpu.memory_space<vmem>> -> memref<64xi32, #tpu.memory_space<vmem>>
        %dma_start3A_236 = arith.constant 0 : i32
        %dma_start3A_237 = arith.constant 0 : i32
        %dma_start3A_238 = tpu.memref_slice %arg7[%dma_start3A_236, %dma_start3A_237] : memref<10240x128xf32, #tpu.memory_space<vmem_shared>> -> memref<10240x128xf32, #tpu.memory_space<vmem_shared>>
        tpu.enqueue_indirect_dma source(%arg15 : memref<64x128xf32, #tpu.memory_space<vmem>>) target(%dma_start3A_238 : memref<10240x128xf32, #tpu.memory_space<vmem_shared>>) offsets(%dma_start3A_235 : memref<64xi32, #tpu.memory_space<vmem>>) semaphore(%arg21 : memref<!tpu.dma_semaphore, #tpu.memory_space<semaphore_mem>>) {add = true}
        %scan3A_239 = arith.constant 0 : i32
        scf.yield %scan3A_239 : i32
      }
      %scan3A_73 = arith.constant 16 : i32
      %scan3A_74 = arith.constant 0 : i32
      scf.yield %scan3A_74 : i32
    }
    %scan3A_8 = arith.constant 5 : i32
    %dma_wait3A = arith.constant 0 : i32
    %dma_wait3A_9 = arith.constant 0 : i32
    %dma_wait3A_10 = tpu.memref_slice %arg9[%dma_wait3A, %dma_wait3A_9] : memref<64x64xi32, #tpu.memory_space<vmem>> -> memref<1x64xi32, #tpu.memory_space<vmem>>
    %dma_wait3A_11 = tpu.memref_squeeze %dma_wait3A_10 : memref<1x64xi32, #tpu.memory_space<vmem>> -> memref<64xi32, #tpu.memory_space<vmem>>
    %dma_wait3A_12 = arith.constant 0 : i32
    %dma_wait3A_13 = arith.constant 0 : i32
    %dma_wait3A_14 = tpu.memref_slice %arg7[%dma_wait3A_12, %dma_wait3A_13] : memref<10240x128xf32, #tpu.memory_space<vmem_shared>> -> memref<10240x128xf32, #tpu.memory_space<vmem_shared>>
    tpu.wait_indirect_dma semaphore(%arg20 : memref<!tpu.dma_semaphore, #tpu.memory_space<semaphore_mem>>) src(%arg14 : memref<64x128xf32, #tpu.memory_space<vmem>>) dst(%dma_wait3A_14 : memref<10240x128xf32, #tpu.memory_space<vmem_shared>>)
    %dma_wait3A_15 = arith.constant 0 : i32
    %dma_wait3A_16 = arith.constant 0 : i32
    %dma_wait3A_17 = tpu.memref_slice %arg9[%dma_wait3A_15, %dma_wait3A_16] : memref<64x64xi32, #tpu.memory_space<vmem>> -> memref<1x64xi32, #tpu.memory_space<vmem>>
    %dma_wait3A_18 = tpu.memref_squeeze %dma_wait3A_17 : memref<1x64xi32, #tpu.memory_space<vmem>> -> memref<64xi32, #tpu.memory_space<vmem>>
    %dma_wait3A_19 = arith.constant 0 : i32
    %dma_wait3A_20 = arith.constant 0 : i32
    %dma_wait3A_21 = tpu.memref_slice %arg7[%dma_wait3A_19, %dma_wait3A_20] : memref<10240x128xf32, #tpu.memory_space<vmem_shared>> -> memref<10240x128xf32, #tpu.memory_space<vmem_shared>>
    tpu.wait_indirect_dma semaphore(%arg21 : memref<!tpu.dma_semaphore, #tpu.memory_space<semaphore_mem>>) src(%arg15 : memref<64x128xf32, #tpu.memory_space<vmem>>) dst(%dma_wait3A_21 : memref<10240x128xf32, #tpu.memory_space<vmem_shared>>)
    %barrier3A_22 = arith.constant 0 : index
    tpu.barrier barrier_id(%barrier3A_22)
    %mul3A_23 = arith.constant 640 : i32
    %mul3A_24 = arith.muli %arg1, %mul3A_23 : i32
    %mul3A_25 = arith.constant 640 : i32
    %mul3A_26 = arith.muli %arg1, %mul3A_25 : i32
    "tpu.region"() ({
      %run_scoped3A = tpu.sem_alloc : memref<!tpu.dma_semaphore, #tpu.memory_space<semaphore_mem>>
      %dma_start3A = arith.constant 0 : i32
      %dma_start3A_27 = arith.constant 0 : i32
      %dma_start3A_28 = tpu.memref_slice %arg6[%arg0, %dma_start3A, %dma_start3A_27] : memref<2x10240x128xf32, #tpu.memory_space<hbm>> -> memref<1x10240x128xf32, #tpu.memory_space<hbm>>
      %dma_start3A_29 = tpu.memref_squeeze %dma_start3A_28 : memref<1x10240x128xf32, #tpu.memory_space<hbm>> -> memref<10240x128xf32, #tpu.memory_space<hbm>>
      %dma_start3A_30 = arith.constant 0 : i32
      %dma_start3A_31 = tpu.memref_slice %dma_start3A_29[%mul3A_26, %dma_start3A_30] : memref<10240x128xf32, #tpu.memory_space<hbm>> -> memref<640x128xf32, #tpu.memory_space<hbm>>
      %dma_start3A_32 = arith.constant 0 : i32
      %dma_start3A_33 = tpu.memref_slice %arg7[%mul3A_24, %dma_start3A_32] : memref<10240x128xf32, #tpu.memory_space<vmem_shared>> -> memref<640x128xf32, #tpu.memory_space<vmem_shared>>
      tpu.enqueue_dma source(%dma_start3A_33 : memref<640x128xf32, #tpu.memory_space<vmem_shared>>) target(%dma_start3A_31 : memref<640x128xf32, #tpu.memory_space<hbm>>) target_semaphore(%run_scoped3A : memref<!tpu.dma_semaphore, #tpu.memory_space<semaphore_mem>>)
      %dma_wait3A_34 = arith.constant 0 : i32
      %dma_wait3A_35 = arith.constant 0 : i32
      %dma_wait3A_36 = tpu.memref_slice %arg6[%arg0, %dma_wait3A_34, %dma_wait3A_35] : memref<2x10240x128xf32, #tpu.memory_space<hbm>> -> memref<1x10240x128xf32, #tpu.memory_space<hbm>>
      %dma_wait3A_37 = tpu.memref_squeeze %dma_wait3A_36 : memref<1x10240x128xf32, #tpu.memory_space<hbm>> -> memref<10240x128xf32, #tpu.memory_space<hbm>>
      %dma_wait3A_38 = arith.constant 0 : i32
      %dma_wait3A_39 = tpu.memref_slice %dma_wait3A_37[%mul3A_26, %dma_wait3A_38] : memref<10240x128xf32, #tpu.memory_space<hbm>> -> memref<640x128xf32, #tpu.memory_space<hbm>>
      %dma_wait3A_40 = arith.constant 0 : i32
      %dma_wait3A_41 = tpu.memref_slice %arg7[%mul3A_24, %dma_wait3A_40] : memref<10240x128xf32, #tpu.memory_space<vmem_shared>> -> memref<640x128xf32, #tpu.memory_space<vmem_shared>>
      tpu.wait_dma2 semaphore(%run_scoped3A : memref<!tpu.dma_semaphore, #tpu.memory_space<semaphore_mem>>) src(%dma_wait3A_41 : memref<640x128xf32, #tpu.memory_space<vmem_shared>>) dst(%dma_wait3A_39 : memref<640x128xf32, #tpu.memory_space<hbm>>)
      tpu.yield
    }) : () -> ()
    return
  }
}

#map = affine_map<(d0, d1) -> (0, 0)>
module attributes {stable_mosaic.version = 14 : i64} {
  func.func @_deg_body(%arg0: i32, %arg1: i32, %arg2: memref<2560x128xi32, #tpu.memory_space<hbm>>, %arg3: memref<2x10240xf32, #tpu.memory_space<hbm>>, %arg4: memref<10240xf32, #tpu.memory_space<vmem_shared>>, %arg5: memref<80x128xi32, #tpu.memory_space<vmem>>, %arg6: memref<128xf32, #tpu.memory_space<vmem>>, %arg7: memref<640xf32, #tpu.memory_space<vmem>>) attributes {dimension_semantics = [#tpu.dimension_semantics<core_parallel>, #tpu.dimension_semantics<subcore_parallel>], iteration_bounds = array<i64: 2, 16>, scalar_prefetch = 0 : i64, scratch_operands = 4 : i64, tpu.core_type = #tpu.core_type<sc_vector_subcore>, window_params = [{transform_indices = #map}, {transform_indices = #map}]} {
    %mul3A = arith.constant 16 : i32
    %mul3A_0 = arith.muli %arg0, %mul3A : i32
    %add3A = arith.addi %mul3A_0, %arg1 : i32
    %scan3A = arith.constant 0 : i32
    %scan3A_1 = arith.constant 0 : i32
    %scan3A_2 = arith.constant 40 : i32
    %scan3A_3 = arith.addi %scan3A_1, %scan3A_2 : i32
    %scan3A_4 = arith.constant 1 : i32
    %scan3A_5 = scf.for %scan3A_30 = %scan3A_1 to %scan3A_3 step %scan3A_4 iter_args(%scan3A_31 = %scan3A) -> (i32)  : i32 {
      %broadcast_in_dim3A = arith.constant 0.000000e+00 : f32
      %broadcast_in_dim3A_32 = vector.broadcast %broadcast_in_dim3A : f32 to vector<16xf32>
      %mul3A_33 = arith.constant 16 : i32
      %mul3A_34 = arith.muli %scan3A_30, %mul3A_33 : i32
      %swap3A = arith.index_cast %mul3A_34 : i32 to index
      %swap3A_35 = tpu.vector_load %arg7[%swap3A] {strides = array<i32>} : memref<640xf32, #tpu.memory_space<vmem>>, vector<16xf32>,
      %swap3A_36 = vector.shape_cast %swap3A_35 : vector<16xf32> to vector<16xf32>
      %swap3A_37 = vector.shape_cast %broadcast_in_dim3A_32 : vector<16xf32> to vector<16xf32>
      tpu.vector_store %arg7[%swap3A], %swap3A_37 {strides = array<i32>} : memref<640xf32, #tpu.memory_space<vmem>>, vector<16xf32>,
      %scan3A_38 = arith.constant 0 : i32
      scf.yield %scan3A_38 : i32
    }
    %scan3A_6 = arith.constant 40 : i32
    %scan3A_7 = arith.constant 0 : i32
    %scan3A_8 = arith.constant 0 : i32
    %scan3A_9 = arith.constant 8 : i32
    %scan3A_10 = arith.addi %scan3A_8, %scan3A_9 : i32
    %scan3A_11 = arith.constant 1 : i32
    %scan3A_12 = scf.for %scan3A_30 = %scan3A_8 to %scan3A_10 step %scan3A_11 iter_args(%scan3A_31 = %scan3A_7) -> (i32)  : i32 {
      %broadcast_in_dim3A = arith.constant 1.000000e+00 : f32
      %broadcast_in_dim3A_32 = vector.broadcast %broadcast_in_dim3A : f32 to vector<16xf32>
      %mul3A_33 = arith.constant 16 : i32
      %mul3A_34 = arith.muli %scan3A_30, %mul3A_33 : i32
      %swap3A = arith.index_cast %mul3A_34 : i32 to index
      %swap3A_35 = tpu.vector_load %arg6[%swap3A] {strides = array<i32>} : memref<128xf32, #tpu.memory_space<vmem>>, vector<16xf32>,
      %swap3A_36 = vector.shape_cast %swap3A_35 : vector<16xf32> to vector<16xf32>
      %swap3A_37 = vector.shape_cast %broadcast_in_dim3A_32 : vector<16xf32> to vector<16xf32>
      tpu.vector_store %arg6[%swap3A], %swap3A_37 {strides = array<i32>} : memref<128xf32, #tpu.memory_space<vmem>>, vector<16xf32>,
      %scan3A_38 = arith.constant 0 : i32
      scf.yield %scan3A_38 : i32
    }
    %scan3A_13 = arith.constant 8 : i32
    %mul3A_14 = arith.constant 640 : i32
    %mul3A_15 = arith.muli %arg1, %mul3A_14 : i32
    "tpu.region"() ({
      %run_scoped3A = tpu.sem_alloc : memref<!tpu.dma_semaphore, #tpu.memory_space<semaphore_mem>>
      %dma_start3A = tpu.memref_slice %arg4[%mul3A_15] : memref<10240xf32, #tpu.memory_space<vmem_shared>> -> memref<640xf32, #tpu.memory_space<vmem_shared>>
      %dma_start3A_30 = tpu.memref_slice %arg4[%mul3A_15] : memref<10240xf32, #tpu.memory_space<vmem_shared>> -> memref<640xf32, #tpu.memory_space<vmem_shared>>
      tpu.enqueue_dma source(%arg7 : memref<640xf32, #tpu.memory_space<vmem>>) target(%dma_start3A_30 : memref<640xf32, #tpu.memory_space<vmem_shared>>) target_semaphore(%run_scoped3A : memref<!tpu.dma_semaphore, #tpu.memory_space<semaphore_mem>>)
      %dma_wait3A = tpu.memref_slice %arg4[%mul3A_15] : memref<10240xf32, #tpu.memory_space<vmem_shared>> -> memref<640xf32, #tpu.memory_space<vmem_shared>>
      %dma_wait3A_31 = tpu.memref_slice %arg4[%mul3A_15] : memref<10240xf32, #tpu.memory_space<vmem_shared>> -> memref<640xf32, #tpu.memory_space<vmem_shared>>
      tpu.wait_dma2 semaphore(%run_scoped3A : memref<!tpu.dma_semaphore, #tpu.memory_space<semaphore_mem>>) src(%arg7 : memref<640xf32, #tpu.memory_space<vmem>>) dst(%dma_wait3A_31 : memref<640xf32, #tpu.memory_space<vmem_shared>>)
      tpu.yield
    }) : () -> ()
    %mul3A_16 = arith.constant 80 : i32
    %mul3A_17 = arith.muli %add3A, %mul3A_16 : i32
    "tpu.region"() ({
      %run_scoped3A = tpu.sem_alloc : memref<!tpu.dma_semaphore, #tpu.memory_space<semaphore_mem>>
      %dma_start3A = arith.constant 0 : i32
      %dma_start3A_30 = tpu.memref_slice %arg2[%mul3A_17, %dma_start3A] : memref<2560x128xi32, #tpu.memory_space<hbm>> -> memref<80x128xi32, #tpu.memory_space<hbm>>
      %dma_start3A_31 = arith.constant 0 : i32
      %dma_start3A_32 = tpu.memref_slice %arg2[%mul3A_17, %dma_start3A_31] : memref<2560x128xi32, #tpu.memory_space<hbm>> -> memref<80x128xi32, #tpu.memory_space<hbm>>
      tpu.enqueue_dma source(%dma_start3A_32 : memref<80x128xi32, #tpu.memory_space<hbm>>) target(%arg5 : memref<80x128xi32, #tpu.memory_space<vmem>>) target_semaphore(%run_scoped3A : memref<!tpu.dma_semaphore, #tpu.memory_space<semaphore_mem>>)
      %dma_wait3A = arith.constant 0 : i32
      %dma_wait3A_33 = tpu.memref_slice %arg2[%mul3A_17, %dma_wait3A] : memref<2560x128xi32, #tpu.memory_space<hbm>> -> memref<80x128xi32, #tpu.memory_space<hbm>>
      %dma_wait3A_34 = arith.constant 0 : i32
      %dma_wait3A_35 = tpu.memref_slice %arg2[%mul3A_17, %dma_wait3A_34] : memref<2560x128xi32, #tpu.memory_space<hbm>> -> memref<80x128xi32, #tpu.memory_space<hbm>>
      tpu.wait_dma2 semaphore(%run_scoped3A : memref<!tpu.dma_semaphore, #tpu.memory_space<semaphore_mem>>) src(%dma_wait3A_35 : memref<80x128xi32, #tpu.memory_space<hbm>>) dst(%arg5 : memref<80x128xi32, #tpu.memory_space<vmem>>)
      tpu.yield
    }) : () -> ()
    %barrier3A = arith.constant 0 : index
    tpu.barrier barrier_id(%barrier3A)
    %scan3A_18 = arith.constant 0 : i32
    %scan3A_19 = arith.constant 0 : i32
    %scan3A_20 = arith.constant 80 : i32
    %scan3A_21 = arith.addi %scan3A_19, %scan3A_20 : i32
    %scan3A_22 = arith.constant 1 : i32
    %scan3A_23 = scf.for %scan3A_30 = %scan3A_19 to %scan3A_21 step %scan3A_22 iter_args(%scan3A_31 = %scan3A_18) -> (i32)  : i32 {
      "tpu.region"() ({
        %run_scoped3A = tpu.sem_alloc : memref<!tpu.dma_semaphore, #tpu.memory_space<semaphore_mem>>
        %dma_start3A = arith.constant 0 : i32
        %dma_start3A_33 = tpu.memref_slice %arg5[%scan3A_30, %dma_start3A] : memref<80x128xi32, #tpu.memory_space<vmem>> -> memref<1x128xi32, #tpu.memory_space<vmem>>
        %dma_start3A_34 = tpu.memref_squeeze %dma_start3A_33 : memref<1x128xi32, #tpu.memory_space<vmem>> -> memref<128xi32, #tpu.memory_space<vmem>>
        %dma_start3A_35 = arith.constant 0 : i32
        %dma_start3A_36 = tpu.memref_slice %arg4[%dma_start3A_35] : memref<10240xf32, #tpu.memory_space<vmem_shared>> -> memref<10240xf32, #tpu.memory_space<vmem_shared>>
        tpu.enqueue_indirect_dma source(%arg6 : memref<128xf32, #tpu.memory_space<vmem>>) target(%dma_start3A_36 : memref<10240xf32, #tpu.memory_space<vmem_shared>>) offsets(%dma_start3A_34 : memref<128xi32, #tpu.memory_space<vmem>>) semaphore(%run_scoped3A : memref<!tpu.dma_semaphore, #tpu.memory_space<semaphore_mem>>) {add = true}
        %dma_wait3A = arith.constant 0 : i32
        %dma_wait3A_37 = tpu.memref_slice %arg5[%scan3A_30, %dma_wait3A] : memref<80x128xi32, #tpu.memory_space<vmem>> -> memref<1x128xi32, #tpu.memory_space<vmem>>
        %dma_wait3A_38 = tpu.memref_squeeze %dma_wait3A_37 : memref<1x128xi32, #tpu.memory_space<vmem>> -> memref<128xi32, #tpu.memory_space<vmem>>
        %dma_wait3A_39 = arith.constant 0 : i32
        %dma_wait3A_40 = tpu.memref_slice %arg4[%dma_wait3A_39] : memref<10240xf32, #tpu.memory_space<vmem_shared>> -> memref<10240xf32, #tpu.memory_space<vmem_shared>>
        tpu.wait_indirect_dma semaphore(%run_scoped3A : memref<!tpu.dma_semaphore, #tpu.memory_space<semaphore_mem>>) src(%arg6 : memref<128xf32, #tpu.memory_space<vmem>>) dst(%dma_wait3A_40 : memref<10240xf32, #tpu.memory_space<vmem_shared>>)
        tpu.yield
      }) : () -> ()
      %scan3A_32 = arith.constant 0 : i32
      scf.yield %scan3A_32 : i32
    }
    %scan3A_24 = arith.constant 80 : i32
    %barrier3A_25 = arith.constant 0 : index
    tpu.barrier barrier_id(%barrier3A_25)
    %mul3A_26 = arith.constant 640 : i32
    %mul3A_27 = arith.muli %arg1, %mul3A_26 : i32
    %mul3A_28 = arith.constant 640 : i32
    %mul3A_29 = arith.muli %arg1, %mul3A_28 : i32
    "tpu.region"() ({
      %run_scoped3A = tpu.sem_alloc : memref<!tpu.dma_semaphore, #tpu.memory_space<semaphore_mem>>
      %dma_start3A = arith.constant 0 : i32
      %dma_start3A_30 = tpu.memref_slice %arg3[%arg0, %dma_start3A] : memref<2x10240xf32, #tpu.memory_space<hbm>> -> memref<1x10240xf32, #tpu.memory_space<hbm>>
      %dma_start3A_31 = tpu.memref_squeeze %dma_start3A_30 : memref<1x10240xf32, #tpu.memory_space<hbm>> -> memref<10240xf32, #tpu.memory_space<hbm>>
      %dma_start3A_32 = tpu.memref_slice %dma_start3A_31[%mul3A_29] : memref<10240xf32, #tpu.memory_space<hbm>> -> memref<640xf32, #tpu.memory_space<hbm>>
      %dma_start3A_33 = tpu.memref_slice %arg4[%mul3A_27] : memref<10240xf32, #tpu.memory_space<vmem_shared>> -> memref<640xf32, #tpu.memory_space<vmem_shared>>
      tpu.enqueue_dma source(%dma_start3A_33 : memref<640xf32, #tpu.memory_space<vmem_shared>>) target(%dma_start3A_32 : memref<640xf32, #tpu.memory_space<hbm>>) target_semaphore(%run_scoped3A : memref<!tpu.dma_semaphore, #tpu.memory_space<semaphore_mem>>)
      %dma_wait3A = arith.constant 0 : i32
      %dma_wait3A_34 = tpu.memref_slice %arg3[%arg0, %dma_wait3A] : memref<2x10240xf32, #tpu.memory_space<hbm>> -> memref<1x10240xf32, #tpu.memory_space<hbm>>
      %dma_wait3A_35 = tpu.memref_squeeze %dma_wait3A_34 : memref<1x10240xf32, #tpu.memory_space<hbm>> -> memref<10240xf32, #tpu.memory_space<hbm>>
      %dma_wait3A_36 = tpu.memref_slice %dma_wait3A_35[%mul3A_29] : memref<10240xf32, #tpu.memory_space<hbm>> -> memref<640xf32, #tpu.memory_space<hbm>>
      %dma_wait3A_37 = tpu.memref_slice %arg4[%mul3A_27] : memref<10240xf32, #tpu.memory_space<vmem_shared>> -> memref<640xf32, #tpu.memory_space<vmem_shared>>
      tpu.wait_dma2 semaphore(%run_scoped3A : memref<!tpu.dma_semaphore, #tpu.memory_space<semaphore_mem>>) src(%dma_wait3A_37 : memref<640xf32, #tpu.memory_space<vmem_shared>>) dst(%dma_wait3A_36 : memref<640xf32, #tpu.memory_space<hbm>>)
      tpu.yield
    }) : () -> ()
    return
  }
}

#map = affine_map<(d0, d1) -> (0, 0, 0)>
#map1 = affine_map<(d0, d1) -> (0, 0)>
module attributes {stable_mosaic.version = 14 : i64} {
  func.func @_prop_body(%arg0: i32, %arg1: i32, %arg2: memref<2x10240x128xf32, #tpu.memory_space<hbm>>, %arg3: memref<2x10240x64xi32, #tpu.memory_space<hbm>>, %arg4: memref<5120x64xi32, #tpu.memory_space<hbm>>, %arg5: memref<5120x64xi32, #tpu.memory_space<hbm>>, %arg6: memref<2x10240x128xf32, #tpu.memory_space<hbm>>, %arg7: memref<10240x128xf32, #tpu.memory_space<vmem_shared>>, %arg8: memref<64x64xi32, #tpu.memory_space<vmem>>, %arg9: memref<64x64xi32, #tpu.memory_space<vmem>>, %arg10: memref<64x64xi32, #tpu.memory_space<vmem>>, %arg11: memref<64x64xi32, #tpu.memory_space<vmem>>, %arg12: memref<64x64xi32, #tpu.memory_space<vmem>>, %arg13: memref<64x64xi32, #tpu.memory_space<vmem>>, %arg14: memref<64x128xf32, #tpu.memory_space<vmem>>, %arg15: memref<64x128xf32, #tpu.memory_space<vmem>>, %arg16: memref<!tpu.dma_semaphore, #tpu.memory_space<semaphore_mem>>, %arg17: memref<!tpu.dma_semaphore, #tpu.memory_space<semaphore_mem>>, %arg18: memref<!tpu.dma_semaphore, #tpu.memory_space<semaphore_mem>>, %arg19: memref<!tpu.dma_semaphore, #tpu.memory_space<semaphore_mem>>, %arg20: memref<!tpu.dma_semaphore, #tpu.memory_space<semaphore_mem>>, %arg21: memref<!tpu.dma_semaphore, #tpu.memory_space<semaphore_mem>>) attributes {dimension_semantics = [#tpu.dimension_semantics<core_parallel>, #tpu.dimension_semantics<subcore_parallel>], iteration_bounds = array<i64: 2, 16>, scalar_prefetch = 0 : i64, scratch_operands = 15 : i64, tpu.core_type = #tpu.core_type<sc_vector_subcore>, window_params = [{transform_indices = #map}, {transform_indices = #map}, {transform_indices = #map1}, {transform_indices = #map1}, {transform_indices = #map}]} {
    %mul3A = arith.constant 640 : i32
    %mul3A_0 = arith.muli %arg1, %mul3A : i32
    %mul3A_1 = arith.constant 640 : i32
    %mul3A_2 = arith.muli %arg1, %mul3A_1 : i32
    "tpu.region"() ({
      %run_scoped3A = tpu.sem_alloc : memref<!tpu.dma_semaphore, #tpu.memory_space<semaphore_mem>>
      %dma_start3A = arith.constant 0 : i32
      %dma_start3A_27 = tpu.memref_slice %arg7[%mul3A_2, %dma_start3A] : memref<10240x128xf32, #tpu.memory_space<vmem_shared>> -> memref<640x128xf32, #tpu.memory_space<vmem_shared>>
      %dma_start3A_28 = arith.constant 0 : i32
      %dma_start3A_29 = arith.constant 0 : i32
      %dma_start3A_30 = tpu.memref_slice %arg2[%arg0, %dma_start3A_28, %dma_start3A_29] : memref<2x10240x128xf32, #tpu.memory_space<hbm>> -> memref<1x10240x128xf32, #tpu.memory_space<hbm>>
      %dma_start3A_31 = tpu.memref_squeeze %dma_start3A_30 : memref<1x10240x128xf32, #tpu.memory_space<hbm>> -> memref<10240x128xf32, #tpu.memory_space<hbm>>
      %dma_start3A_32 = arith.constant 0 : i32
      %dma_start3A_33 = tpu.memref_slice %dma_start3A_31[%mul3A_0, %dma_start3A_32] : memref<10240x128xf32, #tpu.memory_space<hbm>> -> memref<640x128xf32, #tpu.memory_space<hbm>>
      tpu.enqueue_dma source(%dma_start3A_33 : memref<640x128xf32, #tpu.memory_space<hbm>>) target(%dma_start3A_27 : memref<640x128xf32, #tpu.memory_space<vmem_shared>>) target_semaphore(%run_scoped3A : memref<!tpu.dma_semaphore, #tpu.memory_space<semaphore_mem>>)
      %dma_wait3A_34 = arith.constant 0 : i32
      %dma_wait3A_35 = tpu.memref_slice %arg7[%mul3A_2, %dma_wait3A_34] : memref<10240x128xf32, #tpu.memory_space<vmem_shared>> -> memref<640x128xf32, #tpu.memory_space<vmem_shared>>
      %dma_wait3A_36 = arith.constant 0 : i32
      %dma_wait3A_37 = arith.constant 0 : i32
      %dma_wait3A_38 = tpu.memref_slice %arg2[%arg0, %dma_wait3A_36, %dma_wait3A_37] : memref<2x10240x128xf32, #tpu.memory_space<hbm>> -> memref<1x10240x128xf32, #tpu.memory_space<hbm>>
      %dma_wait3A_39 = tpu.memref_squeeze %dma_wait3A_38 : memref<1x10240x128xf32, #tpu.memory_space<hbm>> -> memref<10240x128xf32, #tpu.memory_space<hbm>>
      %dma_wait3A_40 = arith.constant 0 : i32
      %dma_wait3A_41 = tpu.memref_slice %dma_wait3A_39[%mul3A_0, %dma_wait3A_40] : memref<10240x128xf32, #tpu.memory_space<hbm>> -> memref<640x128xf32, #tpu.memory_space<hbm>>
      tpu.wait_dma2 semaphore(%run_scoped3A : memref<!tpu.dma_semaphore, #tpu.memory_space<semaphore_mem>>) src(%dma_wait3A_41 : memref<640x128xf32, #tpu.memory_space<hbm>>) dst(%dma_wait3A_35 : memref<640x128xf32, #tpu.memory_space<vmem_shared>>)
      tpu.yield
    }) : () -> ()
    %barrier3A = arith.constant 0 : index
    tpu.barrier barrier_id(%barrier3A)
    %scan3A = arith.constant 0 : i32
    %scan3A_3 = arith.constant 0 : i32
    %scan3A_4 = arith.constant 5 : i32
    %scan3A_5 = arith.addi %scan3A_3, %scan3A_4 : i32
    %scan3A_6 = arith.constant 1 : i32
    %scan3A_7 = scf.for %scan3A_27 = %scan3A_3 to %scan3A_5 step %scan3A_6 iter_args(%scan3A_28 = %scan3A) -> (i32)  : i32 {
      %gt3A = arith.constant 0 : i32
      %gt3A_29 = arith.cmpi sgt, %scan3A_27, %gt3A : i32
      %convert_element_type3A = arith.extui %gt3A_29 : i1 to i32
      %cond3A = arith.constant 0 : i32
      %cond3A_30 = arith.cmpi ne, %convert_element_type3A, %cond3A : i32
      scf.if %cond3A_30 {
        %dma_wait3A_75 = arith.constant 0 : i32
        %dma_wait3A_76 = arith.constant 0 : i32
        %dma_wait3A_77 = tpu.memref_slice %arg9[%dma_wait3A_75, %dma_wait3A_76] : memref<64x64xi32, #tpu.memory_space<vmem>> -> memref<1x64xi32, #tpu.memory_space<vmem>>
        %dma_wait3A_78 = tpu.memref_squeeze %dma_wait3A_77 : memref<1x64xi32, #tpu.memory_space<vmem>> -> memref<64xi32, #tpu.memory_space<vmem>>
        %dma_wait3A_79 = arith.constant 0 : i32
        %dma_wait3A_80 = arith.constant 0 : i32
        %dma_wait3A_81 = tpu.memref_slice %arg7[%dma_wait3A_79, %dma_wait3A_80] : memref<10240x128xf32, #tpu.memory_space<vmem_shared>> -> memref<10240x128xf32, #tpu.memory_space<vmem_shared>>
        tpu.wait_indirect_dma semaphore(%arg20 : memref<!tpu.dma_semaphore, #tpu.memory_space<semaphore_mem>>) src(%arg14 : memref<64x128xf32, #tpu.memory_space<vmem>>) dst(%dma_wait3A_81 : memref<10240x128xf32, #tpu.memory_space<vmem_shared>>)
        %dma_wait3A_82 = arith.constant 0 : i32
        %dma_wait3A_83 = arith.constant 0 : i32
        %dma_wait3A_84 = tpu.memref_slice %arg9[%dma_wait3A_82, %dma_wait3A_83] : memref<64x64xi32, #tpu.memory_space<vmem>> -> memref<1x64xi32, #tpu.memory_space<vmem>>
        %dma_wait3A_85 = tpu.memref_squeeze %dma_wait3A_84 : memref<1x64xi32, #tpu.memory_space<vmem>> -> memref<64xi32, #tpu.memory_space<vmem>>
        %dma_wait3A_86 = arith.constant 0 : i32
        %dma_wait3A_87 = arith.constant 0 : i32
        %dma_wait3A_88 = tpu.memref_slice %arg7[%dma_wait3A_86, %dma_wait3A_87] : memref<10240x128xf32, #tpu.memory_space<vmem_shared>> -> memref<10240x128xf32, #tpu.memory_space<vmem_shared>>
        tpu.wait_indirect_dma semaphore(%arg21 : memref<!tpu.dma_semaphore, #tpu.memory_space<semaphore_mem>>) src(%arg15 : memref<64x128xf32, #tpu.memory_space<vmem>>) dst(%dma_wait3A_88 : memref<10240x128xf32, #tpu.memory_space<vmem_shared>>)
      } else {
      }
      %mul3A_31 = arith.constant 320 : i32
      %mul3A_32 = arith.muli %arg1, %mul3A_31 : i32
      %mul3A_33 = arith.constant 64 : i32
      %mul3A_34 = arith.muli %scan3A_27, %mul3A_33 : i32
      %add3A = arith.addi %mul3A_32, %mul3A_34 : i32
      "tpu.region"() ({
        %run_scoped3A = tpu.sem_alloc : memref<!tpu.dma_semaphore, #tpu.memory_space<semaphore_mem>>
        %dma_start3A_75 = arith.constant 0 : i32
        %dma_start3A_76 = tpu.memref_slice %arg4[%add3A, %dma_start3A_75] : memref<5120x64xi32, #tpu.memory_space<hbm>> -> memref<64x64xi32, #tpu.memory_space<hbm>>
        %dma_start3A_77 = arith.constant 0 : i32
        %dma_start3A_78 = tpu.memref_slice %arg4[%add3A, %dma_start3A_77] : memref<5120x64xi32, #tpu.memory_space<hbm>> -> memref<64x64xi32, #tpu.memory_space<hbm>>
        tpu.enqueue_dma source(%dma_start3A_78 : memref<64x64xi32, #tpu.memory_space<hbm>>) target(%arg8 : memref<64x64xi32, #tpu.memory_space<vmem>>) target_semaphore(%run_scoped3A : memref<!tpu.dma_semaphore, #tpu.memory_space<semaphore_mem>>)
        %dma_wait3A_79 = arith.constant 0 : i32
        %dma_wait3A_80 = tpu.memref_slice %arg4[%add3A, %dma_wait3A_79] : memref<5120x64xi32, #tpu.memory_space<hbm>> -> memref<64x64xi32, #tpu.memory_space<hbm>>
        %dma_wait3A_81 = arith.constant 0 : i32
        %dma_wait3A_82 = tpu.memref_slice %arg4[%add3A, %dma_wait3A_81] : memref<5120x64xi32, #tpu.memory_space<hbm>> -> memref<64x64xi32, #tpu.memory_space<hbm>>
        tpu.wait_dma2 semaphore(%run_scoped3A : memref<!tpu.dma_semaphore, #tpu.memory_space<semaphore_mem>>) src(%dma_wait3A_82 : memref<64x64xi32, #tpu.memory_space<hbm>>) dst(%arg8 : memref<64x64xi32, #tpu.memory_space<vmem>>)
        tpu.yield
      }) : () -> ()
      "tpu.region"() ({
        %run_scoped3A = tpu.sem_alloc : memref<!tpu.dma_semaphore, #tpu.memory_space<semaphore_mem>>
        %dma_start3A_75 = arith.constant 0 : i32
        %dma_start3A_76 = tpu.memref_slice %arg5[%add3A, %dma_start3A_75] : memref<5120x64xi32, #tpu.memory_space<hbm>> -> memref<64x64xi32, #tpu.memory_space<hbm>>
        %dma_start3A_77 = arith.constant 0 : i32
        %dma_start3A_78 = tpu.memref_slice %arg5[%add3A, %dma_start3A_77] : memref<5120x64xi32, #tpu.memory_space<hbm>> -> memref<64x64xi32, #tpu.memory_space<hbm>>
        tpu.enqueue_dma source(%dma_start3A_78 : memref<64x64xi32, #tpu.memory_space<hbm>>) target(%arg9 : memref<64x64xi32, #tpu.memory_space<vmem>>) target_semaphore(%run_scoped3A : memref<!tpu.dma_semaphore, #tpu.memory_space<semaphore_mem>>)
        %dma_wait3A_79 = arith.constant 0 : i32
        %dma_wait3A_80 = tpu.memref_slice %arg5[%add3A, %dma_wait3A_79] : memref<5120x64xi32, #tpu.memory_space<hbm>> -> memref<64x64xi32, #tpu.memory_space<hbm>>
        %dma_wait3A_81 = arith.constant 0 : i32
        %dma_wait3A_82 = tpu.memref_slice %arg5[%add3A, %dma_wait3A_81] : memref<5120x64xi32, #tpu.memory_space<hbm>> -> memref<64x64xi32, #tpu.memory_space<hbm>>
        tpu.wait_dma2 semaphore(%run_scoped3A : memref<!tpu.dma_semaphore, #tpu.memory_space<semaphore_mem>>) src(%dma_wait3A_82 : memref<64x64xi32, #tpu.memory_space<hbm>>) dst(%arg9 : memref<64x64xi32, #tpu.memory_space<vmem>>)
        tpu.yield
      }) : () -> ()
      %dma_start3A = arith.constant 0 : i32
      %dma_start3A_35 = arith.constant 0 : i32
      %dma_start3A_36 = tpu.memref_slice %arg8[%dma_start3A, %dma_start3A_35] : memref<64x64xi32, #tpu.memory_space<vmem>> -> memref<1x64xi32, #tpu.memory_space<vmem>>
      %dma_start3A_37 = tpu.memref_squeeze %dma_start3A_36 : memref<1x64xi32, #tpu.memory_space<vmem>> -> memref<64xi32, #tpu.memory_space<vmem>>
      %dma_start3A_38 = arith.constant 0 : i32
      %dma_start3A_39 = arith.constant 0 : i32
      %dma_start3A_40 = tpu.memref_slice %arg3[%arg0, %dma_start3A_38, %dma_start3A_39] : memref<2x10240x64xi32, #tpu.memory_space<hbm>> -> memref<1x10240x64xi32, #tpu.memory_space<hbm>>
      %dma_start3A_41 = tpu.memref_squeeze %dma_start3A_40 : memref<1x10240x64xi32, #tpu.memory_space<hbm>> -> memref<10240x64xi32, #tpu.memory_space<hbm>>
      %dma_start3A_42 = arith.constant 0 : i32
      %dma_start3A_43 = arith.constant 0 : i32
      %dma_start3A_44 = tpu.memref_slice %dma_start3A_41[%dma_start3A_42, %dma_start3A_43] : memref<10240x64xi32, #tpu.memory_space<hbm>> -> memref<10240x64xi32, #tpu.memory_space<hbm>>
      tpu.enqueue_indirect_dma source(%dma_start3A_44 : memref<10240x64xi32, #tpu.memory_space<hbm>>) target(%arg10 : memref<64x64xi32, #tpu.memory_space<vmem>>) offsets(%dma_start3A_37 : memref<64xi32, #tpu.memory_space<vmem>>) semaphore(%arg16 : memref<!tpu.dma_semaphore, #tpu.memory_space<semaphore_mem>>)
      %dma_start3A_45 = arith.constant 1 : i32
      %dma_start3A_46 = arith.constant 0 : i32
      %dma_start3A_47 = tpu.memref_slice %arg8[%dma_start3A_45, %dma_start3A_46] : memref<64x64xi32, #tpu.memory_space<vmem>> -> memref<1x64xi32, #tpu.memory_space<vmem>>
      %dma_start3A_48 = tpu.memref_squeeze %dma_start3A_47 : memref<1x64xi32, #tpu.memory_space<vmem>> -> memref<64xi32, #tpu.memory_space<vmem>>
      %dma_start3A_49 = arith.constant 0 : i32
      %dma_start3A_50 = arith.constant 0 : i32
      %dma_start3A_51 = tpu.memref_slice %arg3[%arg0, %dma_start3A_49, %dma_start3A_50] : memref<2x10240x64xi32, #tpu.memory_space<hbm>> -> memref<1x10240x64xi32, #tpu.memory_space<hbm>>
      %dma_start3A_52 = tpu.memref_squeeze %dma_start3A_51 : memref<1x10240x64xi32, #tpu.memory_space<hbm>> -> memref<10240x64xi32, #tpu.memory_space<hbm>>
      %dma_start3A_53 = arith.constant 0 : i32
      %dma_start3A_54 = arith.constant 0 : i32
      %dma_start3A_55 = tpu.memref_slice %dma_start3A_52[%dma_start3A_53, %dma_start3A_54] : memref<10240x64xi32, #tpu.memory_space<hbm>> -> memref<10240x64xi32, #tpu.memory_space<hbm>>
      tpu.enqueue_indirect_dma source(%dma_start3A_55 : memref<10240x64xi32, #tpu.memory_space<hbm>>) target(%arg11 : memref<64x64xi32, #tpu.memory_space<vmem>>) offsets(%dma_start3A_48 : memref<64xi32, #tpu.memory_space<vmem>>) semaphore(%arg17 : memref<!tpu.dma_semaphore, #tpu.memory_space<semaphore_mem>>)
      %dma_start3A_56 = arith.constant 2 : i32
      %dma_start3A_57 = arith.constant 0 : i32
      %dma_start3A_58 = tpu.memref_slice %arg8[%dma_start3A_56, %dma_start3A_57] : memref<64x64xi32, #tpu.memory_space<vmem>> -> memref<1x64xi32, #tpu.memory_space<vmem>>
      %dma_start3A_59 = tpu.memref_squeeze %dma_start3A_58 : memref<1x64xi32, #tpu.memory_space<vmem>> -> memref<64xi32, #tpu.memory_space<vmem>>
      %dma_start3A_60 = arith.constant 0 : i32
      %dma_start3A_61 = arith.constant 0 : i32
      %dma_start3A_62 = tpu.memref_slice %arg3[%arg0, %dma_start3A_60, %dma_start3A_61] : memref<2x10240x64xi32, #tpu.memory_space<hbm>> -> memref<1x10240x64xi32, #tpu.memory_space<hbm>>
      %dma_start3A_63 = tpu.memref_squeeze %dma_start3A_62 : memref<1x10240x64xi32, #tpu.memory_space<hbm>> -> memref<10240x64xi32, #tpu.memory_space<hbm>>
      %dma_start3A_64 = arith.constant 0 : i32
      %dma_start3A_65 = arith.constant 0 : i32
      %dma_start3A_66 = tpu.memref_slice %dma_start3A_63[%dma_start3A_64, %dma_start3A_65] : memref<10240x64xi32, #tpu.memory_space<hbm>> -> memref<10240x64xi32, #tpu.memory_space<hbm>>
      tpu.enqueue_indirect_dma source(%dma_start3A_66 : memref<10240x64xi32, #tpu.memory_space<hbm>>) target(%arg12 : memref<64x64xi32, #tpu.memory_space<vmem>>) offsets(%dma_start3A_59 : memref<64xi32, #tpu.memory_space<vmem>>) semaphore(%arg18 : memref<!tpu.dma_semaphore, #tpu.memory_space<semaphore_mem>>)
      %scan3A_67 = arith.constant 0 : i32
      %scan3A_68 = arith.constant 0 : i32
      %scan3A_69 = arith.constant 16 : i32
      %scan3A_70 = arith.addi %scan3A_68, %scan3A_69 : i32
      %scan3A_71 = arith.constant 1 : i32
      %scan3A_72 = scf.for %scan3A_75 = %scan3A_68 to %scan3A_70 step %scan3A_71 iter_args(%scan3A_76 = %scan3A_67) -> (i32)  : i32 {
        %mul3A_77 = arith.constant 4 : i32
        %mul3A_78 = arith.muli %scan3A_75, %mul3A_77 : i32
        %add3A_79 = arith.constant 0 : i32
        %add3A_80 = arith.addi %mul3A_78, %add3A_79 : i32
        %dma_wait3A_81 = arith.constant 0 : i32
        %dma_wait3A_82 = arith.constant 0 : i32
        %dma_wait3A_83 = tpu.memref_slice %arg8[%dma_wait3A_81, %dma_wait3A_82] : memref<64x64xi32, #tpu.memory_space<vmem>> -> memref<1x64xi32, #tpu.memory_space<vmem>>
        %dma_wait3A_84 = tpu.memref_squeeze %dma_wait3A_83 : memref<1x64xi32, #tpu.memory_space<vmem>> -> memref<64xi32, #tpu.memory_space<vmem>>
        %dma_wait3A_85 = arith.constant 0 : i32
        %dma_wait3A_86 = arith.constant 0 : i32
        %dma_wait3A_87 = tpu.memref_slice %arg3[%arg0, %dma_wait3A_85, %dma_wait3A_86] : memref<2x10240x64xi32, #tpu.memory_space<hbm>> -> memref<1x10240x64xi32, #tpu.memory_space<hbm>>
        %dma_wait3A_88 = tpu.memref_squeeze %dma_wait3A_87 : memref<1x10240x64xi32, #tpu.memory_space<hbm>> -> memref<10240x64xi32, #tpu.memory_space<hbm>>
        %dma_wait3A_89 = arith.constant 0 : i32
        %dma_wait3A_90 = arith.constant 0 : i32
        %dma_wait3A_91 = tpu.memref_slice %dma_wait3A_88[%dma_wait3A_89, %dma_wait3A_90] : memref<10240x64xi32, #tpu.memory_space<hbm>> -> memref<10240x64xi32, #tpu.memory_space<hbm>>
        tpu.wait_indirect_dma semaphore(%arg16 : memref<!tpu.dma_semaphore, #tpu.memory_space<semaphore_mem>>) src(%dma_wait3A_91 : memref<10240x64xi32, #tpu.memory_space<hbm>>) dst(%arg10 : memref<64x64xi32, #tpu.memory_space<vmem>>)
        %add3A_92 = arith.constant 3 : i32
        %add3A_93 = arith.addi %add3A_80, %add3A_92 : i32
        %dma_start3A_94 = arith.constant 0 : i32
        %dma_start3A_95 = tpu.memref_slice %arg8[%add3A_93, %dma_start3A_94] : memref<64x64xi32, #tpu.memory_space<vmem>> -> memref<1x64xi32, #tpu.memory_space<vmem>>
        %dma_start3A_96 = tpu.memref_squeeze %dma_start3A_95 : memref<1x64xi32, #tpu.memory_space<vmem>> -> memref<64xi32, #tpu.memory_space<vmem>>
        %dma_start3A_97 = arith.constant 0 : i32
        %dma_start3A_98 = arith.constant 0 : i32
        %dma_start3A_99 = tpu.memref_slice %arg3[%arg0, %dma_start3A_97, %dma_start3A_98] : memref<2x10240x64xi32, #tpu.memory_space<hbm>> -> memref<1x10240x64xi32, #tpu.memory_space<hbm>>
        %dma_start3A_100 = tpu.memref_squeeze %dma_start3A_99 : memref<1x10240x64xi32, #tpu.memory_space<hbm>> -> memref<10240x64xi32, #tpu.memory_space<hbm>>
        %dma_start3A_101 = arith.constant 0 : i32
        %dma_start3A_102 = arith.constant 0 : i32
        %dma_start3A_103 = tpu.memref_slice %dma_start3A_100[%dma_start3A_101, %dma_start3A_102] : memref<10240x64xi32, #tpu.memory_space<hbm>> -> memref<10240x64xi32, #tpu.memory_space<hbm>>
        tpu.enqueue_indirect_dma source(%dma_start3A_103 : memref<10240x64xi32, #tpu.memory_space<hbm>>) target(%arg13 : memref<64x64xi32, #tpu.memory_space<vmem>>) offsets(%dma_start3A_96 : memref<64xi32, #tpu.memory_space<vmem>>) semaphore(%arg19 : memref<!tpu.dma_semaphore, #tpu.memory_space<semaphore_mem>>)
        %gt3A_104 = arith.constant 0 : i32
        %gt3A_105 = arith.cmpi sgt, %scan3A_75, %gt3A_104 : i32
        %convert_element_type3A_106 = arith.extui %gt3A_105 : i1 to i32
        %cond3A_107 = arith.constant 0 : i32
        %cond3A_108 = arith.cmpi ne, %convert_element_type3A_106, %cond3A_107 : i32
        scf.if %cond3A_108 {
          %dma_wait3A_240 = arith.constant 0 : i32
          %dma_wait3A_241 = arith.constant 0 : i32
          %dma_wait3A_242 = tpu.memref_slice %arg9[%dma_wait3A_240, %dma_wait3A_241] : memref<64x64xi32, #tpu.memory_space<vmem>> -> memref<1x64xi32, #tpu.memory_space<vmem>>
          %dma_wait3A_243 = tpu.memref_squeeze %dma_wait3A_242 : memref<1x64xi32, #tpu.memory_space<vmem>> -> memref<64xi32, #tpu.memory_space<vmem>>
          %dma_wait3A_244 = arith.constant 0 : i32
          %dma_wait3A_245 = arith.constant 0 : i32
          %dma_wait3A_246 = tpu.memref_slice %arg7[%dma_wait3A_244, %dma_wait3A_245] : memref<10240x128xf32, #tpu.memory_space<vmem_shared>> -> memref<10240x128xf32, #tpu.memory_space<vmem_shared>>
          tpu.wait_indirect_dma semaphore(%arg20 : memref<!tpu.dma_semaphore, #tpu.memory_space<semaphore_mem>>) src(%arg14 : memref<64x128xf32, #tpu.memory_space<vmem>>) dst(%dma_wait3A_246 : memref<10240x128xf32, #tpu.memory_space<vmem_shared>>)
        } else {
        }
        %scan3A_109 = arith.constant 0 : i32
        %scan3A_110 = arith.constant 0 : i32
        %scan3A_111 = arith.constant 64 : i32
        %scan3A_112 = arith.addi %scan3A_110, %scan3A_111 : i32
        %scan3A_113 = arith.constant 1 : i32
        %scan3A_114 = scf.for %scan3A_240 = %scan3A_110 to %scan3A_112 step %scan3A_113 iter_args(%scan3A_241 = %scan3A_109) -> (i32)  : i32 {
          %get3A = arith.index_cast %scan3A_240 : i32 to index
          %get3A_242 = arith.constant 0 : index
          %get3A_243 = tpu.vector_load %arg10[%get3A, %get3A_242] {strides = array<i32>} : memref<64x64xi32, #tpu.memory_space<vmem>>, vector<16xi32>,
          %shift_left3A = arith.constant 16 : i32
          %shift_left3A_244 = vector.broadcast %shift_left3A : i32 to vector<16xi32>
          %shift_left3A_245 = arith.shli %get3A_243, %shift_left3A_244 : vector<16xi32>
          %bitcast3A = vector.bitcast %shift_left3A_245 : vector<16xi32> to vector<16xf32>
          %and3A = arith.constant -65536 : i32
          %and3A_246 = vector.broadcast %and3A : i32 to vector<16xi32>
          %and3A_247 = arith.andi %get3A_243, %and3A_246 : vector<16xi32>
          %bitcast3A_248 = vector.bitcast %and3A_247 : vector<16xi32> to vector<16xf32>
          %swap3A = arith.index_cast %scan3A_240 : i32 to index
          %swap3A_249 = arith.constant 0 : index
          %swap3A_250 = tpu.vector_load %arg14[%swap3A, %swap3A_249] {strides = array<i32>} : memref<64x128xf32, #tpu.memory_space<vmem>>, vector<16xf32>,
          tpu.vector_store %arg14[%swap3A, %swap3A_249], %bitcast3A {strides = array<i32>} : memref<64x128xf32, #tpu.memory_space<vmem>>, vector<16xf32>,
          %swap3A_251 = arith.index_cast %scan3A_240 : i32 to index
          %swap3A_252 = arith.constant 64 : index
          %swap3A_253 = tpu.vector_load %arg14[%swap3A_251, %swap3A_252] {strides = array<i32>} : memref<64x128xf32, #tpu.memory_space<vmem>>, vector<16xf32>,
          tpu.vector_store %arg14[%swap3A_251, %swap3A_252], %bitcast3A_248 {strides = array<i32>} : memref<64x128xf32, #tpu.memory_space<vmem>>, vector<16xf32>,
          %get3A_254 = arith.index_cast %scan3A_240 : i32 to index
          %get3A_255 = arith.constant 16 : index
          %get3A_256 = tpu.vector_load %arg10[%get3A_254, %get3A_255] {strides = array<i32>} : memref<64x64xi32, #tpu.memory_space<vmem>>, vector<16xi32>,
          %shift_left3A_257 = arith.constant 16 : i32
          %shift_left3A_258 = vector.broadcast %shift_left3A_257 : i32 to vector<16xi32>
          %shift_left3A_259 = arith.shli %get3A_256, %shift_left3A_258 : vector<16xi32>
          %bitcast3A_260 = vector.bitcast %shift_left3A_259 : vector<16xi32> to vector<16xf32>
          %and3A_261 = arith.constant -65536 : i32
          %and3A_262 = vector.broadcast %and3A_261 : i32 to vector<16xi32>
          %and3A_263 = arith.andi %get3A_256, %and3A_262 : vector<16xi32>
          %bitcast3A_264 = vector.bitcast %and3A_263 : vector<16xi32> to vector<16xf32>
          %swap3A_265 = arith.index_cast %scan3A_240 : i32 to index
          %swap3A_266 = arith.constant 16 : index
          %swap3A_267 = tpu.vector_load %arg14[%swap3A_265, %swap3A_266] {strides = array<i32>} : memref<64x128xf32, #tpu.memory_space<vmem>>, vector<16xf32>,
          tpu.vector_store %arg14[%swap3A_265, %swap3A_266], %bitcast3A_260 {strides = array<i32>} : memref<64x128xf32, #tpu.memory_space<vmem>>, vector<16xf32>,
          %swap3A_268 = arith.index_cast %scan3A_240 : i32 to index
          %swap3A_269 = arith.constant 80 : index
          %swap3A_270 = tpu.vector_load %arg14[%swap3A_268, %swap3A_269] {strides = array<i32>} : memref<64x128xf32, #tpu.memory_space<vmem>>, vector<16xf32>,
          tpu.vector_store %arg14[%swap3A_268, %swap3A_269], %bitcast3A_264 {strides = array<i32>} : memref<64x128xf32, #tpu.memory_space<vmem>>, vector<16xf32>,
          %get3A_271 = arith.index_cast %scan3A_240 : i32 to index
          %get3A_272 = arith.constant 32 : index
          %get3A_273 = tpu.vector_load %arg10[%get3A_271, %get3A_272] {strides = array<i32>} : memref<64x64xi32, #tpu.memory_space<vmem>>, vector<16xi32>,
          %shift_left3A_274 = arith.constant 16 : i32
          %shift_left3A_275 = vector.broadcast %shift_left3A_274 : i32 to vector<16xi32>
          %shift_left3A_276 = arith.shli %get3A_273, %shift_left3A_275 : vector<16xi32>
          %bitcast3A_277 = vector.bitcast %shift_left3A_276 : vector<16xi32> to vector<16xf32>
          %and3A_278 = arith.constant -65536 : i32
          %and3A_279 = vector.broadcast %and3A_278 : i32 to vector<16xi32>
          %and3A_280 = arith.andi %get3A_273, %and3A_279 : vector<16xi32>
          %bitcast3A_281 = vector.bitcast %and3A_280 : vector<16xi32> to vector<16xf32>
          %swap3A_282 = arith.index_cast %scan3A_240 : i32 to index
          %swap3A_283 = arith.constant 32 : index
          %swap3A_284 = tpu.vector_load %arg14[%swap3A_282, %swap3A_283] {strides = array<i32>} : memref<64x128xf32, #tpu.memory_space<vmem>>, vector<16xf32>,
          tpu.vector_store %arg14[%swap3A_282, %swap3A_283], %bitcast3A_277 {strides = array<i32>} : memref<64x128xf32, #tpu.memory_space<vmem>>, vector<16xf32>,
          %swap3A_285 = arith.index_cast %scan3A_240 : i32 to index
          %swap3A_286 = arith.constant 96 : index
          %swap3A_287 = tpu.vector_load %arg14[%swap3A_285, %swap3A_286] {strides = array<i32>} : memref<64x128xf32, #tpu.memory_space<vmem>>, vector<16xf32>,
          tpu.vector_store %arg14[%swap3A_285, %swap3A_286], %bitcast3A_281 {strides = array<i32>} : memref<64x128xf32, #tpu.memory_space<vmem>>, vector<16xf32>,
          %get3A_288 = arith.index_cast %scan3A_240 : i32 to index
          %get3A_289 = arith.constant 48 : index
          %get3A_290 = tpu.vector_load %arg10[%get3A_288, %get3A_289] {strides = array<i32>} : memref<64x64xi32, #tpu.memory_space<vmem>>, vector<16xi32>,
          %shift_left3A_291 = arith.constant 16 : i32
          %shift_left3A_292 = vector.broadcast %shift_left3A_291 : i32 to vector<16xi32>
          %shift_left3A_293 = arith.shli %get3A_290, %shift_left3A_292 : vector<16xi32>
          %bitcast3A_294 = vector.bitcast %shift_left3A_293 : vector<16xi32> to vector<16xf32>
          %and3A_295 = arith.constant -65536 : i32
          %and3A_296 = vector.broadcast %and3A_295 : i32 to vector<16xi32>
          %and3A_297 = arith.andi %get3A_290, %and3A_296 : vector<16xi32>
          %bitcast3A_298 = vector.bitcast %and3A_297 : vector<16xi32> to vector<16xf32>
          %swap3A_299 = arith.index_cast %scan3A_240 : i32 to index
          %swap3A_300 = arith.constant 48 : index
          %swap3A_301 = tpu.vector_load %arg14[%swap3A_299, %swap3A_300] {strides = array<i32>} : memref<64x128xf32, #tpu.memory_space<vmem>>, vector<16xf32>,
          tpu.vector_store %arg14[%swap3A_299, %swap3A_300], %bitcast3A_294 {strides = array<i32>} : memref<64x128xf32, #tpu.memory_space<vmem>>, vector<16xf32>,
          %swap3A_302 = arith.index_cast %scan3A_240 : i32 to index
          %swap3A_303 = arith.constant 112 : index
          %swap3A_304 = tpu.vector_load %arg14[%swap3A_302, %swap3A_303] {strides = array<i32>} : memref<64x128xf32, #tpu.memory_space<vmem>>, vector<16xf32>,
          tpu.vector_store %arg14[%swap3A_302, %swap3A_303], %bitcast3A_298 {strides = array<i32>} : memref<64x128xf32, #tpu.memory_space<vmem>>, vector<16xf32>,
          %scan3A_305 = arith.constant 0 : i32
          scf.yield %scan3A_305 : i32
        }
        %scan3A_115 = arith.constant 64 : i32
        %dma_start3A_116 = arith.constant 0 : i32
        %dma_start3A_117 = tpu.memref_slice %arg9[%add3A_80, %dma_start3A_116] : memref<64x64xi32, #tpu.memory_space<vmem>> -> memref<1x64xi32, #tpu.memory_space<vmem>>
        %dma_start3A_118 = tpu.memref_squeeze %dma_start3A_117 : memref<1x64xi32, #tpu.memory_space<vmem>> -> memref<64xi32, #tpu.memory_space<vmem>>
        %dma_start3A_119 = arith.constant 0 : i32
        %dma_start3A_120 = arith.constant 0 : i32
        %dma_start3A_121 = tpu.memref_slice %arg7[%dma_start3A_119, %dma_start3A_120] : memref<10240x128xf32, #tpu.memory_space<vmem_shared>> -> memref<10240x128xf32, #tpu.memory_space<vmem_shared>>
        tpu.enqueue_indirect_dma source(%arg14 : memref<64x128xf32, #tpu.memory_space<vmem>>) target(%dma_start3A_121 : memref<10240x128xf32, #tpu.memory_space<vmem_shared>>) offsets(%dma_start3A_118 : memref<64xi32, #tpu.memory_space<vmem>>) semaphore(%arg20 : memref<!tpu.dma_semaphore, #tpu.memory_space<semaphore_mem>>) {add = true}
        %mul3A_122 = arith.constant 4 : i32
        %mul3A_123 = arith.muli %scan3A_75, %mul3A_122 : i32
        %add3A_124 = arith.constant 1 : i32
        %add3A_125 = arith.addi %mul3A_123, %add3A_124 : i32
        %dma_wait3A_126 = arith.constant 0 : i32
        %dma_wait3A_127 = arith.constant 0 : i32
        %dma_wait3A_128 = tpu.memref_slice %arg8[%dma_wait3A_126, %dma_wait3A_127] : memref<64x64xi32, #tpu.memory_space<vmem>> -> memref<1x64xi32, #tpu.memory_space<vmem>>
        %dma_wait3A_129 = tpu.memref_squeeze %dma_wait3A_128 : memref<1x64xi32, #tpu.memory_space<vmem>> -> memref<64xi32, #tpu.memory_space<vmem>>
        %dma_wait3A_130 = arith.constant 0 : i32
        %dma_wait3A_131 = arith.constant 0 : i32
        %dma_wait3A_132 = tpu.memref_slice %arg3[%arg0, %dma_wait3A_130, %dma_wait3A_131] : memref<2x10240x64xi32, #tpu.memory_space<hbm>> -> memref<1x10240x64xi32, #tpu.memory_space<hbm>>
        %dma_wait3A_133 = tpu.memref_squeeze %dma_wait3A_132 : memref<1x10240x64xi32, #tpu.memory_space<hbm>> -> memref<10240x64xi32, #tpu.memory_space<hbm>>
        %dma_wait3A_134 = arith.constant 0 : i32
        %dma_wait3A_135 = arith.constant 0 : i32
        %dma_wait3A_136 = tpu.memref_slice %dma_wait3A_133[%dma_wait3A_134, %dma_wait3A_135] : memref<10240x64xi32, #tpu.memory_space<hbm>> -> memref<10240x64xi32, #tpu.memory_space<hbm>>
        tpu.wait_indirect_dma semaphore(%arg17 : memref<!tpu.dma_semaphore, #tpu.memory_space<semaphore_mem>>) src(%dma_wait3A_136 : memref<10240x64xi32, #tpu.memory_space<hbm>>) dst(%arg11 : memref<64x64xi32, #tpu.memory_space<vmem>>)
        %lt3A = arith.constant 15 : i32
        %lt3A_137 = arith.cmpi slt, %scan3A_75, %lt3A : i32
        %convert_element_type3A_138 = arith.extui %lt3A_137 : i1 to i32
        %cond3A_139 = arith.constant 0 : i32
        %cond3A_140 = arith.cmpi ne, %convert_element_type3A_138, %cond3A_139 : i32
        scf.if %cond3A_140 {
          %add3A_240 = arith.constant 3 : i32
          %add3A_241 = arith.addi %add3A_125, %add3A_240 : i32
          %dma_start3A_242 = arith.constant 0 : i32
          %dma_start3A_243 = tpu.memref_slice %arg8[%add3A_241, %dma_start3A_242] : memref<64x64xi32, #tpu.memory_space<vmem>> -> memref<1x64xi32, #tpu.memory_space<vmem>>
          %dma_start3A_244 = tpu.memref_squeeze %dma_start3A_243 : memref<1x64xi32, #tpu.memory_space<vmem>> -> memref<64xi32, #tpu.memory_space<vmem>>
          %dma_start3A_245 = arith.constant 0 : i32
          %dma_start3A_246 = arith.constant 0 : i32
          %dma_start3A_247 = tpu.memref_slice %arg3[%arg0, %dma_start3A_245, %dma_start3A_246] : memref<2x10240x64xi32, #tpu.memory_space<hbm>> -> memref<1x10240x64xi32, #tpu.memory_space<hbm>>
          %dma_start3A_248 = tpu.memref_squeeze %dma_start3A_247 : memref<1x10240x64xi32, #tpu.memory_space<hbm>> -> memref<10240x64xi32, #tpu.memory_space<hbm>>
          %dma_start3A_249 = arith.constant 0 : i32
          %dma_start3A_250 = arith.constant 0 : i32
          %dma_start3A_251 = tpu.memref_slice %dma_start3A_248[%dma_start3A_249, %dma_start3A_250] : memref<10240x64xi32, #tpu.memory_space<hbm>> -> memref<10240x64xi32, #tpu.memory_space<hbm>>
          tpu.enqueue_indirect_dma source(%dma_start3A_251 : memref<10240x64xi32, #tpu.memory_space<hbm>>) target(%arg10 : memref<64x64xi32, #tpu.memory_space<vmem>>) offsets(%dma_start3A_244 : memref<64xi32, #tpu.memory_space<vmem>>) semaphore(%arg16 : memref<!tpu.dma_semaphore, #tpu.memory_space<semaphore_mem>>)
        } else {
        }
        %gt3A_141 = arith.constant 0 : i32
        %gt3A_142 = arith.cmpi sgt, %scan3A_75, %gt3A_141 : i32
        %convert_element_type3A_143 = arith.extui %gt3A_142 : i1 to i32
        %cond3A_144 = arith.constant 0 : i32
        %cond3A_145 = arith.cmpi ne, %convert_element_type3A_143, %cond3A_144 : i32
        scf.if %cond3A_145 {
          %dma_wait3A_240 = arith.constant 0 : i32
          %dma_wait3A_241 = arith.constant 0 : i32
          %dma_wait3A_242 = tpu.memref_slice %arg9[%dma_wait3A_240, %dma_wait3A_241] : memref<64x64xi32, #tpu.memory_space<vmem>> -> memref<1x64xi32, #tpu.memory_space<vmem>>
          %dma_wait3A_243 = tpu.memref_squeeze %dma_wait3A_242 : memref<1x64xi32, #tpu.memory_space<vmem>> -> memref<64xi32, #tpu.memory_space<vmem>>
          %dma_wait3A_244 = arith.constant 0 : i32
          %dma_wait3A_245 = arith.constant 0 : i32
          %dma_wait3A_246 = tpu.memref_slice %arg7[%dma_wait3A_244, %dma_wait3A_245] : memref<10240x128xf32, #tpu.memory_space<vmem_shared>> -> memref<10240x128xf32, #tpu.memory_space<vmem_shared>>
          tpu.wait_indirect_dma semaphore(%arg21 : memref<!tpu.dma_semaphore, #tpu.memory_space<semaphore_mem>>) src(%arg15 : memref<64x128xf32, #tpu.memory_space<vmem>>) dst(%dma_wait3A_246 : memref<10240x128xf32, #tpu.memory_space<vmem_shared>>)
        } else {
        }
        %scan3A_146 = arith.constant 0 : i32
        %scan3A_147 = arith.constant 0 : i32
        %scan3A_148 = arith.constant 64 : i32
        %scan3A_149 = arith.addi %scan3A_147, %scan3A_148 : i32
        %scan3A_150 = arith.constant 1 : i32
        %scan3A_151 = scf.for %scan3A_240 = %scan3A_147 to %scan3A_149 step %scan3A_150 iter_args(%scan3A_241 = %scan3A_146) -> (i32)  : i32 {
          %get3A = arith.index_cast %scan3A_240 : i32 to index
          %get3A_242 = arith.constant 0 : index
          %get3A_243 = tpu.vector_load %arg11[%get3A, %get3A_242] {strides = array<i32>} : memref<64x64xi32, #tpu.memory_space<vmem>>, vector<16xi32>,
          %shift_left3A = arith.constant 16 : i32
          %shift_left3A_244 = vector.broadcast %shift_left3A : i32 to vector<16xi32>
          %shift_left3A_245 = arith.shli %get3A_243, %shift_left3A_244 : vector<16xi32>
          %bitcast3A = vector.bitcast %shift_left3A_245 : vector<16xi32> to vector<16xf32>
          %and3A = arith.constant -65536 : i32
          %and3A_246 = vector.broadcast %and3A : i32 to vector<16xi32>
          %and3A_247 = arith.andi %get3A_243, %and3A_246 : vector<16xi32>
          %bitcast3A_248 = vector.bitcast %and3A_247 : vector<16xi32> to vector<16xf32>
          %swap3A = arith.index_cast %scan3A_240 : i32 to index
          %swap3A_249 = arith.constant 0 : index
          %swap3A_250 = tpu.vector_load %arg15[%swap3A, %swap3A_249] {strides = array<i32>} : memref<64x128xf32, #tpu.memory_space<vmem>>, vector<16xf32>,
          tpu.vector_store %arg15[%swap3A, %swap3A_249], %bitcast3A {strides = array<i32>} : memref<64x128xf32, #tpu.memory_space<vmem>>, vector<16xf32>,
          %swap3A_251 = arith.index_cast %scan3A_240 : i32 to index
          %swap3A_252 = arith.constant 64 : index
          %swap3A_253 = tpu.vector_load %arg15[%swap3A_251, %swap3A_252] {strides = array<i32>} : memref<64x128xf32, #tpu.memory_space<vmem>>, vector<16xf32>,
          tpu.vector_store %arg15[%swap3A_251, %swap3A_252], %bitcast3A_248 {strides = array<i32>} : memref<64x128xf32, #tpu.memory_space<vmem>>, vector<16xf32>,
          %get3A_254 = arith.index_cast %scan3A_240 : i32 to index
          %get3A_255 = arith.constant 16 : index
          %get3A_256 = tpu.vector_load %arg11[%get3A_254, %get3A_255] {strides = array<i32>} : memref<64x64xi32, #tpu.memory_space<vmem>>, vector<16xi32>,
          %shift_left3A_257 = arith.constant 16 : i32
          %shift_left3A_258 = vector.broadcast %shift_left3A_257 : i32 to vector<16xi32>
          %shift_left3A_259 = arith.shli %get3A_256, %shift_left3A_258 : vector<16xi32>
          %bitcast3A_260 = vector.bitcast %shift_left3A_259 : vector<16xi32> to vector<16xf32>
          %and3A_261 = arith.constant -65536 : i32
          %and3A_262 = vector.broadcast %and3A_261 : i32 to vector<16xi32>
          %and3A_263 = arith.andi %get3A_256, %and3A_262 : vector<16xi32>
          %bitcast3A_264 = vector.bitcast %and3A_263 : vector<16xi32> to vector<16xf32>
          %swap3A_265 = arith.index_cast %scan3A_240 : i32 to index
          %swap3A_266 = arith.constant 16 : index
          %swap3A_267 = tpu.vector_load %arg15[%swap3A_265, %swap3A_266] {strides = array<i32>} : memref<64x128xf32, #tpu.memory_space<vmem>>, vector<16xf32>,
          tpu.vector_store %arg15[%swap3A_265, %swap3A_266], %bitcast3A_260 {strides = array<i32>} : memref<64x128xf32, #tpu.memory_space<vmem>>, vector<16xf32>,
          %swap3A_268 = arith.index_cast %scan3A_240 : i32 to index
          %swap3A_269 = arith.constant 80 : index
          %swap3A_270 = tpu.vector_load %arg15[%swap3A_268, %swap3A_269] {strides = array<i32>} : memref<64x128xf32, #tpu.memory_space<vmem>>, vector<16xf32>,
          tpu.vector_store %arg15[%swap3A_268, %swap3A_269], %bitcast3A_264 {strides = array<i32>} : memref<64x128xf32, #tpu.memory_space<vmem>>, vector<16xf32>,
          %get3A_271 = arith.index_cast %scan3A_240 : i32 to index
          %get3A_272 = arith.constant 32 : index
          %get3A_273 = tpu.vector_load %arg11[%get3A_271, %get3A_272] {strides = array<i32>} : memref<64x64xi32, #tpu.memory_space<vmem>>, vector<16xi32>,
          %shift_left3A_274 = arith.constant 16 : i32
          %shift_left3A_275 = vector.broadcast %shift_left3A_274 : i32 to vector<16xi32>
          %shift_left3A_276 = arith.shli %get3A_273, %shift_left3A_275 : vector<16xi32>
          %bitcast3A_277 = vector.bitcast %shift_left3A_276 : vector<16xi32> to vector<16xf32>
          %and3A_278 = arith.constant -65536 : i32
          %and3A_279 = vector.broadcast %and3A_278 : i32 to vector<16xi32>
          %and3A_280 = arith.andi %get3A_273, %and3A_279 : vector<16xi32>
          %bitcast3A_281 = vector.bitcast %and3A_280 : vector<16xi32> to vector<16xf32>
          %swap3A_282 = arith.index_cast %scan3A_240 : i32 to index
          %swap3A_283 = arith.constant 32 : index
          %swap3A_284 = tpu.vector_load %arg15[%swap3A_282, %swap3A_283] {strides = array<i32>} : memref<64x128xf32, #tpu.memory_space<vmem>>, vector<16xf32>,
          tpu.vector_store %arg15[%swap3A_282, %swap3A_283], %bitcast3A_277 {strides = array<i32>} : memref<64x128xf32, #tpu.memory_space<vmem>>, vector<16xf32>,
          %swap3A_285 = arith.index_cast %scan3A_240 : i32 to index
          %swap3A_286 = arith.constant 96 : index
          %swap3A_287 = tpu.vector_load %arg15[%swap3A_285, %swap3A_286] {strides = array<i32>} : memref<64x128xf32, #tpu.memory_space<vmem>>, vector<16xf32>,
          tpu.vector_store %arg15[%swap3A_285, %swap3A_286], %bitcast3A_281 {strides = array<i32>} : memref<64x128xf32, #tpu.memory_space<vmem>>, vector<16xf32>,
          %get3A_288 = arith.index_cast %scan3A_240 : i32 to index
          %get3A_289 = arith.constant 48 : index
          %get3A_290 = tpu.vector_load %arg11[%get3A_288, %get3A_289] {strides = array<i32>} : memref<64x64xi32, #tpu.memory_space<vmem>>, vector<16xi32>,
          %shift_left3A_291 = arith.constant 16 : i32
          %shift_left3A_292 = vector.broadcast %shift_left3A_291 : i32 to vector<16xi32>
          %shift_left3A_293 = arith.shli %get3A_290, %shift_left3A_292 : vector<16xi32>
          %bitcast3A_294 = vector.bitcast %shift_left3A_293 : vector<16xi32> to vector<16xf32>
          %and3A_295 = arith.constant -65536 : i32
          %and3A_296 = vector.broadcast %and3A_295 : i32 to vector<16xi32>
          %and3A_297 = arith.andi %get3A_290, %and3A_296 : vector<16xi32>
          %bitcast3A_298 = vector.bitcast %and3A_297 : vector<16xi32> to vector<16xf32>
          %swap3A_299 = arith.index_cast %scan3A_240 : i32 to index
          %swap3A_300 = arith.constant 48 : index
          %swap3A_301 = tpu.vector_load %arg15[%swap3A_299, %swap3A_300] {strides = array<i32>} : memref<64x128xf32, #tpu.memory_space<vmem>>, vector<16xf32>,
          tpu.vector_store %arg15[%swap3A_299, %swap3A_300], %bitcast3A_294 {strides = array<i32>} : memref<64x128xf32, #tpu.memory_space<vmem>>, vector<16xf32>,
          %swap3A_302 = arith.index_cast %scan3A_240 : i32 to index
          %swap3A_303 = arith.constant 112 : index
          %swap3A_304 = tpu.vector_load %arg15[%swap3A_302, %swap3A_303] {strides = array<i32>} : memref<64x128xf32, #tpu.memory_space<vmem>>, vector<16xf32>,
          tpu.vector_store %arg15[%swap3A_302, %swap3A_303], %bitcast3A_298 {strides = array<i32>} : memref<64x128xf32, #tpu.memory_space<vmem>>, vector<16xf32>,
          %scan3A_305 = arith.constant 0 : i32
          scf.yield %scan3A_305 : i32
        }
        %scan3A_152 = arith.constant 64 : i32
        %dma_start3A_153 = arith.constant 0 : i32
        %dma_start3A_154 = tpu.memref_slice %arg9[%add3A_125, %dma_start3A_153] : memref<64x64xi32, #tpu.memory_space<vmem>> -> memref<1x64xi32, #tpu.memory_space<vmem>>
        %dma_start3A_155 = tpu.memref_squeeze %dma_start3A_154 : memref<1x64xi32, #tpu.memory_space<vmem>> -> memref<64xi32, #tpu.memory_space<vmem>>
        %dma_start3A_156 = arith.constant 0 : i32
        %dma_start3A_157 = arith.constant 0 : i32
        %dma_start3A_158 = tpu.memref_slice %arg7[%dma_start3A_156, %dma_start3A_157] : memref<10240x128xf32, #tpu.memory_space<vmem_shared>> -> memref<10240x128xf32, #tpu.memory_space<vmem_shared>>
        tpu.enqueue_indirect_dma source(%arg15 : memref<64x128xf32, #tpu.memory_space<vmem>>) target(%dma_start3A_158 : memref<10240x128xf32, #tpu.memory_space<vmem_shared>>) offsets(%dma_start3A_155 : memref<64xi32, #tpu.memory_space<vmem>>) semaphore(%arg21 : memref<!tpu.dma_semaphore, #tpu.memory_space<semaphore_mem>>) {add = true}
        %mul3A_159 = arith.constant 4 : i32
        %mul3A_160 = arith.muli %scan3A_75, %mul3A_159 : i32
        %add3A_161 = arith.constant 2 : i32
        %add3A_162 = arith.addi %mul3A_160, %add3A_161 : i32
        %dma_wait3A_163 = arith.constant 0 : i32
        %dma_wait3A_164 = arith.constant 0 : i32
        %dma_wait3A_165 = tpu.memref_slice %arg8[%dma_wait3A_163, %dma_wait3A_164] : memref<64x64xi32, #tpu.memory_space<vmem>> -> memref<1x64xi32, #tpu.memory_space<vmem>>
        %dma_wait3A_166 = tpu.memref_squeeze %dma_wait3A_165 : memref<1x64xi32, #tpu.memory_space<vmem>> -> memref<64xi32, #tpu.memory_space<vmem>>
        %dma_wait3A_167 = arith.constant 0 : i32
        %dma_wait3A_168 = arith.constant 0 : i32
        %dma_wait3A_169 = tpu.memref_slice %arg3[%arg0, %dma_wait3A_167, %dma_wait3A_168] : memref<2x10240x64xi32, #tpu.memory_space<hbm>> -> memref<1x10240x64xi32, #tpu.memory_space<hbm>>
        %dma_wait3A_170 = tpu.memref_squeeze %dma_wait3A_169 : memref<1x10240x64xi32, #tpu.memory_space<hbm>> -> memref<10240x64xi32, #tpu.memory_space<hbm>>
        %dma_wait3A_171 = arith.constant 0 : i32
        %dma_wait3A_172 = arith.constant 0 : i32
        %dma_wait3A_173 = tpu.memref_slice %dma_wait3A_170[%dma_wait3A_171, %dma_wait3A_172] : memref<10240x64xi32, #tpu.memory_space<hbm>> -> memref<10240x64xi32, #tpu.memory_space<hbm>>
        tpu.wait_indirect_dma semaphore(%arg18 : memref<!tpu.dma_semaphore, #tpu.memory_space<semaphore_mem>>) src(%dma_wait3A_173 : memref<10240x64xi32, #tpu.memory_space<hbm>>) dst(%arg12 : memref<64x64xi32, #tpu.memory_space<vmem>>)
        %lt3A_174 = arith.constant 15 : i32
        %lt3A_175 = arith.cmpi slt, %scan3A_75, %lt3A_174 : i32
        %convert_element_type3A_176 = arith.extui %lt3A_175 : i1 to i32
        %cond3A_177 = arith.constant 0 : i32
        %cond3A_178 = arith.cmpi ne, %convert_element_type3A_176, %cond3A_177 : i32
        scf.if %cond3A_178 {
          %add3A_240 = arith.constant 3 : i32
          %add3A_241 = arith.addi %add3A_162, %add3A_240 : i32
          %dma_start3A_242 = arith.constant 0 : i32
          %dma_start3A_243 = tpu.memref_slice %arg8[%add3A_241, %dma_start3A_242] : memref<64x64xi32, #tpu.memory_space<vmem>> -> memref<1x64xi32, #tpu.memory_space<vmem>>
          %dma_start3A_244 = tpu.memref_squeeze %dma_start3A_243 : memref<1x64xi32, #tpu.memory_space<vmem>> -> memref<64xi32, #tpu.memory_space<vmem>>
          %dma_start3A_245 = arith.constant 0 : i32
          %dma_start3A_246 = arith.constant 0 : i32
          %dma_start3A_247 = tpu.memref_slice %arg3[%arg0, %dma_start3A_245, %dma_start3A_246] : memref<2x10240x64xi32, #tpu.memory_space<hbm>> -> memref<1x10240x64xi32, #tpu.memory_space<hbm>>
          %dma_start3A_248 = tpu.memref_squeeze %dma_start3A_247 : memref<1x10240x64xi32, #tpu.memory_space<hbm>> -> memref<10240x64xi32, #tpu.memory_space<hbm>>
          %dma_start3A_249 = arith.constant 0 : i32
          %dma_start3A_250 = arith.constant 0 : i32
          %dma_start3A_251 = tpu.memref_slice %dma_start3A_248[%dma_start3A_249, %dma_start3A_250] : memref<10240x64xi32, #tpu.memory_space<hbm>> -> memref<10240x64xi32, #tpu.memory_space<hbm>>
          tpu.enqueue_indirect_dma source(%dma_start3A_251 : memref<10240x64xi32, #tpu.memory_space<hbm>>) target(%arg11 : memref<64x64xi32, #tpu.memory_space<vmem>>) offsets(%dma_start3A_244 : memref<64xi32, #tpu.memory_space<vmem>>) semaphore(%arg17 : memref<!tpu.dma_semaphore, #tpu.memory_space<semaphore_mem>>)
        } else {
        }
        %dma_wait3A_179 = arith.constant 0 : i32
        %dma_wait3A_180 = arith.constant 0 : i32
        %dma_wait3A_181 = tpu.memref_slice %arg9[%dma_wait3A_179, %dma_wait3A_180] : memref<64x64xi32, #tpu.memory_space<vmem>> -> memref<1x64xi32, #tpu.memory_space<vmem>>
        %dma_wait3A_182 = tpu.memref_squeeze %dma_wait3A_181 : memref<1x64xi32, #tpu.memory_space<vmem>> -> memref<64xi32, #tpu.memory_space<vmem>>
        %dma_wait3A_183 = arith.constant 0 : i32
        %dma_wait3A_184 = arith.constant 0 : i32
        %dma_wait3A_185 = tpu.memref_slice %arg7[%dma_wait3A_183, %dma_wait3A_184] : memref<10240x128xf32, #tpu.memory_space<vmem_shared>> -> memref<10240x128xf32, #tpu.memory_space<vmem_shared>>
        tpu.wait_indirect_dma semaphore(%arg20 : memref<!tpu.dma_semaphore, #tpu.memory_space<semaphore_mem>>) src(%arg14 : memref<64x128xf32, #tpu.memory_space<vmem>>) dst(%dma_wait3A_185 : memref<10240x128xf32, #tpu.memory_space<vmem_shared>>)
        %scan3A_186 = arith.constant 0 : i32
        %scan3A_187 = arith.constant 0 : i32
        %scan3A_188 = arith.constant 64 : i32
        %scan3A_189 = arith.addi %scan3A_187, %scan3A_188 : i32
        %scan3A_190 = arith.constant 1 : i32
        %scan3A_191 = scf.for %scan3A_240 = %scan3A_187 to %scan3A_189 step %scan3A_190 iter_args(%scan3A_241 = %scan3A_186) -> (i32)  : i32 {
          %get3A = arith.index_cast %scan3A_240 : i32 to index
          %get3A_242 = arith.constant 0 : index
          %get3A_243 = tpu.vector_load %arg12[%get3A, %get3A_242] {strides = array<i32>} : memref<64x64xi32, #tpu.memory_space<vmem>>, vector<16xi32>,
          %shift_left3A = arith.constant 16 : i32
          %shift_left3A_244 = vector.broadcast %shift_left3A : i32 to vector<16xi32>
          %shift_left3A_245 = arith.shli %get3A_243, %shift_left3A_244 : vector<16xi32>
          %bitcast3A = vector.bitcast %shift_left3A_245 : vector<16xi32> to vector<16xf32>
          %and3A = arith.constant -65536 : i32
          %and3A_246 = vector.broadcast %and3A : i32 to vector<16xi32>
          %and3A_247 = arith.andi %get3A_243, %and3A_246 : vector<16xi32>
          %bitcast3A_248 = vector.bitcast %and3A_247 : vector<16xi32> to vector<16xf32>
          %swap3A = arith.index_cast %scan3A_240 : i32 to index
          %swap3A_249 = arith.constant 0 : index
          %swap3A_250 = tpu.vector_load %arg14[%swap3A, %swap3A_249] {strides = array<i32>} : memref<64x128xf32, #tpu.memory_space<vmem>>, vector<16xf32>,
          tpu.vector_store %arg14[%swap3A, %swap3A_249], %bitcast3A {strides = array<i32>} : memref<64x128xf32, #tpu.memory_space<vmem>>, vector<16xf32>,
          %swap3A_251 = arith.index_cast %scan3A_240 : i32 to index
          %swap3A_252 = arith.constant 64 : index
          %swap3A_253 = tpu.vector_load %arg14[%swap3A_251, %swap3A_252] {strides = array<i32>} : memref<64x128xf32, #tpu.memory_space<vmem>>, vector<16xf32>,
          tpu.vector_store %arg14[%swap3A_251, %swap3A_252], %bitcast3A_248 {strides = array<i32>} : memref<64x128xf32, #tpu.memory_space<vmem>>, vector<16xf32>,
          %get3A_254 = arith.index_cast %scan3A_240 : i32 to index
          %get3A_255 = arith.constant 16 : index
          %get3A_256 = tpu.vector_load %arg12[%get3A_254, %get3A_255] {strides = array<i32>} : memref<64x64xi32, #tpu.memory_space<vmem>>, vector<16xi32>,
          %shift_left3A_257 = arith.constant 16 : i32
          %shift_left3A_258 = vector.broadcast %shift_left3A_257 : i32 to vector<16xi32>
          %shift_left3A_259 = arith.shli %get3A_256, %shift_left3A_258 : vector<16xi32>
          %bitcast3A_260 = vector.bitcast %shift_left3A_259 : vector<16xi32> to vector<16xf32>
          %and3A_261 = arith.constant -65536 : i32
          %and3A_262 = vector.broadcast %and3A_261 : i32 to vector<16xi32>
          %and3A_263 = arith.andi %get3A_256, %and3A_262 : vector<16xi32>
          %bitcast3A_264 = vector.bitcast %and3A_263 : vector<16xi32> to vector<16xf32>
          %swap3A_265 = arith.index_cast %scan3A_240 : i32 to index
          %swap3A_266 = arith.constant 16 : index
          %swap3A_267 = tpu.vector_load %arg14[%swap3A_265, %swap3A_266] {strides = array<i32>} : memref<64x128xf32, #tpu.memory_space<vmem>>, vector<16xf32>,
          tpu.vector_store %arg14[%swap3A_265, %swap3A_266], %bitcast3A_260 {strides = array<i32>} : memref<64x128xf32, #tpu.memory_space<vmem>>, vector<16xf32>,
          %swap3A_268 = arith.index_cast %scan3A_240 : i32 to index
          %swap3A_269 = arith.constant 80 : index
          %swap3A_270 = tpu.vector_load %arg14[%swap3A_268, %swap3A_269] {strides = array<i32>} : memref<64x128xf32, #tpu.memory_space<vmem>>, vector<16xf32>,
          tpu.vector_store %arg14[%swap3A_268, %swap3A_269], %bitcast3A_264 {strides = array<i32>} : memref<64x128xf32, #tpu.memory_space<vmem>>, vector<16xf32>,
          %get3A_271 = arith.index_cast %scan3A_240 : i32 to index
          %get3A_272 = arith.constant 32 : index
          %get3A_273 = tpu.vector_load %arg12[%get3A_271, %get3A_272] {strides = array<i32>} : memref<64x64xi32, #tpu.memory_space<vmem>>, vector<16xi32>,
          %shift_left3A_274 = arith.constant 16 : i32
          %shift_left3A_275 = vector.broadcast %shift_left3A_274 : i32 to vector<16xi32>
          %shift_left3A_276 = arith.shli %get3A_273, %shift_left3A_275 : vector<16xi32>
          %bitcast3A_277 = vector.bitcast %shift_left3A_276 : vector<16xi32> to vector<16xf32>
          %and3A_278 = arith.constant -65536 : i32
          %and3A_279 = vector.broadcast %and3A_278 : i32 to vector<16xi32>
          %and3A_280 = arith.andi %get3A_273, %and3A_279 : vector<16xi32>
          %bitcast3A_281 = vector.bitcast %and3A_280 : vector<16xi32> to vector<16xf32>
          %swap3A_282 = arith.index_cast %scan3A_240 : i32 to index
          %swap3A_283 = arith.constant 32 : index
          %swap3A_284 = tpu.vector_load %arg14[%swap3A_282, %swap3A_283] {strides = array<i32>} : memref<64x128xf32, #tpu.memory_space<vmem>>, vector<16xf32>,
          tpu.vector_store %arg14[%swap3A_282, %swap3A_283], %bitcast3A_277 {strides = array<i32>} : memref<64x128xf32, #tpu.memory_space<vmem>>, vector<16xf32>,
          %swap3A_285 = arith.index_cast %scan3A_240 : i32 to index
          %swap3A_286 = arith.constant 96 : index
          %swap3A_287 = tpu.vector_load %arg14[%swap3A_285, %swap3A_286] {strides = array<i32>} : memref<64x128xf32, #tpu.memory_space<vmem>>, vector<16xf32>,
          tpu.vector_store %arg14[%swap3A_285, %swap3A_286], %bitcast3A_281 {strides = array<i32>} : memref<64x128xf32, #tpu.memory_space<vmem>>, vector<16xf32>,
          %get3A_288 = arith.index_cast %scan3A_240 : i32 to index
          %get3A_289 = arith.constant 48 : index
          %get3A_290 = tpu.vector_load %arg12[%get3A_288, %get3A_289] {strides = array<i32>} : memref<64x64xi32, #tpu.memory_space<vmem>>, vector<16xi32>,
          %shift_left3A_291 = arith.constant 16 : i32
          %shift_left3A_292 = vector.broadcast %shift_left3A_291 : i32 to vector<16xi32>
          %shift_left3A_293 = arith.shli %get3A_290, %shift_left3A_292 : vector<16xi32>
          %bitcast3A_294 = vector.bitcast %shift_left3A_293 : vector<16xi32> to vector<16xf32>
          %and3A_295 = arith.constant -65536 : i32
          %and3A_296 = vector.broadcast %and3A_295 : i32 to vector<16xi32>
          %and3A_297 = arith.andi %get3A_290, %and3A_296 : vector<16xi32>
          %bitcast3A_298 = vector.bitcast %and3A_297 : vector<16xi32> to vector<16xf32>
          %swap3A_299 = arith.index_cast %scan3A_240 : i32 to index
          %swap3A_300 = arith.constant 48 : index
          %swap3A_301 = tpu.vector_load %arg14[%swap3A_299, %swap3A_300] {strides = array<i32>} : memref<64x128xf32, #tpu.memory_space<vmem>>, vector<16xf32>,
          tpu.vector_store %arg14[%swap3A_299, %swap3A_300], %bitcast3A_294 {strides = array<i32>} : memref<64x128xf32, #tpu.memory_space<vmem>>, vector<16xf32>,
          %swap3A_302 = arith.index_cast %scan3A_240 : i32 to index
          %swap3A_303 = arith.constant 112 : index
          %swap3A_304 = tpu.vector_load %arg14[%swap3A_302, %swap3A_303] {strides = array<i32>} : memref<64x128xf32, #tpu.memory_space<vmem>>, vector<16xf32>,
          tpu.vector_store %arg14[%swap3A_302, %swap3A_303], %bitcast3A_298 {strides = array<i32>} : memref<64x128xf32, #tpu.memory_space<vmem>>, vector<16xf32>,
          %scan3A_305 = arith.constant 0 : i32
          scf.yield %scan3A_305 : i32
        }
        %scan3A_192 = arith.constant 64 : i32
        %dma_start3A_193 = arith.constant 0 : i32
        %dma_start3A_194 = tpu.memref_slice %arg9[%add3A_162, %dma_start3A_193] : memref<64x64xi32, #tpu.memory_space<vmem>> -> memref<1x64xi32, #tpu.memory_space<vmem>>
        %dma_start3A_195 = tpu.memref_squeeze %dma_start3A_194 : memref<1x64xi32, #tpu.memory_space<vmem>> -> memref<64xi32, #tpu.memory_space<vmem>>
        %dma_start3A_196 = arith.constant 0 : i32
        %dma_start3A_197 = arith.constant 0 : i32
        %dma_start3A_198 = tpu.memref_slice %arg7[%dma_start3A_196, %dma_start3A_197] : memref<10240x128xf32, #tpu.memory_space<vmem_shared>> -> memref<10240x128xf32, #tpu.memory_space<vmem_shared>>
        tpu.enqueue_indirect_dma source(%arg14 : memref<64x128xf32, #tpu.memory_space<vmem>>) target(%dma_start3A_198 : memref<10240x128xf32, #tpu.memory_space<vmem_shared>>) offsets(%dma_start3A_195 : memref<64xi32, #tpu.memory_space<vmem>>) semaphore(%arg20 : memref<!tpu.dma_semaphore, #tpu.memory_space<semaphore_mem>>) {add = true}
        %mul3A_199 = arith.constant 4 : i32
        %mul3A_200 = arith.muli %scan3A_75, %mul3A_199 : i32
        %add3A_201 = arith.constant 3 : i32
        %add3A_202 = arith.addi %mul3A_200, %add3A_201 : i32
        %dma_wait3A_203 = arith.constant 0 : i32
        %dma_wait3A_204 = arith.constant 0 : i32
        %dma_wait3A_205 = tpu.memref_slice %arg8[%dma_wait3A_203, %dma_wait3A_204] : memref<64x64xi32, #tpu.memory_space<vmem>> -> memref<1x64xi32, #tpu.memory_space<vmem>>
        %dma_wait3A_206 = tpu.memref_squeeze %dma_wait3A_205 : memref<1x64xi32, #tpu.memory_space<vmem>> -> memref<64xi32, #tpu.memory_space<vmem>>
        %dma_wait3A_207 = arith.constant 0 : i32
        %dma_wait3A_208 = arith.constant 0 : i32
        %dma_wait3A_209 = tpu.memref_slice %arg3[%arg0, %dma_wait3A_207, %dma_wait3A_208] : memref<2x10240x64xi32, #tpu.memory_space<hbm>> -> memref<1x10240x64xi32, #tpu.memory_space<hbm>>
        %dma_wait3A_210 = tpu.memref_squeeze %dma_wait3A_209 : memref<1x10240x64xi32, #tpu.memory_space<hbm>> -> memref<10240x64xi32, #tpu.memory_space<hbm>>
        %dma_wait3A_211 = arith.constant 0 : i32
        %dma_wait3A_212 = arith.constant 0 : i32
        %dma_wait3A_213 = tpu.memref_slice %dma_wait3A_210[%dma_wait3A_211, %dma_wait3A_212] : memref<10240x64xi32, #tpu.memory_space<hbm>> -> memref<10240x64xi32, #tpu.memory_space<hbm>>
        tpu.wait_indirect_dma semaphore(%arg19 : memref<!tpu.dma_semaphore, #tpu.memory_space<semaphore_mem>>) src(%dma_wait3A_213 : memref<10240x64xi32, #tpu.memory_space<hbm>>) dst(%arg13 : memref<64x64xi32, #tpu.memory_space<vmem>>)
        %lt3A_214 = arith.constant 15 : i32
        %lt3A_215 = arith.cmpi slt, %scan3A_75, %lt3A_214 : i32
        %convert_element_type3A_216 = arith.extui %lt3A_215 : i1 to i32
        %cond3A_217 = arith.constant 0 : i32
        %cond3A_218 = arith.cmpi ne, %convert_element_type3A_216, %cond3A_217 : i32
        scf.if %cond3A_218 {
          %add3A_240 = arith.constant 3 : i32
          %add3A_241 = arith.addi %add3A_202, %add3A_240 : i32
          %dma_start3A_242 = arith.constant 0 : i32
          %dma_start3A_243 = tpu.memref_slice %arg8[%add3A_241, %dma_start3A_242] : memref<64x64xi32, #tpu.memory_space<vmem>> -> memref<1x64xi32, #tpu.memory_space<vmem>>
          %dma_start3A_244 = tpu.memref_squeeze %dma_start3A_243 : memref<1x64xi32, #tpu.memory_space<vmem>> -> memref<64xi32, #tpu.memory_space<vmem>>
          %dma_start3A_245 = arith.constant 0 : i32
          %dma_start3A_246 = arith.constant 0 : i32
          %dma_start3A_247 = tpu.memref_slice %arg3[%arg0, %dma_start3A_245, %dma_start3A_246] : memref<2x10240x64xi32, #tpu.memory_space<hbm>> -> memref<1x10240x64xi32, #tpu.memory_space<hbm>>
          %dma_start3A_248 = tpu.memref_squeeze %dma_start3A_247 : memref<1x10240x64xi32, #tpu.memory_space<hbm>> -> memref<10240x64xi32, #tpu.memory_space<hbm>>
          %dma_start3A_249 = arith.constant 0 : i32
          %dma_start3A_250 = arith.constant 0 : i32
          %dma_start3A_251 = tpu.memref_slice %dma_start3A_248[%dma_start3A_249, %dma_start3A_250] : memref<10240x64xi32, #tpu.memory_space<hbm>> -> memref<10240x64xi32, #tpu.memory_space<hbm>>
          tpu.enqueue_indirect_dma source(%dma_start3A_251 : memref<10240x64xi32, #tpu.memory_space<hbm>>) target(%arg12 : memref<64x64xi32, #tpu.memory_space<vmem>>) offsets(%dma_start3A_244 : memref<64xi32, #tpu.memory_space<vmem>>) semaphore(%arg18 : memref<!tpu.dma_semaphore, #tpu.memory_space<semaphore_mem>>)
        } else {
        }
        %dma_wait3A_219 = arith.constant 0 : i32
        %dma_wait3A_220 = arith.constant 0 : i32
        %dma_wait3A_221 = tpu.memref_slice %arg9[%dma_wait3A_219, %dma_wait3A_220] : memref<64x64xi32, #tpu.memory_space<vmem>> -> memref<1x64xi32, #tpu.memory_space<vmem>>
        %dma_wait3A_222 = tpu.memref_squeeze %dma_wait3A_221 : memref<1x64xi32, #tpu.memory_space<vmem>> -> memref<64xi32, #tpu.memory_space<vmem>>
        %dma_wait3A_223 = arith.constant 0 : i32
        %dma_wait3A_224 = arith.constant 0 : i32
        %dma_wait3A_225 = tpu.memref_slice %arg7[%dma_wait3A_223, %dma_wait3A_224] : memref<10240x128xf32, #tpu.memory_space<vmem_shared>> -> memref<10240x128xf32, #tpu.memory_space<vmem_shared>>
        tpu.wait_indirect_dma semaphore(%arg21 : memref<!tpu.dma_semaphore, #tpu.memory_space<semaphore_mem>>) src(%arg15 : memref<64x128xf32, #tpu.memory_space<vmem>>) dst(%dma_wait3A_225 : memref<10240x128xf32, #tpu.memory_space<vmem_shared>>)
        %scan3A_226 = arith.constant 0 : i32
        %scan3A_227 = arith.constant 0 : i32
        %scan3A_228 = arith.constant 64 : i32
        %scan3A_229 = arith.addi %scan3A_227, %scan3A_228 : i32
        %scan3A_230 = arith.constant 1 : i32
        %scan3A_231 = scf.for %scan3A_240 = %scan3A_227 to %scan3A_229 step %scan3A_230 iter_args(%scan3A_241 = %scan3A_226) -> (i32)  : i32 {
          %get3A = arith.index_cast %scan3A_240 : i32 to index
          %get3A_242 = arith.constant 0 : index
          %get3A_243 = tpu.vector_load %arg13[%get3A, %get3A_242] {strides = array<i32>} : memref<64x64xi32, #tpu.memory_space<vmem>>, vector<16xi32>,
          %shift_left3A = arith.constant 16 : i32
          %shift_left3A_244 = vector.broadcast %shift_left3A : i32 to vector<16xi32>
          %shift_left3A_245 = arith.shli %get3A_243, %shift_left3A_244 : vector<16xi32>
          %bitcast3A = vector.bitcast %shift_left3A_245 : vector<16xi32> to vector<16xf32>
          %and3A = arith.constant -65536 : i32
          %and3A_246 = vector.broadcast %and3A : i32 to vector<16xi32>
          %and3A_247 = arith.andi %get3A_243, %and3A_246 : vector<16xi32>
          %bitcast3A_248 = vector.bitcast %and3A_247 : vector<16xi32> to vector<16xf32>
          %swap3A = arith.index_cast %scan3A_240 : i32 to index
          %swap3A_249 = arith.constant 0 : index
          %swap3A_250 = tpu.vector_load %arg15[%swap3A, %swap3A_249] {strides = array<i32>} : memref<64x128xf32, #tpu.memory_space<vmem>>, vector<16xf32>,
          tpu.vector_store %arg15[%swap3A, %swap3A_249], %bitcast3A {strides = array<i32>} : memref<64x128xf32, #tpu.memory_space<vmem>>, vector<16xf32>,
          %swap3A_251 = arith.index_cast %scan3A_240 : i32 to index
          %swap3A_252 = arith.constant 64 : index
          %swap3A_253 = tpu.vector_load %arg15[%swap3A_251, %swap3A_252] {strides = array<i32>} : memref<64x128xf32, #tpu.memory_space<vmem>>, vector<16xf32>,
          tpu.vector_store %arg15[%swap3A_251, %swap3A_252], %bitcast3A_248 {strides = array<i32>} : memref<64x128xf32, #tpu.memory_space<vmem>>, vector<16xf32>,
          %get3A_254 = arith.index_cast %scan3A_240 : i32 to index
          %get3A_255 = arith.constant 16 : index
          %get3A_256 = tpu.vector_load %arg13[%get3A_254, %get3A_255] {strides = array<i32>} : memref<64x64xi32, #tpu.memory_space<vmem>>, vector<16xi32>,
          %shift_left3A_257 = arith.constant 16 : i32
          %shift_left3A_258 = vector.broadcast %shift_left3A_257 : i32 to vector<16xi32>
          %shift_left3A_259 = arith.shli %get3A_256, %shift_left3A_258 : vector<16xi32>
          %bitcast3A_260 = vector.bitcast %shift_left3A_259 : vector<16xi32> to vector<16xf32>
          %and3A_261 = arith.constant -65536 : i32
          %and3A_262 = vector.broadcast %and3A_261 : i32 to vector<16xi32>
          %and3A_263 = arith.andi %get3A_256, %and3A_262 : vector<16xi32>
          %bitcast3A_264 = vector.bitcast %and3A_263 : vector<16xi32> to vector<16xf32>
          %swap3A_265 = arith.index_cast %scan3A_240 : i32 to index
          %swap3A_266 = arith.constant 16 : index
          %swap3A_267 = tpu.vector_load %arg15[%swap3A_265, %swap3A_266] {strides = array<i32>} : memref<64x128xf32, #tpu.memory_space<vmem>>, vector<16xf32>,
          tpu.vector_store %arg15[%swap3A_265, %swap3A_266], %bitcast3A_260 {strides = array<i32>} : memref<64x128xf32, #tpu.memory_space<vmem>>, vector<16xf32>,
          %swap3A_268 = arith.index_cast %scan3A_240 : i32 to index
          %swap3A_269 = arith.constant 80 : index
          %swap3A_270 = tpu.vector_load %arg15[%swap3A_268, %swap3A_269] {strides = array<i32>} : memref<64x128xf32, #tpu.memory_space<vmem>>, vector<16xf32>,
          tpu.vector_store %arg15[%swap3A_268, %swap3A_269], %bitcast3A_264 {strides = array<i32>} : memref<64x128xf32, #tpu.memory_space<vmem>>, vector<16xf32>,
          %get3A_271 = arith.index_cast %scan3A_240 : i32 to index
          %get3A_272 = arith.constant 32 : index
          %get3A_273 = tpu.vector_load %arg13[%get3A_271, %get3A_272] {strides = array<i32>} : memref<64x64xi32, #tpu.memory_space<vmem>>, vector<16xi32>,
          %shift_left3A_274 = arith.constant 16 : i32
          %shift_left3A_275 = vector.broadcast %shift_left3A_274 : i32 to vector<16xi32>
          %shift_left3A_276 = arith.shli %get3A_273, %shift_left3A_275 : vector<16xi32>
          %bitcast3A_277 = vector.bitcast %shift_left3A_276 : vector<16xi32> to vector<16xf32>
          %and3A_278 = arith.constant -65536 : i32
          %and3A_279 = vector.broadcast %and3A_278 : i32 to vector<16xi32>
          %and3A_280 = arith.andi %get3A_273, %and3A_279 : vector<16xi32>
          %bitcast3A_281 = vector.bitcast %and3A_280 : vector<16xi32> to vector<16xf32>
          %swap3A_282 = arith.index_cast %scan3A_240 : i32 to index
          %swap3A_283 = arith.constant 32 : index
          %swap3A_284 = tpu.vector_load %arg15[%swap3A_282, %swap3A_283] {strides = array<i32>} : memref<64x128xf32, #tpu.memory_space<vmem>>, vector<16xf32>,
          tpu.vector_store %arg15[%swap3A_282, %swap3A_283], %bitcast3A_277 {strides = array<i32>} : memref<64x128xf32, #tpu.memory_space<vmem>>, vector<16xf32>,
          %swap3A_285 = arith.index_cast %scan3A_240 : i32 to index
          %swap3A_286 = arith.constant 96 : index
          %swap3A_287 = tpu.vector_load %arg15[%swap3A_285, %swap3A_286] {strides = array<i32>} : memref<64x128xf32, #tpu.memory_space<vmem>>, vector<16xf32>,
          tpu.vector_store %arg15[%swap3A_285, %swap3A_286], %bitcast3A_281 {strides = array<i32>} : memref<64x128xf32, #tpu.memory_space<vmem>>, vector<16xf32>,
          %get3A_288 = arith.index_cast %scan3A_240 : i32 to index
          %get3A_289 = arith.constant 48 : index
          %get3A_290 = tpu.vector_load %arg13[%get3A_288, %get3A_289] {strides = array<i32>} : memref<64x64xi32, #tpu.memory_space<vmem>>, vector<16xi32>,
          %shift_left3A_291 = arith.constant 16 : i32
          %shift_left3A_292 = vector.broadcast %shift_left3A_291 : i32 to vector<16xi32>
          %shift_left3A_293 = arith.shli %get3A_290, %shift_left3A_292 : vector<16xi32>
          %bitcast3A_294 = vector.bitcast %shift_left3A_293 : vector<16xi32> to vector<16xf32>
          %and3A_295 = arith.constant -65536 : i32
          %and3A_296 = vector.broadcast %and3A_295 : i32 to vector<16xi32>
          %and3A_297 = arith.andi %get3A_290, %and3A_296 : vector<16xi32>
          %bitcast3A_298 = vector.bitcast %and3A_297 : vector<16xi32> to vector<16xf32>
          %swap3A_299 = arith.index_cast %scan3A_240 : i32 to index
          %swap3A_300 = arith.constant 48 : index
          %swap3A_301 = tpu.vector_load %arg15[%swap3A_299, %swap3A_300] {strides = array<i32>} : memref<64x128xf32, #tpu.memory_space<vmem>>, vector<16xf32>,
          tpu.vector_store %arg15[%swap3A_299, %swap3A_300], %bitcast3A_294 {strides = array<i32>} : memref<64x128xf32, #tpu.memory_space<vmem>>, vector<16xf32>,
          %swap3A_302 = arith.index_cast %scan3A_240 : i32 to index
          %swap3A_303 = arith.constant 112 : index
          %swap3A_304 = tpu.vector_load %arg15[%swap3A_302, %swap3A_303] {strides = array<i32>} : memref<64x128xf32, #tpu.memory_space<vmem>>, vector<16xf32>,
          tpu.vector_store %arg15[%swap3A_302, %swap3A_303], %bitcast3A_298 {strides = array<i32>} : memref<64x128xf32, #tpu.memory_space<vmem>>, vector<16xf32>,
          %scan3A_305 = arith.constant 0 : i32
          scf.yield %scan3A_305 : i32
        }
        %scan3A_232 = arith.constant 64 : i32
        %dma_start3A_233 = arith.constant 0 : i32
        %dma_start3A_234 = tpu.memref_slice %arg9[%add3A_202, %dma_start3A_233] : memref<64x64xi32, #tpu.memory_space<vmem>> -> memref<1x64xi32, #tpu.memory_space<vmem>>
        %dma_start3A_235 = tpu.memref_squeeze %dma_start3A_234 : memref<1x64xi32, #tpu.memory_space<vmem>> -> memref<64xi32, #tpu.memory_space<vmem>>
        %dma_start3A_236 = arith.constant 0 : i32
        %dma_start3A_237 = arith.constant 0 : i32
        %dma_start3A_238 = tpu.memref_slice %arg7[%dma_start3A_236, %dma_start3A_237] : memref<10240x128xf32, #tpu.memory_space<vmem_shared>> -> memref<10240x128xf32, #tpu.memory_space<vmem_shared>>
        tpu.enqueue_indirect_dma source(%arg15 : memref<64x128xf32, #tpu.memory_space<vmem>>) target(%dma_start3A_238 : memref<10240x128xf32, #tpu.memory_space<vmem_shared>>) offsets(%dma_start3A_235 : memref<64xi32, #tpu.memory_space<vmem>>) semaphore(%arg21 : memref<!tpu.dma_semaphore, #tpu.memory_space<semaphore_mem>>) {add = true}
        %scan3A_239 = arith.constant 0 : i32
        scf.yield %scan3A_239 : i32
      }
      %scan3A_73 = arith.constant 16 : i32
      %scan3A_74 = arith.constant 0 : i32
      scf.yield %scan3A_74 : i32
    }
    %scan3A_8 = arith.constant 5 : i32
    %dma_wait3A = arith.constant 0 : i32
    %dma_wait3A_9 = arith.constant 0 : i32
    %dma_wait3A_10 = tpu.memref_slice %arg9[%dma_wait3A, %dma_wait3A_9] : memref<64x64xi32, #tpu.memory_space<vmem>> -> memref<1x64xi32, #tpu.memory_space<vmem>>
    %dma_wait3A_11 = tpu.memref_squeeze %dma_wait3A_10 : memref<1x64xi32, #tpu.memory_space<vmem>> -> memref<64xi32, #tpu.memory_space<vmem>>
    %dma_wait3A_12 = arith.constant 0 : i32
    %dma_wait3A_13 = arith.constant 0 : i32
    %dma_wait3A_14 = tpu.memref_slice %arg7[%dma_wait3A_12, %dma_wait3A_13] : memref<10240x128xf32, #tpu.memory_space<vmem_shared>> -> memref<10240x128xf32, #tpu.memory_space<vmem_shared>>
    tpu.wait_indirect_dma semaphore(%arg20 : memref<!tpu.dma_semaphore, #tpu.memory_space<semaphore_mem>>) src(%arg14 : memref<64x128xf32, #tpu.memory_space<vmem>>) dst(%dma_wait3A_14 : memref<10240x128xf32, #tpu.memory_space<vmem_shared>>)
    %dma_wait3A_15 = arith.constant 0 : i32
    %dma_wait3A_16 = arith.constant 0 : i32
    %dma_wait3A_17 = tpu.memref_slice %arg9[%dma_wait3A_15, %dma_wait3A_16] : memref<64x64xi32, #tpu.memory_space<vmem>> -> memref<1x64xi32, #tpu.memory_space<vmem>>
    %dma_wait3A_18 = tpu.memref_squeeze %dma_wait3A_17 : memref<1x64xi32, #tpu.memory_space<vmem>> -> memref<64xi32, #tpu.memory_space<vmem>>
    %dma_wait3A_19 = arith.constant 0 : i32
    %dma_wait3A_20 = arith.constant 0 : i32
    %dma_wait3A_21 = tpu.memref_slice %arg7[%dma_wait3A_19, %dma_wait3A_20] : memref<10240x128xf32, #tpu.memory_space<vmem_shared>> -> memref<10240x128xf32, #tpu.memory_space<vmem_shared>>
    tpu.wait_indirect_dma semaphore(%arg21 : memref<!tpu.dma_semaphore, #tpu.memory_space<semaphore_mem>>) src(%arg15 : memref<64x128xf32, #tpu.memory_space<vmem>>) dst(%dma_wait3A_21 : memref<10240x128xf32, #tpu.memory_space<vmem_shared>>)
    %barrier3A_22 = arith.constant 0 : index
    tpu.barrier barrier_id(%barrier3A_22)
    %mul3A_23 = arith.constant 640 : i32
    %mul3A_24 = arith.muli %arg1, %mul3A_23 : i32
    %mul3A_25 = arith.constant 640 : i32
    %mul3A_26 = arith.muli %arg1, %mul3A_25 : i32
    "tpu.region"() ({
      %run_scoped3A = tpu.sem_alloc : memref<!tpu.dma_semaphore, #tpu.memory_space<semaphore_mem>>
      %dma_start3A = arith.constant 0 : i32
      %dma_start3A_27 = arith.constant 0 : i32
      %dma_start3A_28 = tpu.memref_slice %arg6[%arg0, %dma_start3A, %dma_start3A_27] : memref<2x10240x128xf32, #tpu.memory_space<hbm>> -> memref<1x10240x128xf32, #tpu.memory_space<hbm>>
      %dma_start3A_29 = tpu.memref_squeeze %dma_start3A_28 : memref<1x10240x128xf32, #tpu.memory_space<hbm>> -> memref<10240x128xf32, #tpu.memory_space<hbm>>
      %dma_start3A_30 = arith.constant 0 : i32
      %dma_start3A_31 = tpu.memref_slice %dma_start3A_29[%mul3A_26, %dma_start3A_30] : memref<10240x128xf32, #tpu.memory_space<hbm>> -> memref<640x128xf32, #tpu.memory_space<hbm>>
      %dma_start3A_32 = arith.constant 0 : i32
      %dma_start3A_33 = tpu.memref_slice %arg7[%mul3A_24, %dma_start3A_32] : memref<10240x128xf32, #tpu.memory_space<vmem_shared>> -> memref<640x128xf32, #tpu.memory_space<vmem_shared>>
      tpu.enqueue_dma source(%dma_start3A_33 : memref<640x128xf32, #tpu.memory_space<vmem_shared>>) target(%dma_start3A_31 : memref<640x128xf32, #tpu.memory_space<hbm>>) target_semaphore(%run_scoped3A : memref<!tpu.dma_semaphore, #tpu.memory_space<semaphore_mem>>)
      %dma_wait3A_34 = arith.constant 0 : i32
      %dma_wait3A_35 = arith.constant 0 : i32
      %dma_wait3A_36 = tpu.memref_slice %arg6[%arg0, %dma_wait3A_34, %dma_wait3A_35] : memref<2x10240x128xf32, #tpu.memory_space<hbm>> -> memref<1x10240x128xf32, #tpu.memory_space<hbm>>
      %dma_wait3A_37 = tpu.memref_squeeze %dma_wait3A_36 : memref<1x10240x128xf32, #tpu.memory_space<hbm>> -> memref<10240x128xf32, #tpu.memory_space<hbm>>
      %dma_wait3A_38 = arith.constant 0 : i32
      %dma_wait3A_39 = tpu.memref_slice %dma_wait3A_37[%mul3A_26, %dma_wait3A_38] : memref<10240x128xf32, #tpu.memory_space<hbm>> -> memref<640x128xf32, #tpu.memory_space<hbm>>
      %dma_wait3A_40 = arith.constant 0 : i32
      %dma_wait3A_41 = tpu.memref_slice %arg7[%mul3A_24, %dma_wait3A_40] : memref<10240x128xf32, #tpu.memory_space<vmem_shared>> -> memref<640x128xf32, #tpu.memory_space<vmem_shared>>
      tpu.wait_dma2 semaphore(%run_scoped3A : memref<!tpu.dma_semaphore, #tpu.memory_space<semaphore_mem>>) src(%dma_wait3A_41 : memref<640x128xf32, #tpu.memory_space<vmem_shared>>) dst(%dma_wait3A_39 : memref<640x128xf32, #tpu.memory_space<hbm>>)
      tpu.yield
    }) : () -> ()
    return
  }
}

module attributes {stable_mosaic.version = 14 : i64} {
  func.func @_mm1_body(%arg0: i32, %arg1: memref<1024x128xf32, #tpu.memory_space<vmem>>, %arg2: memref<128x256xf32, #tpu.memory_space<vmem>>, %arg3: memref<2x1024x1xf32, #tpu.memory_space<vmem>>, %arg4: memref<2x1024x128xf32, #tpu.memory_space<vmem>>) attributes {dimension_semantics = [#tpu.dimension_semantics<arbitrary>], iteration_bounds = array<i64: 10>, scalar_prefetch = 0 : i64, scratch_operands = 0 : i64, tpu.core_type = #tpu.core_type<tc>, window_params = [{transform_indices = @transform_0, window_bounds = array<i64: 1024, 128>}, {pipeline_mode = #tpu.pipeline_mode<synchronous>, transform_indices = @transform_1, window_bounds = array<i64: 128, 256>}, {transform_indices = @transform_2, window_bounds = array<i64: 2, 1024, 1>}, {transform_indices = @transform_3, window_bounds = array<i64: 2, 1024, 128>}]} {
    %get3A = arith.constant 0 : index
    %get3A_0 = arith.constant 0 : index
    %get3A_1 = arith.constant 0 : index
    %get3A_2 = vector.load %arg3[%get3A, %get3A_0, %get3A_1] : memref<2x1024x1xf32, #tpu.memory_space<vmem>>, vector<1x1024x1xf32>
    %get3A_3 = vector.shape_cast %get3A_2 : vector<1x1024x1xf32> to vector<1024x1xf32>
    %get3A_4 = arith.constant 1 : index
    %get3A_5 = arith.constant 0 : index
    %get3A_6 = arith.constant 0 : index
    %get3A_7 = vector.load %arg3[%get3A_4, %get3A_5, %get3A_6] : memref<2x1024x1xf32, #tpu.memory_space<vmem>>, vector<1x1024x1xf32>
    %get3A_8 = vector.shape_cast %get3A_7 : vector<1x1024x1xf32> to vector<1024x1xf32>
    %add3A = arith.addf %get3A_3, %get3A_8 : vector<1024x1xf32>
    %add3A_9 = arith.constant 1.000000e+00 : f32
    %add3A_10 = vector.broadcast %add3A_9 : f32 to vector<1024x1xf32>
    %add3A_11 = arith.addf %add3A, %add3A_10 : vector<1024x1xf32>
    %rsqrt3A = math.rsqrt %add3A_11 : vector<1024x1xf32>
    %get3A_12 = arith.constant 0 : index
    %get3A_13 = arith.constant 0 : index
    %get3A_14 = vector.load %arg1[%get3A_12, %get3A_13] : memref<1024x128xf32, #tpu.memory_space<vmem>>, vector<1024x128xf32>
    %get3A_15 = arith.constant 0 : index
    %get3A_16 = arith.constant 0 : index
    %get3A_17 = vector.load %arg2[%get3A_15, %get3A_16] : memref<128x256xf32, #tpu.memory_space<vmem>>, vector<128x256xf32>
    %dot_general3A = arith.constant dense<0.000000e+00> : vector<1024x256xf32>
    %dot_general3A_18 = tpu.matmul %get3A_14, %get3A_17, %dot_general3A {dimension_numbers = #tpu.dot_dimension_numbers<[1], [0], [0], [1], [0, 0, 1, 1], [], []>, transpose_lhs_hint = false} : vector<1024x128xf32>, vector<128x256xf32>, vector<1024x256xf32> -> vector<1024x256xf32>
    %mul3A = vector.broadcast %rsqrt3A : vector<1024x1xf32> to vector<1024x256xf32>
    %mul3A_19 = arith.mulf %dot_general3A_18, %mul3A : vector<1024x256xf32>
    %slice3A = vector.extract_strided_slice %mul3A_19 {offsets = [0, 0], sizes = [1024, 128], strides = [1, 1]} : vector<1024x256xf32> to vector<1024x128xf32>
    %swap3A = arith.constant 0 : index
    %swap3A_20 = arith.constant 0 : index
    %swap3A_21 = arith.constant 0 : index
    %swap3A_22 = vector.load %arg4[%swap3A, %swap3A_20, %swap3A_21] : memref<2x1024x128xf32, #tpu.memory_space<vmem>>, vector<1x1024x128xf32>
    %swap3A_23 = vector.shape_cast %swap3A_22 : vector<1x1024x128xf32> to vector<1024x128xf32>
    %swap3A_24 = vector.shape_cast %slice3A : vector<1024x128xf32> to vector<1x1024x128xf32>
    tpu.vector_store %arg4[%swap3A, %swap3A_20, %swap3A_21], %swap3A_24 {strides = array<i32>} : memref<2x1024x128xf32, #tpu.memory_space<vmem>>, vector<1x1024x128xf32>,
    %slice3A_25 = vector.extract_strided_slice %mul3A_19 {offsets = [0, 128], sizes = [1024, 128], strides = [1, 1]} : vector<1024x256xf32> to vector<1024x128xf32>
    %swap3A_26 = arith.constant 1 : index
    %swap3A_27 = arith.constant 0 : index
    %swap3A_28 = arith.constant 0 : index
    %swap3A_29 = vector.load %arg4[%swap3A_26, %swap3A_27, %swap3A_28] : memref<2x1024x128xf32, #tpu.memory_space<vmem>>, vector<1x1024x128xf32>
    %swap3A_30 = vector.shape_cast %swap3A_29 : vector<1x1024x128xf32> to vector<1024x128xf32>
    %swap3A_31 = vector.shape_cast %slice3A_25 : vector<1024x128xf32> to vector<1x1024x128xf32>
    tpu.vector_store %arg4[%swap3A_26, %swap3A_27, %swap3A_28], %swap3A_31 {strides = array<i32>} : memref<2x1024x128xf32, #tpu.memory_space<vmem>>, vector<1x1024x128xf32>,
    return
  }
  func.func @transform_0(%arg0: i32) -> (i32, i32) {
    %c0_i32 = arith.constant 0 : i32
    %c0_i32_0 = arith.constant 0 : i32
    return %arg0, %c0_i32 : i32, i32
  }
  func.func @transform_1(%arg0: i32) -> (i32, i32) {
    %c0_i32 = arith.constant 0 : i32
    %c0_i32_0 = arith.constant 0 : i32
    %c0_i32_1 = arith.constant 0 : i32
    return %c0_i32, %c0_i32_0 : i32, i32
  }
  func.func @transform_2(%arg0: i32) -> (i32, i32, i32) {
    %c0_i32 = arith.constant 0 : i32
    %c0_i32_0 = arith.constant 0 : i32
    %c0_i32_1 = arith.constant 0 : i32
    return %c0_i32, %arg0, %c0_i32_0 : i32, i32, i32
  }
  func.func @transform_3(%arg0: i32) -> (i32, i32, i32) {
    %c0_i32 = arith.constant 0 : i32
    %c0_i32_0 = arith.constant 0 : i32
    %c0_i32_1 = arith.constant 0 : i32
    return %c0_i32, %arg0, %c0_i32_0 : i32, i32, i32
  }
}

module attributes {stable_mosaic.version = 14 : i64} {
  func.func @_mm2_body(%arg0: i32, %arg1: memref<2x1024x128xf32, #tpu.memory_space<vmem>>, %arg2: memref<2x128x256xf32, #tpu.memory_space<vmem>>, %arg3: memref<2x1x128xf32, #tpu.memory_space<vmem>>, %arg4: memref<2x1024x1xf32, #tpu.memory_space<vmem>>, %arg5: memref<2x1024x128xf32, #tpu.memory_space<vmem>>) attributes {dimension_semantics = [#tpu.dimension_semantics<arbitrary>], iteration_bounds = array<i64: 10>, scalar_prefetch = 0 : i64, scratch_operands = 0 : i64, tpu.core_type = #tpu.core_type<tc>, window_params = [{transform_indices = @transform_0, window_bounds = array<i64: 2, 1024, 128>}, {pipeline_mode = #tpu.pipeline_mode<synchronous>, transform_indices = @transform_1, window_bounds = array<i64: 2, 128, 256>}, {pipeline_mode = #tpu.pipeline_mode<synchronous>, transform_indices = @transform_2, window_bounds = array<i64: 2, 1, 128>}, {transform_indices = @transform_3, window_bounds = array<i64: 2, 1024, 1>}, {transform_indices = @transform_4, window_bounds = array<i64: 2, 1024, 128>}]} {
    %get3A = arith.constant 0 : index
    %get3A_0 = arith.constant 0 : index
    %get3A_1 = arith.constant 0 : index
    %get3A_2 = vector.load %arg4[%get3A, %get3A_0, %get3A_1] : memref<2x1024x1xf32, #tpu.memory_space<vmem>>, vector<1x1024x1xf32>
    %get3A_3 = vector.shape_cast %get3A_2 : vector<1x1024x1xf32> to vector<1024x1xf32>
    %get3A_4 = arith.constant 1 : index
    %get3A_5 = arith.constant 0 : index
    %get3A_6 = arith.constant 0 : index
    %get3A_7 = vector.load %arg4[%get3A_4, %get3A_5, %get3A_6] : memref<2x1024x1xf32, #tpu.memory_space<vmem>>, vector<1x1024x1xf32>
    %get3A_8 = vector.shape_cast %get3A_7 : vector<1x1024x1xf32> to vector<1024x1xf32>
    %add3A = arith.addf %get3A_3, %get3A_8 : vector<1024x1xf32>
    %add3A_9 = arith.constant 1.000000e+00 : f32
    %add3A_10 = vector.broadcast %add3A_9 : f32 to vector<1024x1xf32>
    %add3A_11 = arith.addf %add3A, %add3A_10 : vector<1024x1xf32>
    %rsqrt3A = math.rsqrt %add3A_11 : vector<1024x1xf32>
    %get3A_12 = arith.constant 0 : index
    %get3A_13 = arith.constant 0 : index
    %get3A_14 = arith.constant 0 : index
    %get3A_15 = vector.load %arg1[%get3A_12, %get3A_13, %get3A_14] : memref<2x1024x128xf32, #tpu.memory_space<vmem>>, vector<1x1024x128xf32>
    %get3A_16 = vector.shape_cast %get3A_15 : vector<1x1024x128xf32> to vector<1024x128xf32>
    %mul3A = vector.broadcast %rsqrt3A : vector<1024x1xf32> to vector<1024x128xf32>
    %mul3A_17 = arith.mulf %get3A_16, %mul3A : vector<1024x128xf32>
    %get3A_18 = arith.constant 0 : index
    %get3A_19 = arith.constant 0 : index
    %get3A_20 = arith.constant 0 : index
    %get3A_21 = vector.load %arg3[%get3A_18, %get3A_19, %get3A_20] : memref<2x1x128xf32, #tpu.memory_space<vmem>>, vector<1x1x128xf32>
    %get3A_22 = vector.shape_cast %get3A_21 : vector<1x1x128xf32> to vector<1x128xf32>
    %add3A_23 = vector.broadcast %get3A_22 : vector<1x128xf32> to vector<1024x128xf32>
    %add3A_24 = arith.addf %mul3A_17, %add3A_23 : vector<1024x128xf32>
    %max3A = arith.constant 0.000000e+00 : f32
    %max3A_25 = vector.broadcast %max3A : f32 to vector<1024x128xf32>
    %max3A_26 = arith.maximumf %add3A_24, %max3A_25 : vector<1024x128xf32>
    %get3A_27 = arith.constant 1 : index
    %get3A_28 = arith.constant 0 : index
    %get3A_29 = arith.constant 0 : index
    %get3A_30 = vector.load %arg1[%get3A_27, %get3A_28, %get3A_29] : memref<2x1024x128xf32, #tpu.memory_space<vmem>>, vector<1x1024x128xf32>
    %get3A_31 = vector.shape_cast %get3A_30 : vector<1x1024x128xf32> to vector<1024x128xf32>
    %mul3A_32 = vector.broadcast %rsqrt3A : vector<1024x1xf32> to vector<1024x128xf32>
    %mul3A_33 = arith.mulf %get3A_31, %mul3A_32 : vector<1024x128xf32>
    %get3A_34 = arith.constant 1 : index
    %get3A_35 = arith.constant 0 : index
    %get3A_36 = arith.constant 0 : index
    %get3A_37 = vector.load %arg3[%get3A_34, %get3A_35, %get3A_36] : memref<2x1x128xf32, #tpu.memory_space<vmem>>, vector<1x1x128xf32>
    %get3A_38 = vector.shape_cast %get3A_37 : vector<1x1x128xf32> to vector<1x128xf32>
    %add3A_39 = vector.broadcast %get3A_38 : vector<1x128xf32> to vector<1024x128xf32>
    %add3A_40 = arith.addf %mul3A_33, %add3A_39 : vector<1024x128xf32>
    %max3A_41 = arith.constant 0.000000e+00 : f32
    %max3A_42 = vector.broadcast %max3A_41 : f32 to vector<1024x128xf32>
    %max3A_43 = arith.maximumf %add3A_40, %max3A_42 : vector<1024x128xf32>
    %get3A_44 = arith.constant 0 : index
    %get3A_45 = arith.constant 0 : index
    %get3A_46 = arith.constant 0 : index
    %get3A_47 = vector.load %arg2[%get3A_44, %get3A_45, %get3A_46] : memref<2x128x256xf32, #tpu.memory_space<vmem>>, vector<1x128x256xf32>
    %get3A_48 = vector.shape_cast %get3A_47 : vector<1x128x256xf32> to vector<128x256xf32>
    %dot_general3A = arith.constant dense<0.000000e+00> : vector<1024x256xf32>
    %dot_general3A_49 = tpu.matmul %max3A_26, %get3A_48, %dot_general3A {dimension_numbers = #tpu.dot_dimension_numbers<[1], [0], [0], [1], [0, 0, 1, 1], [], []>, transpose_lhs_hint = false} : vector<1024x128xf32>, vector<128x256xf32>, vector<1024x256xf32> -> vector<1024x256xf32>
    %get3A_50 = arith.constant 1 : index
    %get3A_51 = arith.constant 0 : index
    %get3A_52 = arith.constant 0 : index
    %get3A_53 = vector.load %arg2[%get3A_50, %get3A_51, %get3A_52] : memref<2x128x256xf32, #tpu.memory_space<vmem>>, vector<1x128x256xf32>
    %get3A_54 = vector.shape_cast %get3A_53 : vector<1x128x256xf32> to vector<128x256xf32>
    %dot_general3A_55 = arith.constant dense<0.000000e+00> : vector<1024x256xf32>
    %dot_general3A_56 = tpu.matmul %max3A_43, %get3A_54, %dot_general3A_55 {dimension_numbers = #tpu.dot_dimension_numbers<[1], [0], [0], [1], [0, 0, 1, 1], [], []>, transpose_lhs_hint = false} : vector<1024x128xf32>, vector<128x256xf32>, vector<1024x256xf32> -> vector<1024x256xf32>
    %add3A_57 = arith.addf %dot_general3A_49, %dot_general3A_56 : vector<1024x256xf32>
    %mul3A_58 = vector.broadcast %rsqrt3A : vector<1024x1xf32> to vector<1024x256xf32>
    %mul3A_59 = arith.mulf %add3A_57, %mul3A_58 : vector<1024x256xf32>
    %slice3A = vector.extract_strided_slice %mul3A_59 {offsets = [0, 0], sizes = [1024, 128], strides = [1, 1]} : vector<1024x256xf32> to vector<1024x128xf32>
    %swap3A = arith.constant 0 : index
    %swap3A_60 = arith.constant 0 : index
    %swap3A_61 = arith.constant 0 : index
    %swap3A_62 = vector.load %arg5[%swap3A, %swap3A_60, %swap3A_61] : memref<2x1024x128xf32, #tpu.memory_space<vmem>>, vector<1x1024x128xf32>
    %swap3A_63 = vector.shape_cast %swap3A_62 : vector<1x1024x128xf32> to vector<1024x128xf32>
    %swap3A_64 = vector.shape_cast %slice3A : vector<1024x128xf32> to vector<1x1024x128xf32>
    tpu.vector_store %arg5[%swap3A, %swap3A_60, %swap3A_61], %swap3A_64 {strides = array<i32>} : memref<2x1024x128xf32, #tpu.memory_space<vmem>>, vector<1x1024x128xf32>,
    %slice3A_65 = vector.extract_strided_slice %mul3A_59 {offsets = [0, 128], sizes = [1024, 128], strides = [1, 1]} : vector<1024x256xf32> to vector<1024x128xf32>
    %swap3A_66 = arith.constant 1 : index
    %swap3A_67 = arith.constant 0 : index
    %swap3A_68 = arith.constant 0 : index
    %swap3A_69 = vector.load %arg5[%swap3A_66, %swap3A_67, %swap3A_68] : memref<2x1024x128xf32, #tpu.memory_space<vmem>>, vector<1x1024x128xf32>
    %swap3A_70 = vector.shape_cast %swap3A_69 : vector<1x1024x128xf32> to vector<1024x128xf32>
    %swap3A_71 = vector.shape_cast %slice3A_65 : vector<1024x128xf32> to vector<1x1024x128xf32>
    tpu.vector_store %arg5[%swap3A_66, %swap3A_67, %swap3A_68], %swap3A_71 {strides = array<i32>} : memref<2x1024x128xf32, #tpu.memory_space<vmem>>, vector<1x1024x128xf32>,
    return
  }
  func.func @transform_0(%arg0: i32) -> (i32, i32, i32) {
    %c0_i32 = arith.constant 0 : i32
    %c0_i32_0 = arith.constant 0 : i32
    %c0_i32_1 = arith.constant 0 : i32
    return %c0_i32, %arg0, %c0_i32_0 : i32, i32, i32
  }
  func.func @transform_1(%arg0: i32) -> (i32, i32, i32) {
    %c0_i32 = arith.constant 0 : i32
    %c0_i32_0 = arith.constant 0 : i32
    %c0_i32_1 = arith.constant 0 : i32
    %c0_i32_2 = arith.constant 0 : i32
    return %c0_i32, %c0_i32_0, %c0_i32_1 : i32, i32, i32
  }
  func.func @transform_2(%arg0: i32) -> (i32, i32, i32) {
    %c0_i32 = arith.constant 0 : i32
    %c0_i32_0 = arith.constant 0 : i32
    %c0_i32_1 = arith.constant 0 : i32
    %c0_i32_2 = arith.constant 0 : i32
    return %c0_i32, %c0_i32_0, %c0_i32_1 : i32, i32, i32
  }
  func.func @transform_3(%arg0: i32) -> (i32, i32, i32) {
    %c0_i32 = arith.constant 0 : i32
    %c0_i32_0 = arith.constant 0 : i32
    %c0_i32_1 = arith.constant 0 : i32
    return %c0_i32, %arg0, %c0_i32_0 : i32, i32, i32
  }
  func.func @transform_4(%arg0: i32) -> (i32, i32, i32) {
    %c0_i32 = arith.constant 0 : i32
    %c0_i32_0 = arith.constant 0 : i32
    %c0_i32_1 = arith.constant 0 : i32
    return %c0_i32, %arg0, %c0_i32_0 : i32, i32, i32
  }
}

module attributes {stable_mosaic.version = 14 : i64} {
  func.func @_head_body(%arg0: i32, %arg1: memref<2x1024x128xf32, #tpu.memory_space<vmem>>, %arg2: memref<2x1024x1xf32, #tpu.memory_space<vmem>>, %arg3: memref<2x1x128xf32, #tpu.memory_space<vmem>>, %arg4: memref<2x1x128xf32, #tpu.memory_space<vmem>>, %arg5: memref<2x1x128xf32, #tpu.memory_space<vmem>>, %arg6: memref<256x10xf32, #tpu.memory_space<vmem>>, %arg7: memref<1x10xf32, #tpu.memory_space<vmem>>, %arg8: memref<10x5xf32, #tpu.memory_space<vmem>>, %arg9: memref<1x5xf32, #tpu.memory_space<vmem>>, %arg10: memref<1024x5xf32, #tpu.memory_space<vmem>>) attributes {dimension_semantics = [#tpu.dimension_semantics<arbitrary>], iteration_bounds = array<i64: 10>, scalar_prefetch = 0 : i64, scratch_operands = 0 : i64, tpu.core_type = #tpu.core_type<tc>, window_params = [{transform_indices = @transform_0, window_bounds = array<i64: 2, 1024, 128>}, {transform_indices = @transform_1, window_bounds = array<i64: 2, 1024, 1>}, {pipeline_mode = #tpu.pipeline_mode<synchronous>, transform_indices = @transform_2, window_bounds = array<i64: 2, 1, 128>}, {pipeline_mode = #tpu.pipeline_mode<synchronous>, transform_indices = @transform_3, window_bounds = array<i64: 2, 1, 128>}, {pipeline_mode = #tpu.pipeline_mode<synchronous>, transform_indices = @transform_4, window_bounds = array<i64: 2, 1, 128>}, {pipeline_mode = #tpu.pipeline_mode<synchronous>, transform_indices = @transform_5, window_bounds = array<i64: 256, 10>}, {pipeline_mode = #tpu.pipeline_mode<synchronous>, transform_indices = @transform_6, window_bounds = array<i64: 1, 10>}, {pipeline_mode = #tpu.pipeline_mode<synchronous>, transform_indices = @transform_7, window_bounds = array<i64: 10, 5>}, {pipeline_mode = #tpu.pipeline_mode<synchronous>, transform_indices = @transform_8, window_bounds = array<i64: 1, 5>}, {transform_indices = @transform_9, window_bounds = array<i64: 1024, 5>}]} {
    %get3A = arith.constant 0 : index
    %get3A_0 = arith.constant 0 : index
    %get3A_1 = arith.constant 0 : index
    %get3A_2 = vector.load %arg2[%get3A, %get3A_0, %get3A_1] : memref<2x1024x1xf32, #tpu.memory_space<vmem>>, vector<1x1024x1xf32>
    %get3A_3 = vector.shape_cast %get3A_2 : vector<1x1024x1xf32> to vector<1024x1xf32>
    %get3A_4 = arith.constant 1 : index
    %get3A_5 = arith.constant 0 : index
    %get3A_6 = arith.constant 0 : index
    %get3A_7 = vector.load %arg2[%get3A_4, %get3A_5, %get3A_6] : memref<2x1024x1xf32, #tpu.memory_space<vmem>>, vector<1x1024x1xf32>
    %get3A_8 = vector.shape_cast %get3A_7 : vector<1x1024x1xf32> to vector<1024x1xf32>
    %add3A = arith.addf %get3A_3, %get3A_8 : vector<1024x1xf32>
    %add3A_9 = arith.constant 1.000000e+00 : f32
    %add3A_10 = vector.broadcast %add3A_9 : f32 to vector<1024x1xf32>
    %add3A_11 = arith.addf %add3A, %add3A_10 : vector<1024x1xf32>
    %rsqrt3A = math.rsqrt %add3A_11 : vector<1024x1xf32>
    %sqrt3A = arith.constant 1.000010e+00 : f32
    %sqrt3A_12 = math.sqrt %sqrt3A : f32
    %div3A = arith.constant 1.000000e+00 : f32
    %div3A_13 = arith.divf %div3A, %sqrt3A_12 : f32
    %get3A_14 = arith.constant 0 : index
    %get3A_15 = arith.constant 0 : index
    %get3A_16 = arith.constant 0 : index
    %get3A_17 = vector.load %arg1[%get3A_14, %get3A_15, %get3A_16] : memref<2x1024x128xf32, #tpu.memory_space<vmem>>, vector<1x1024x128xf32>
    %get3A_18 = vector.shape_cast %get3A_17 : vector<1x1024x128xf32> to vector<1024x128xf32>
    %mul3A = vector.broadcast %rsqrt3A : vector<1024x1xf32> to vector<1024x128xf32>
    %mul3A_19 = arith.mulf %get3A_18, %mul3A : vector<1024x128xf32>
    %get3A_20 = arith.constant 0 : index
    %get3A_21 = arith.constant 0 : index
    %get3A_22 = arith.constant 0 : index
    %get3A_23 = vector.load %arg3[%get3A_20, %get3A_21, %get3A_22] : memref<2x1x128xf32, #tpu.memory_space<vmem>>, vector<1x1x128xf32>
    %get3A_24 = vector.shape_cast %get3A_23 : vector<1x1x128xf32> to vector<1x128xf32>
    %add3A_25 = vector.broadcast %get3A_24 : vector<1x128xf32> to vector<1024x128xf32>
    %add3A_26 = arith.addf %mul3A_19, %add3A_25 : vector<1024x128xf32>
    %gt3A = arith.constant 0.000000e+00 : f32
    %gt3A_27 = vector.broadcast %gt3A : f32 to vector<1024x128xf32>
    %gt3A_28 = arith.cmpf ogt, %add3A_26, %gt3A_27 : vector<1024x128xf32>
    %mul3A_29 = arith.constant 0.00999999977 : f32
    %mul3A_30 = vector.broadcast %mul3A_29 : f32 to vector<1024x128xf32>
    %mul3A_31 = arith.mulf %mul3A_30, %add3A_26 : vector<1024x128xf32>
    %select_n3A = arith.select %gt3A_28, %add3A_26, %mul3A_31 : vector<1024x128xi1>, vector<1024x128xf32>
    %get3A_32 = arith.constant 0 : index
    %get3A_33 = arith.constant 0 : index
    %get3A_34 = arith.constant 0 : index
    %get3A_35 = vector.load %arg4[%get3A_32, %get3A_33, %get3A_34] : memref<2x1x128xf32, #tpu.memory_space<vmem>>, vector<1x1x128xf32>
    %get3A_36 = vector.shape_cast %get3A_35 : vector<1x1x128xf32> to vector<1x128xf32>
    %mul3A_37 = vector.broadcast %div3A_13 : f32 to vector<1x128xf32>
    %mul3A_38 = arith.mulf %get3A_36, %mul3A_37 : vector<1x128xf32>
    %mul3A_39 = vector.broadcast %mul3A_38 : vector<1x128xf32> to vector<1024x128xf32>
    %mul3A_40 = arith.mulf %select_n3A, %mul3A_39 : vector<1024x128xf32>
    %get3A_41 = arith.constant 0 : index
    %get3A_42 = arith.constant 0 : index
    %get3A_43 = arith.constant 0 : index
    %get3A_44 = vector.load %arg5[%get3A_41, %get3A_42, %get3A_43] : memref<2x1x128xf32, #tpu.memory_space<vmem>>, vector<1x1x128xf32>
    %get3A_45 = vector.shape_cast %get3A_44 : vector<1x1x128xf32> to vector<1x128xf32>
    %add3A_46 = vector.broadcast %get3A_45 : vector<1x128xf32> to vector<1024x128xf32>
    %add3A_47 = arith.addf %mul3A_40, %add3A_46 : vector<1024x128xf32>
    %get3A_48 = arith.constant 1 : index
    %get3A_49 = arith.constant 0 : index
    %get3A_50 = arith.constant 0 : index
    %get3A_51 = vector.load %arg1[%get3A_48, %get3A_49, %get3A_50] : memref<2x1024x128xf32, #tpu.memory_space<vmem>>, vector<1x1024x128xf32>
    %get3A_52 = vector.shape_cast %get3A_51 : vector<1x1024x128xf32> to vector<1024x128xf32>
    %mul3A_53 = vector.broadcast %rsqrt3A : vector<1024x1xf32> to vector<1024x128xf32>
    %mul3A_54 = arith.mulf %get3A_52, %mul3A_53 : vector<1024x128xf32>
    %get3A_55 = arith.constant 1 : index
    %get3A_56 = arith.constant 0 : index
    %get3A_57 = arith.constant 0 : index
    %get3A_58 = vector.load %arg3[%get3A_55, %get3A_56, %get3A_57] : memref<2x1x128xf32, #tpu.memory_space<vmem>>, vector<1x1x128xf32>
    %get3A_59 = vector.shape_cast %get3A_58 : vector<1x1x128xf32> to vector<1x128xf32>
    %add3A_60 = vector.broadcast %get3A_59 : vector<1x128xf32> to vector<1024x128xf32>
    %add3A_61 = arith.addf %mul3A_54, %add3A_60 : vector<1024x128xf32>
    %gt3A_62 = arith.constant 0.000000e+00 : f32
    %gt3A_63 = vector.broadcast %gt3A_62 : f32 to vector<1024x128xf32>
    %gt3A_64 = arith.cmpf ogt, %add3A_61, %gt3A_63 : vector<1024x128xf32>
    %mul3A_65 = arith.constant 0.00999999977 : f32
    %mul3A_66 = vector.broadcast %mul3A_65 : f32 to vector<1024x128xf32>
    %mul3A_67 = arith.mulf %mul3A_66, %add3A_61 : vector<1024x128xf32>
    %select_n3A_68 = arith.select %gt3A_64, %add3A_61, %mul3A_67 : vector<1024x128xi1>, vector<1024x128xf32>
    %get3A_69 = arith.constant 1 : index
    %get3A_70 = arith.constant 0 : index
    %get3A_71 = arith.constant 0 : index
    %get3A_72 = vector.load %arg4[%get3A_69, %get3A_70, %get3A_71] : memref<2x1x128xf32, #tpu.memory_space<vmem>>, vector<1x1x128xf32>
    %get3A_73 = vector.shape_cast %get3A_72 : vector<1x1x128xf32> to vector<1x128xf32>
    %mul3A_74 = vector.broadcast %div3A_13 : f32 to vector<1x128xf32>
    %mul3A_75 = arith.mulf %get3A_73, %mul3A_74 : vector<1x128xf32>
    %mul3A_76 = vector.broadcast %mul3A_75 : vector<1x128xf32> to vector<1024x128xf32>
    %mul3A_77 = arith.mulf %select_n3A_68, %mul3A_76 : vector<1024x128xf32>
    %get3A_78 = arith.constant 1 : index
    %get3A_79 = arith.constant 0 : index
    %get3A_80 = arith.constant 0 : index
    %get3A_81 = vector.load %arg5[%get3A_78, %get3A_79, %get3A_80] : memref<2x1x128xf32, #tpu.memory_space<vmem>>, vector<1x1x128xf32>
    %get3A_82 = vector.shape_cast %get3A_81 : vector<1x1x128xf32> to vector<1x128xf32>
    %add3A_83 = vector.broadcast %get3A_82 : vector<1x128xf32> to vector<1024x128xf32>
    %add3A_84 = arith.addf %mul3A_77, %add3A_83 : vector<1024x128xf32>
    %get3A_85 = arith.constant 0 : index
    %get3A_86 = arith.constant 0 : index
    %get3A_87 = vector.load %arg6[%get3A_85, %get3A_86] : memref<256x10xf32, #tpu.memory_space<vmem>>, vector<128x10xf32>
    %dot_general3A = arith.constant dense<0.000000e+00> : vector<1024x10xf32>
    %dot_general3A_88 = tpu.matmul %add3A_47, %get3A_87, %dot_general3A {dimension_numbers = #tpu.dot_dimension_numbers<[1], [0], [0], [1], [0, 0, 1, 1], [], []>, transpose_lhs_hint = false} : vector<1024x128xf32>, vector<128x10xf32>, vector<1024x10xf32> -> vector<1024x10xf32>
    %get3A_89 = arith.constant 128 : index
    %get3A_90 = arith.constant 0 : index
    %get3A_91 = vector.load %arg6[%get3A_89, %get3A_90] : memref<256x10xf32, #tpu.memory_space<vmem>>, vector<128x10xf32>
    %dot_general3A_92 = arith.constant dense<0.000000e+00> : vector<1024x10xf32>
    %dot_general3A_93 = tpu.matmul %add3A_84, %get3A_91, %dot_general3A_92 {dimension_numbers = #tpu.dot_dimension_numbers<[1], [0], [0], [1], [0, 0, 1, 1], [], []>, transpose_lhs_hint = false} : vector<1024x128xf32>, vector<128x10xf32>, vector<1024x10xf32> -> vector<1024x10xf32>
    %add3A_94 = arith.addf %dot_general3A_88, %dot_general3A_93 : vector<1024x10xf32>
    %get3A_95 = arith.constant 0 : index
    %get3A_96 = arith.constant 0 : index
    %get3A_97 = vector.load %arg7[%get3A_95, %get3A_96] : memref<1x10xf32, #tpu.memory_space<vmem>>, vector<1x10xf32>
    %add3A_98 = vector.broadcast %get3A_97 : vector<1x10xf32> to vector<1024x10xf32>
    %add3A_99 = arith.addf %add3A_94, %add3A_98 : vector<1024x10xf32>
    %gt3A_100 = arith.constant 0.000000e+00 : f32
    %gt3A_101 = vector.broadcast %gt3A_100 : f32 to vector<1024x10xf32>
    %gt3A_102 = arith.cmpf ogt, %add3A_99, %gt3A_101 : vector<1024x10xf32>
    %mul3A_103 = arith.constant 0.00999999977 : f32
    %mul3A_104 = vector.broadcast %mul3A_103 : f32 to vector<1024x10xf32>
    %mul3A_105 = arith.mulf %mul3A_104, %add3A_99 : vector<1024x10xf32>
    %select_n3A_106 = arith.select %gt3A_102, %add3A_99, %mul3A_105 : vector<1024x10xi1>, vector<1024x10xf32>
    %get3A_107 = arith.constant 0 : index
    %get3A_108 = arith.constant 0 : index
    %get3A_109 = vector.load %arg8[%get3A_107, %get3A_108] : memref<10x5xf32, #tpu.memory_space<vmem>>, vector<10x5xf32>
    %dot_general3A_110 = arith.constant dense<0.000000e+00> : vector<1024x5xf32>
    %dot_general3A_111 = tpu.matmul %select_n3A_106, %get3A_109, %dot_general3A_110 {dimension_numbers = #tpu.dot_dimension_numbers<[1], [0], [0], [1], [0, 0, 1, 1], [], []>, transpose_lhs_hint = false} : vector<1024x10xf32>, vector<10x5xf32>, vector<1024x5xf32> -> vector<1024x5xf32>
    %get3A_112 = arith.constant 0 : index
    %get3A_113 = arith.constant 0 : index
    %get3A_114 = vector.load %arg9[%get3A_112, %get3A_113] : memref<1x5xf32, #tpu.memory_space<vmem>>, vector<1x5xf32>
    %add3A_115 = vector.broadcast %get3A_114 : vector<1x5xf32> to vector<1024x5xf32>
    %add3A_116 = arith.addf %dot_general3A_111, %add3A_115 : vector<1024x5xf32>
    %swap3A = arith.constant 0 : index
    %swap3A_117 = arith.constant 0 : index
    %swap3A_118 = vector.load %arg10[%swap3A, %swap3A_117] : memref<1024x5xf32, #tpu.memory_space<vmem>>, vector<1024x5xf32>
    tpu.vector_store %arg10[%swap3A, %swap3A_117], %add3A_116 {strides = array<i32>} : memref<1024x5xf32, #tpu.memory_space<vmem>>, vector<1024x5xf32>,
    return
  }
  func.func @transform_0(%arg0: i32) -> (i32, i32, i32) {
    %c0_i32 = arith.constant 0 : i32
    %c0_i32_0 = arith.constant 0 : i32
    %c0_i32_1 = arith.constant 0 : i32
    return %c0_i32, %arg0, %c0_i32_0 : i32, i32, i32
  }
  func.func @transform_1(%arg0: i32) -> (i32, i32, i32) {
    %c0_i32 = arith.constant 0 : i32
    %c0_i32_0 = arith.constant 0 : i32
    %c0_i32_1 = arith.constant 0 : i32
    return %c0_i32, %arg0, %c0_i32_0 : i32, i32, i32
  }
  func.func @transform_2(%arg0: i32) -> (i32, i32, i32) {
    %c0_i32 = arith.constant 0 : i32
    %c0_i32_0 = arith.constant 0 : i32
    %c0_i32_1 = arith.constant 0 : i32
    %c0_i32_2 = arith.constant 0 : i32
    return %c0_i32, %c0_i32_0, %c0_i32_1 : i32, i32, i32
  }
  func.func @transform_3(%arg0: i32) -> (i32, i32, i32) {
    %c0_i32 = arith.constant 0 : i32
    %c0_i32_0 = arith.constant 0 : i32
    %c0_i32_1 = arith.constant 0 : i32
    %c0_i32_2 = arith.constant 0 : i32
    return %c0_i32, %c0_i32_0, %c0_i32_1 : i32, i32, i32
  }
  func.func @transform_4(%arg0: i32) -> (i32, i32, i32) {
    %c0_i32 = arith.constant 0 : i32
    %c0_i32_0 = arith.constant 0 : i32
    %c0_i32_1 = arith.constant 0 : i32
    %c0_i32_2 = arith.constant 0 : i32
    return %c0_i32, %c0_i32_0, %c0_i32_1 : i32, i32, i32
  }
  func.func @transform_5(%arg0: i32) -> (i32, i32) {
    %c0_i32 = arith.constant 0 : i32
    %c0_i32_0 = arith.constant 0 : i32
    %c0_i32_1 = arith.constant 0 : i32
    return %c0_i32, %c0_i32_0 : i32, i32
  }
  func.func @transform_6(%arg0: i32) -> (i32, i32) {
    %c0_i32 = arith.constant 0 : i32
    %c0_i32_0 = arith.constant 0 : i32
    %c0_i32_1 = arith.constant 0 : i32
    return %c0_i32, %c0_i32_0 : i32, i32
  }
  func.func @transform_7(%arg0: i32) -> (i32, i32) {
    %c0_i32 = arith.constant 0 : i32
    %c0_i32_0 = arith.constant 0 : i32
    %c0_i32_1 = arith.constant 0 : i32
    return %c0_i32, %c0_i32_0 : i32, i32
  }
  func.func @transform_8(%arg0: i32) -> (i32, i32) {
    %c0_i32 = arith.constant 0 : i32
    %c0_i32_0 = arith.constant 0 : i32
    %c0_i32_1 = arith.constant 0 : i32
    return %c0_i32, %c0_i32_0 : i32, i32
  }
  func.func @transform_9(%arg0: i32) -> (i32, i32) {
    %c0_i32 = arith.constant 0 : i32
    %c0_i32_0 = arith.constant 0 : i32
    return %arg0, %c0_i32 : i32, i32
  }
}

</mosaic_0001>

<sc_bundles>
// kernel: kernel.11.cloned.1.call-start
scs
__scs_entry_jumppad:
0x0: {  	(pc) =	sbr.rel $0x88, $3  }
0x1: {  	(tag) =	ssettag $0x0;
	lr =	simm.s32 $0x1  }
0x2: {  	[smem:$0x3F95] =	sst lr;
	_ =	strace $0xD0000000  }
0x3: {  	_ = 	snop  }
0x4: {  	_ = 	snop  }
0x5: {  	_ = 	snop  }
0x6: {  	_ = 	snop  }
0x7: {  	_ = 	snop  }
__scs_overlays_trampoline_lowered:
0x8: {  	[smem:$0x3FA4] =	sst s0  }
0x9: {  	[smem:$0x3FA5] =	sst s1  }
0xa: {  	[smem:$0x3FA6] =	sst s2  }
0xb: {  	[smem:$0x3FA7] =	sst s3  }
0xc: {  	[smem:$0x3FA8] =	sst s4  }
0xd: {  	[smem:$0x3FA9] =	sst s5  }
0xe: {  	[smem:$0x3FAA] =	sst s6  }
0xf: {  	[smem:$0x3FAB] =	sst s7  }
0x10: {  	[smem:$0x3FAC] =	sst s8  }
0x11: {  	[smem:$0x3FAD] =	sst s9;
	s0 =	simm.s32 @!p0 $0x0  }
0x12: {  	s1 =	sld [smem:$0x3F93];
	s0 =	simm.s32 @p0 $0x1  }
0x13: {  	[smem:$0x3FAE] =	sst s0;
	s0 =	simm.s32 @!p1 $0x0  }
0x14: {  	s2 =	sld [smem:$0x3F92];
	s0 =	simm.s32 @p1 $0x1  }
0x15: {  	[smem:$0x3FAF] =	sst s0;
	s0 =	simm.s32 @!p2 $0x0  }
0x16: {  	s3 =	sld [smem:$0x3FDB];
	s0 =	simm.s32 @p2 $0x1  }
0x17: {  	s4 =	simm.s32 $0x1BF5;
	[smem:$0x3FB1] =	sst s0  }
0x18: {  	s0 =	sld [smem:$0x3F94];
	_ =	swait.ge [sflag:s4], $0x0  }
0x19: {  	s7 =	sld [smem:$0x3F95]  }
0x1a: {  	s8 =	sadd.s32 $0xFFFFE003, lr  }
0x1b: {  	s9 =	sadd.s32 $0xFFFFFEF7, lr;
	s5 =	simm.s32 $0xFFFFFFFF;
	p2 =	slt.u32 s8, $0xFFFFF086  }
0x1c: {  	p1 =	slt.u32 s9, $0xF7A;
	s5 =	simm.s32 @!p2 $0x0  }
0x1d: {  	s5 =	simm.s32 @p1 $0x1;
	p0 =	seq.s32 s7, s2  }
0x1e: {  	s7 =	smul.u32 @!p0 $0xF7A, s2;
	p2 =	seq.s32 @!p0 s5, $0x0  }
0x1f: {  	s9 =	smul.u32 $0xF7A, s1;
	s8 =	simm.s32 @!p0 $0x1BF5;
	p2 =	por !p2, p0  }
0x20: {  	[sflag:s8] =	ssyncset.s32 @!p0 $0xFFFFF086;
	s6 =	sadd.s32 @!p0 s3, s7;
	s7 =	simm.s32 @!p0 $0x108  }
0x21: {  	s3 =	sadd.s32 s3, s9;
	s6 =	sadd.s32 @!p0 $0x88, s6;
	s7 =	simm.s32 @p2 $0x1082  }
0x22: {  	[simem:s7], [sflag:s8] =	dma.local @!p0 [hbm:s6], $0xF7A  }
0x23: {  	s9 =	sor.u32 $0xD0000000, s2;
	s6 =	simm.s32 $0x108;
	_ =	swait.ge @!p0 [sflag:s8], $0x0  }
0x24: {  	s3 =	sadd.s32 $0x88, s3;
	s6 =	simm.s32 @!p1 $0x1082;
	[sflag:s4] =	ssyncset.s32 $0xFFFFF086  }
0x25: {  	[simem:s6], [sflag:s4] =	dma.local [hbm:s3], $0xF7A  }
0x26: {  	[smem:$0x3F95] =	sst s1;
	(tag) =	ssettag s2;
	_ =	strace s9  }
0x27: {  	s1 =	sld [smem:$0x3FA5]  }
0x28: {  	s2 =	sld [smem:$0x3FA6]  }
0x29: {  	s4 =	sld [smem:$0x3FA8]  }
0x2a: {  	p0 =	seq.s32 s5, $0x0;
	s5 =	sld [smem:$0x3FA9]  }
0x2b: {  	s6 =	sld [smem:$0x3FAA]  }
0x2c: {  	s7 =	sld [smem:$0x3FAB]  }
0x2d: {  	s3 =	simm.s32 $0x108;
	s8 =	sld [smem:$0x3FAC]  }
0x2e: {  	s3 =	simm.s32 @!p0 $0x1082;
	s9 =	sld [smem:$0x3FAD]  }
0x2f: {  	lr =	sadd.s32 s0, s3;
	s0 =	sld [smem:$0x3FA4]  }
0x30: {  	s3 =	sld [smem:$0x3FA7]  }
0x31: {  	[smem:$0x3FB0] =	sst s10  }
0x32: {  	s10 =	sld [smem:$0x3FAE];
	_ =	sdelay $0x3  }
0x33: {  	p0 =	seq.s32 s10, $0x1;
	s10 =	sld [smem:$0x3FB0];
	_ =	sdelay $0x3  }
0x34: {  	[smem:$0x3FB0] =	sst s10  }
0x35: {  	s10 =	sld [smem:$0x3FAF];
	_ =	sdelay $0x3  }
0x36: {  	p1 =	seq.s32 s10, $0x1;
	s10 =	sld [smem:$0x3FB0];
	_ =	sdelay $0x3  }
0x37: {  	[smem:$0x3FB0] =	sst s10  }
0x38: {  	s10 =	sld [smem:$0x3FB1]  }
0x39: {  	_ = 	snop;
	(pc) =	sbr.ind lr, $3  }
0x3a: {  	_ = 	snop  }
0x3b: {  	_ = 	snop  }
0x3c: {  	p2 =	seq.s32 s10, $0x1;
	s10 =	sld [smem:$0x3FB0]  }
0x3d: {  	_ =	shalt  }
0x3e: {  	_ =	shalt  }
0x3f: {  	_ =	shalt  }
0x40: {  	_ =	shalt  }
0x41: {  	_ =	shalt  }
0x42: {  	_ =	shalt  }
0x43: {  	_ =	shalt  }
0x44: {  	_ =	shalt  }
0x45: {  	_ =	shalt  }
0x46: {  	_ =	shalt  }
0x47: {  	_ =	shalt  }
0x48: {  	_ =	shalt  }
0x49: {  	_ =	shalt  }
0x4a: {  	_ =	shalt  }
0x4b: {  	_ =	shalt  }
0x4c: {  	_ =	shalt  }
0x4d: {  	_ =	shalt  }
0x4e: {  	_ =	shalt  }
0x4f: {  	_ =	shalt  }
0x50: {  	_ =	shalt  }
0x51: {  	_ =	shalt  }
0x52: {  	_ =	shalt  }
0x53: {  	_ =	shalt  }
0x54: {  	_ =	shalt  }
0x55: {  	_ =	shalt  }
0x56: {  	_ =	shalt  }
0x57: {  	_ =	shalt  }
0x58: {  	_ =	shalt  }
0x59: {  	_ =	shalt  }
0x5a: {  	_ =	shalt  }
0x5b: {  	_ =	shalt  }
0x5c: {  	_ =	shalt  }
0x5d: {  	_ =	shalt  }
0x5e: {  	_ =	shalt  }
0x5f: {  	_ =	shalt  }
0x60: {  	_ =	shalt  }
0x61: {  	_ =	shalt  }
0x62: {  	_ =	shalt  }
0x63: {  	_ =	shalt  }
0x64: {  	_ =	shalt  }
0x65: {  	_ =	shalt  }
0x66: {  	_ =	shalt  }
0x67: {  	_ =	shalt  }
0x68: {  	_ =	shalt  }
0x69: {  	_ =	shalt  }
0x6a: {  	_ =	shalt  }
0x6b: {  	_ =	shalt  }
0x6c: {  	_ =	shalt  }
0x6d: {  	_ =	shalt  }
0x6e: {  	_ =	shalt  }
0x6f: {  	_ =	shalt  }
0x70: {  	_ =	shalt  }
0x71: {  	_ =	shalt  }
0x72: {  	_ =	shalt  }
0x73: {  	_ =	shalt  }
0x74: {  	_ =	shalt  }
0x75: {  	_ =	shalt  }
0x76: {  	_ =	shalt  }
0x77: {  	_ =	shalt  }
0x78: {  	_ =	shalt  }
0x79: {  	_ =	shalt  }
0x7a: {  	_ =	shalt  }
0x7b: {  	_ =	shalt  }
0x7c: {  	_ =	shalt  }
0x7d: {  	_ =	shalt  }
0x7e: {  	_ =	shalt  }
0x7f: {  	_ =	shalt  }
0x80: {  	_ =	shalt  }
0x81: {  	_ =	shalt  }
0x82: {  	_ =	shalt  }
0x83: {  	_ =	shalt  }
0x84: {  	_ =	shalt  }
0x85: {  	_ =	shalt  }
0x86: {  	_ =	shalt  }
0x87: {  	_ =	shalt  }
.Lfunc_end0:
.L_simem_size_0:
called_computation.1_lowered:
.L_overlay_start_0:
0x88: {  	s2 =	sld [smem:$0x3FD9]  }
0x89: {  	s3 =	sld [smem:$0x3FFE];
	_ =	sdelay $0x1  }
0x8a: {  	s1 =	srdreg.scid  }
0x8b: {  	s0 =	sand.u32 $0x1, s1  }
0x8c: {  	s16 =	sshll.u32 s0, $0xA;
	s2 =	sadd.s32 s3, s2  }
0x8d: {  	s2 =	sadd.s32 s2, s16  }
0x8e: {  	[smem:$0x3FBC] =	sst s2  }
0x8f: {  	_ = 	snop  }
0x90: {  	(tm) =	ssettm $0x1  }
0x91: {  	s17 =	sld [smem:$0x3FFB];
	_ =	sdelay $0x3  }
0x92: {  	_ =	strace s17  }
0x93: {  	s2 =	sld [smem:$0x3FFC];
	_ =	sdelay $0x3  }
0x94: {  	_ =	strace s2  }
0x95: {  	s2 =	sld [smem:$0x3FFD];
	_ =	sdelay $0x3  }
0x96: {  	_ =	strace s2  }
0x97: {  	_ =	strace $0x8FFFFFFF  }
0x98: {  	s18 =	sld [smem:$0x3FDB];
	_ =	sdelay $0x1  }
0x99: {  	s19 =	simm.s32 $_scs_section_size  }
0x9a: {  	s4 =	simm.s32 $_size__tile_overlayer_lowered;
	s5 =	simm.s32 $_tile_overlayer_lowered  }
0x9b: {  	s22 =	simm.s32 $0x1BFF;
	s21 =	sshll.u32 s5, $0x1;
	s2 =	sadd.s32 s19, s18  }
0x9c: {  	s6 =	simm.s32 $0x0;
	s20 =	sshll.u32 s4, $0x1;
	s4 =	sadd.s32 s21, s2  }
0x9d: {  	[timem:s6], [sflag:s22] =	dma.local [hbm:s4], s20  }
0x9e: {  	_ =	swait.ge [sflag:s22], s20  }
0x9f: {  	s3 =	ssub.s32 $0x0, s20;
	[sflag:s22] =	ssyncset.done $0x0  }
0xa0: {  	[sflag:s22] =	ssyncadd.s32 s3;
	_ =	sdelay $0x1  }
0xa1: {  	s23 =	simm.s32 $0x1B8B  }
0xa2: {  	_ =	swait.ge [sflag:s23], $0x1  }
0xa3: {  	[sflag:s23] =	ssyncset.done $0x0  }
0xa4: {  	s25 =	simm.s32 $0x1B8E;
	s24 =	sld [smem:$0x3FFE];
	[sflag:s23] =	ssyncadd.s32 $0xFFFFFFFF  }
0xa5: {  	s26 =	simm.s32 $execute0_lowered;
	[smem:$0x3FD2] =	sst s25  }
0xa6: {  	s4 =	sshll.u32 s26, $0x1;
	_ =	strace $0x80000049;
	[dreg:$0x1] =	wrdreg $0xFFFFFFFF  }
0xa7: {  	s28 =	simm.s32 $_size_execute0_lowered;
	s2 =	sadd.s32 s2, s4;
	[dreg:$0x0] =	wrdreg $0x0  }
0xa8: {  	s4 =	sshll.u32 s28, $0x1;
	[dreg:$0x2] =	wrdreg s2  }
0xa9: {  	[dreg:$0x3] =	wrdreg s4  }
0xaa: {  	[dreg:$0x4] =	wrdreg $0xC0  }
0xab: {  	_ =	task [dreg:s6], $0x5FFFF  }
0xac: {  	[dreg:$0x1] =	wrdreg $0xFFFFFFFF  }
0xad: {  	[dreg:$0x0] =	wrdreg $0x60  }
0xae: {  	[dreg:$0x2] =	wrdreg s24  }
0xaf: {  	[dreg:$0x3] =	wrdreg $0x0  }
0xb0: {  	[dreg:$0x4] =	wrdreg $0x9  }
0xb1: {  	_ =	task.clear_ibuf [dreg:s6], $0x5FFFF;
	_ =	strace $0x90000049  }
0xb2: {  	s29 =	simm.s32 $0x9;
	_ =	strace $0x8000004B  }
0xb3: {  	_ =	swait.ge [sflag:s29], $0x1  }
0xb4: {  	[sflag:s29] =	ssyncadd.s32 $0xFFFFFFFF  }
0xb5: {  	_ =	strace $0x9000004B  }
0xb6: {  	_ =	sfence  }
0xb7: {  	s30 =	sld [smem:$0x0];
	_ =	sdelay $0x2  }
0xb8: {  	s31 =	sshll.u32 s1, $0xD;
	s1 =	sshrl.u32 s1, $0x2  }
0xb9: {  	s3 =	sand.u32 $0x4000, s31;
	s1 =	sadd.s32 s1, s30  }
0xba: {  	s0 =	sor.u32 s3, s0;
	s1 =	sshll.u32 s1, $0x11  }
0xbb: {  	s0 =	sor.u32 s1, s0  }
0xbc: {  	s0 =	sadd.s32 $0x8F2B, s0  }
0xbd: {  	[sflag:s0] =	ssyncadd.remote.s32 $0x1  }
0xbe: {  	_ =	sfence.sel $0xFFFF  }
0xbf: {  	[dreg:$0x0] =	wrdreg $0xFFFFFFFF;
	(pc) =	sbr.abs _section_cstart, $3  }
0xc0: {  	[dreg:$0x1] =	wrdreg $0xFFFFFFFF  }
0xc1: {  	_ =	task.clear_ibuf [dreg:s6], $0x2FFFF;
	_ =	strace $0x9FFFFFFF  }
0xc2: {  	(tm) =	ssettm $0x7FFFFFFF  }
0xc3: {  	_ =	shalt  }
tec
execute0_lowered:
.L_overlay_start_1:
0x0: {  	(tag) =	ssettag $0x1  }
0x1: {  	s0 =	rddreg [dreg:$0x0]  }
0x2: {  	s1 =	rddreg [dreg:$0x1]  }
0x3: {  	s2 =	srdreg.scid;
	s11 =	simm.s32 $0x0;
	s9 =	stileid.u32  }
0x4: {  	s12 =	simm.s32 $0x7;
	s13 =	simm.s32 $0x14000;
	s14 =	simm.s32 $0x15000  }
0x5: {  	s15 =	simm.s32 $0x40;
	s16 =	simm.s32 $0x16000;
	s17 =	simm.s32 $0x14040  }
0x6: {  	s18 =	simm.s32 $0x17000;
	s19 =	simm.s32 $0x14080;
	s20 =	simm.s32 $0x18000  }
0x7: {  	s21 =	simm.s32 $0x1;
	s22 =	simm.s32 $0x19000;
	s23 =	simm.s32 $0x1A000  }
0x8: {  	s28 =	simm.s32 $0x3;
	s29 =	simm.s32 $0x5;
	s30 =	simm.s32 $0x4  }
0x9: {  	s31 =	simm.s32 $0x6;
	s2 =	sand.u32 $0x1, s2;
	s7 =	smul.u32 $0x14000, s9  }
0xa: {  	[smem:$0x7FF] =	sst s11;
	s4 =	sadd.s32 $0x16200, s0;
	s3 =	smul.u32 $0x14000, s2  }
0xb: {  	s5 =	sadd.s32 $0xC200, s0;
	s6 =	smul.u32 $0x28000, s2;
	s2 =	ssub.s32 $0x2, s2  }
0xc: {  	s8 =	sshll.u32 s9, $0x6;
	s25 =	sshrl.u32 s2, $0x1;
	s10 =	sshrl.u32 s7, $0x3  }
0xd: {  	s3 =	sadd.s32 s3, s0;
	s0 =	sadd.s32 s6, s0;
	s2 =	ssub.s32 s2, s25  }
0xe: {  	_ =	strace $0x8000004A;
	s26 =	sadd.s32 s10, s0;
	s2 =	smax.u32 s2, $0x1  }
0xf: {  	s0 =	sadd.s32 $0xE8200, s0;
	s6 =	sadd.s32 $0x70200, s26;
	[dreg:$0x6] =	wrdreg s2  }
0x10: {  	s7 =	sadd.s32 s7, s1;
	s0 =	sadd.s32 s10, s0;
	[dreg:$0x4] =	wrdreg s6  }
0x11: {  	s25 =	simm.s32 $0x2;
	s2 =	sshrl.u32 s7, $0x3;
	[dreg:$0x8] =	wrdreg s0  }
0x12: {  	s26 =	simm.s32 $0x1C000;
	s6 =	sor.u32 $0x1C07, s8;
	[dreg:$0x7] =	wrdreg s2  }
0x13: {  	s8 =	smul.u32 $0x5000, s9;
	s9 =	sadd.s32 $0xC0200, s3;
	[dreg:$0x5] =	wrdreg s6  }
.LBB2_1:
0x14: {  	[dreg:$0x3] =	wrdreg s11  }
0x15: {  	s0 =	rddreg [dreg:$0x4]  }
0x16: {  	[spmem:s2], [sflag:s6] =	dma.local [hbm:s0], $0x2800  }
0x17: {  	_ =	swait.ge [sflag:s12], $0x2800  }
0x18: {  	[sflag:s12] =	ssyncset.done $0x0  }
0x19: {  	[sflag:s12] =	ssyncadd.s32 $0xFFFFD800  }
0x1a: {  	s0 =	simm.s32 $0x0;
	[bflag:$0x0] =	sbarrier.arrive $0xFFFF  }
.LBB2_2:
0x1b: {  	p0 =	seq.s32 s0, $0x0  }
0x1c: {  	s2 =	simm.s32 @!p0 $0x5  }
0x1d: {  	_ =	swait.ge @!p0 [sflag:s2], $0x2000  }
0x1e: {  	[sflag:s2] =	ssyncset.done @!p0 $0x0  }
0x1f: {  	s3 =	sshll.u32 s0, $0xC;
	[sflag:s2] =	ssyncadd.s32 @!p0 $0xFFFFE000;
	s2 =	simm.s32 @!p0 $0x6  }
0x20: {  	s3 =	sadd.s32 s8, s3;
	_ =	swait.ge @!p0 [sflag:s2], $0x2000  }
0x21: {  	s6 =	sshrl.u32 s3, $0x3;
	[sflag:s2] =	ssyncset.done @!p0 $0x0  }
0x22: {  	s3 =	simm.s32 $0x0;
	s11 =	sadd.s32 s4, s6;
	[sflag:s2] =	ssyncadd.s32 @!p0 $0xFFFFE000  }
0x23: {  	[tilespmem:s13], [sflag:$0x7] =	stream.linear.gather [hbm4b:s11+s3], $0x1000, $0x38;
	[tilespmem:$0x1E000] =	vst v63  }
0x24: {  	_ =	swait.ge [sflag:s12], $0x1000  }
0x25: {  	[sflag:s12] =	ssyncset.done $0x0  }
0x26: {  	s24 =	sadd.s32 s5, s6;
	[sflag:s12] =	ssyncadd.s32 $0xFFFFF000  }
0x27: {  	[tilespmem:s14], [sflag:$0x7] =	stream.linear.gather [hbm4b:s24+s3], $0x1000, $0x38;
	[tilespmem:$0x1E000] =	vst v63  }
0x28: {  	_ =	swait.ge [sflag:s12], $0x1000  }
0x29: {  	[sflag:s12] =	ssyncset.done $0x0  }
0x2a: {  	[sflag:s12] =	ssyncadd.s32 $0xFFFFF000  }
0x2b: {  	[tilespmem:s16], [sflag:$0x1] =	stream.indirect.gather [hbm4b:s9+s15], $0x40, s13, s15, $0xb8;
	[tilespmem:$0x1E000] =	vst v63  }
0x2c: {  	_ = 	snop  }
0x2d: {  	[tilespmem:s18], [sflag:$0x2] =	stream.indirect.gather [hbm4b:s9+s15], $0x40, s17, s15, $0xb8;
	[tilespmem:$0x1E000] =	vst v63  }
0x2e: {  	_ = 	snop  }
0x2f: {  	[tilespmem:s20], [sflag:$0x3] =	stream.indirect.gather [hbm4b:s9+s15], $0x40, s19, s15, $0xb8;
	[tilespmem:$0x1E000] =	vst v63  }
.LBB2_3:
0x30: {  	_ =	swait.ge [sflag:s21], $0x1000  }
0x31: {  	s2 =	sshll.u32 s3, $0x8;
	[sflag:s21] =	ssyncset.done $0x0  }
0x32: {  	p0 =	seq.s32 s3, $0x0;
	s6 =	sadd.s32 $0x140C0, s2;
	[sflag:s21] =	ssyncadd.s32 $0xFFFFF000  }
0x33: {  	[tilespmem:s22], [sflag:$0x4] =	stream.indirect.gather [hbm4b:s9+s15], $0x40, s6, s15, $0xb8;
	[tilespmem:$0x1E000] =	vst v63  }
0x34: {  	s6 =	simm.s32 @!p0 $0x5  }
0x35: {  	_ =	swait.ge @!p0 [sflag:s6], $0x2000  }
0x36: {  	[sflag:s6] =	ssyncset.done @!p0 $0x0  }
0x37: {  	s24 =	simm.s32 $0x0;
	[sflag:s6] =	ssyncadd.s32 @!p0 $0xFFFFE000  }
0x38: {  	v0 =	vld [tilespmem:s24+$0x16000];
	_ =	sdelay $0x4  }
0x39: {  	s10 =	simm.s32 $0x1A040;
	v1 =	vshll.u32 v0, $0x10  }
0x3a: {  	v0 =	vand.u32 $0xFFFF0000, v0;
	[tilespmem:s10+$0xFFFFFFC0] =	vst v1  }
0x3b: {  	[tilespmem:s10+$0x0] =	vst v0  }
0x3c: {  	v0 =	vld [tilespmem:s24+$0x16010];
	_ =	sdelay $0x4  }
0x3d: {  	v1 =	vshll.u32 v0, $0x10  }
0x3e: {  	v0 =	vand.u32 $0xFFFF0000, v0;
	[tilespmem:s10+$0xFFFFFFD0] =	vst v1  }
0x3f: {  	[tilespmem:s10+$0x10] =	vst v0  }
0x40: {  	v0 =	vld [tilespmem:s24+$0x16020];
	_ =	sdelay $0x4  }
0x41: {  	v1 =	vand.u32 $0xFFFF0000, v0  }
0x42: {  	v0 =	vshll.u32 v0, $0x10;
	[tilespmem:s10+$0x20] =	vst v1  }
0x43: {  	[tilespmem:s10+$0xFFFFFFE0] =	vst v0  }
0x44: {  	v0 =	vld [tilespmem:s24+$0x16030];
	_ =	sdelay $0x4  }
0x45: {  	v1 =	vshll.u32 v0, $0x10  }
0x46: {  	v0 =	vand.u32 $0xFFFF0000, v0;
	[tilespmem:s10+$0xFFFFFFF0] =	vst v1  }
0x47: {  	s7 =	simm.s32 $0x40;
	[tilespmem:s10+$0x30] =	vst v0  }
0x48: {  	v0 =	vld [tilespmem:s7+$0x16000]  }
0x49: {  	s11 =	simm.s32 $0x200;
	s6 =	sor.u32 $0xC0, s2  }
.LBB2_4:
0x4a: {  	p0 =	sne.s32 s11, $0x3F00;
	_ =	sdelay $0x2  }
0x4b: {  	s10 =	sadd.s32 $0x80, s10;
	v1 =	vshll.u32 v0, $0x10  }
0x4c: {  	v0 =	vand.u32 $0xFFFF0000, v0;
	[tilespmem:s10+$0xFFFFFFC0] =	vst v1  }
0x4d: {  	[tilespmem:s10+$0x0] =	vst v0  }
0x4e: {  	v0 =	vld [tilespmem:s7+$0x16010];
	_ =	sdelay $0x4  }
0x4f: {  	v1 =	vshll.u32 v0, $0x10  }
0x50: {  	v0 =	vand.u32 $0xFFFF0000, v0;
	[tilespmem:s10+$0xFFFFFFD0] =	vst v1  }
0x51: {  	[tilespmem:s10+$0x10] =	vst v0  }
0x52: {  	v0 =	vld [tilespmem:s7+$0x16020];
	_ =	sdelay $0x4  }
0x53: {  	v1 =	vshll.u32 v0, $0x10;
	v0 =	vand.u32 $0xFFFF0000, v0  }
0x54: {  	[tilespmem:s10+$0x20] =	vst v0  }
0x55: {  	[tilespmem:s10+$0xFFFFFFE0] =	vst v1  }
0x56: {  	v0 =	vld [tilespmem:s7+$0x16030];
	_ =	sdelay $0x4  }
.Ltmp0:
0x57: {  	v1 =	vshll.u32 v0, $0x10;
	v0 =	vand.u32 $0xFFFF0000, v0;
	(pc) =	sbr.rel @p0 .LBB2_4-.Ltmp0, $4  }
0x58: {  	[tilespmem:s10+$0xFFFFFFF0] =	vst v1  }
0x59: {  	s7 =	sshra.s32 s11, $0x2;
	[tilespmem:s10+$0x30] =	vst v0  }
0x5a: {  	v0 =	vld [tilespmem:s7+$0x16000]  }
0x5b: {  	s11 =	sadd.s32 $0x100, s11  }
0x5c: {  	_ =	sdelay $0x2  }
0x5d: {  	s2 =	sadd.s32 $0x80, s10;
	v1 =	vshll.u32 v0, $0x10  }
0x5e: {  	v0 =	vand.u32 $0xFFFF0000, v0;
	[tilespmem:s2+$0xFFFFFFC0] =	vst v1  }
0x5f: {  	[tilespmem:s2+$0x0] =	vst v0  }
0x60: {  	v0 =	vld [tilespmem:s7+$0x16010];
	_ =	sdelay $0x4  }
0x61: {  	v1 =	vshll.u32 v0, $0x10  }
0x62: {  	v0 =	vand.u32 $0xFFFF0000, v0;
	[tilespmem:s2+$0xFFFFFFD0] =	vst v1  }
0x63: {  	[tilespmem:s2+$0x10] =	vst v0  }
0x64: {  	v0 =	vld [tilespmem:s7+$0x16020];
	_ =	sdelay $0x4  }
0x65: {  	v1 =	vand.u32 $0xFFFF0000, v0  }
0x66: {  	v0 =	vshll.u32 v0, $0x10;
	[tilespmem:s2+$0x20] =	vst v1  }
0x67: {  	[tilespmem:s2+$0xFFFFFFE0] =	vst v0  }
0x68: {  	v0 =	vld [tilespmem:s7+$0x16030];
	_ =	sdelay $0x4  }
0x69: {  	s7 =	sshll.u32 s3, $0xA;
	v1 =	vshll.u32 v0, $0x10  }
0x6a: {  	s10 =	sshrl.u32 s7, $0x2;
	v0 =	vand.u32 $0xFFFF0000, v0;
	[tilespmem:s2+$0xFFFFFFF0] =	vst v1  }
0x6b: {  	p0 =	seq.s32 s3, $0xF;
	s24 =	sadd.s32 $0x15000, s10;
	[tilespmem:s2+$0x30] =	vst v0  }
0x6c: {  	[spmem:s1] =	stream.indirect.scatter.add.f32 [tilespmem:s23], [sflag:$0x5], $0x80, s24, s15, $0xb8;
	[tilespmem:$0x1E000] =	vst v63  }
0x6d: {  	p1 =	seq.s32 @!p0 s3, $0x0;
	s11 =	simm.s32 @!p0 $0x16000;
	_ =	swait.ge [sflag:s25], $0x1000  }
0x6e: {  	p1 =	por p0, !p1;
	s24 =	sshrl.u32 @!p0 s7, $0x2;
	[sflag:s25] =	ssyncset.done $0x0  }
0x6f: {  	s7 =	simm.s32 @!p0 $0x40;
	s2 =	sadd.s32 @!p0 $0x14100, s24;
	[sflag:s25] =	ssyncadd.s32 $0xFFFFF000  }
0x70: {  	[tilespmem:s11], [sflag:$0x1] =	stream.indirect.gather @!p0 [hbm4b:s9+s7], $0x40, s2, s7, $0xb8;
	[tilespmem:$0x1E000] =	vst v63  }
0x71: {  	_ =	swait.ge @p1 [sflag:s31], $0x2000  }
0x72: {  	[sflag:s31] =	ssyncset.done @p1 $0x0  }
0x73: {  	s11 =	simm.s32 $0x0;
	[sflag:s31] =	ssyncadd.s32 @p1 $0xFFFFE000  }
0x74: {  	v0 =	vld [tilespmem:s11+$0x17000];
	_ =	sdelay $0x4  }
0x75: {  	s7 =	simm.s32 $0x1C040;
	v1 =	vshll.u32 v0, $0x10  }
0x76: {  	v0 =	vand.u32 $0xFFFF0000, v0;
	[tilespmem:s7+$0xFFFFFFC0] =	vst v1  }
0x77: {  	[tilespmem:s7+$0x0] =	vst v0  }
0x78: {  	v0 =	vld [tilespmem:s11+$0x17010];
	_ =	sdelay $0x4  }
0x79: {  	v1 =	vshll.u32 v0, $0x10  }
0x7a: {  	v0 =	vand.u32 $0xFFFF0000, v0;
	[tilespmem:s7+$0xFFFFFFD0] =	vst v1  }
0x7b: {  	[tilespmem:s7+$0x10] =	vst v0  }
0x7c: {  	v0 =	vld [tilespmem:s11+$0x17020];
	_ =	sdelay $0x4  }
0x7d: {  	v1 =	vand.u32 $0xFFFF0000, v0  }
0x7e: {  	v0 =	vshll.u32 v0, $0x10;
	[tilespmem:s7+$0x20] =	vst v1  }
0x7f: {  	[tilespmem:s7+$0xFFFFFFE0] =	vst v0  }
0x80: {  	v0 =	vld [tilespmem:s11+$0x17030];
	_ =	sdelay $0x4  }
0x81: {  	v1 =	vshll.u32 v0, $0x10  }
0x82: {  	v0 =	vand.u32 $0xFFFF0000, v0;
	[tilespmem:s7+$0xFFFFFFF0] =	vst v1  }
0x83: {  	s11 =	simm.s32 $0x40;
	[tilespmem:s7+$0x30] =	vst v0  }
0x84: {  	v0 =	vld [tilespmem:s11+$0x17000]  }
0x85: {  	s2 =	simm.s32 $0x200  }
.LBB2_6:
0x86: {  	p1 =	sne.s32 s2, $0x3F00;
	_ =	sdelay $0x2  }
0x87: {  	s7 =	sadd.s32 $0x80, s7;
	v1 =	vshll.u32 v0, $0x10  }
0x88: {  	v0 =	vand.u32 $0xFFFF0000, v0;
	[tilespmem:s7+$0xFFFFFFC0] =	vst v1  }
0x89: {  	[tilespmem:s7+$0x0] =	vst v0  }
0x8a: {  	v0 =	vld [tilespmem:s11+$0x17010];
	_ =	sdelay $0x4  }
0x8b: {  	v1 =	vshll.u32 v0, $0x10  }
0x8c: {  	v0 =	vand.u32 $0xFFFF0000, v0;
	[tilespmem:s7+$0xFFFFFFD0] =	vst v1  }
0x8d: {  	[tilespmem:s7+$0x10] =	vst v0  }
0x8e: {  	v0 =	vld [tilespmem:s11+$0x17020];
	_ =	sdelay $0x4  }
0x8f: {  	v1 =	vshll.u32 v0, $0x10;
	v0 =	vand.u32 $0xFFFF0000, v0  }
0x90: {  	[tilespmem:s7+$0x20] =	vst v0  }
0x91: {  	[tilespmem:s7+$0xFFFFFFE0] =	vst v1  }
0x92: {  	v0 =	vld [tilespmem:s11+$0x17030];
	_ =	sdelay $0x4  }
.Ltmp1:
0x93: {  	v1 =	vshll.u32 v0, $0x10;
	v0 =	vand.u32 $0xFFFF0000, v0;
	(pc) =	sbr.rel @p1 .LBB2_6-.Ltmp1, $4  }
0x94: {  	[tilespmem:s7+$0xFFFFFFF0] =	vst v1  }
0x95: {  	s11 =	sshra.s32 s2, $0x2;
	[tilespmem:s7+$0x30] =	vst v0  }
0x96: {  	v0 =	vld [tilespmem:s11+$0x17000]  }
0x97: {  	s2 =	sadd.s32 $0x100, s2  }
0x98: {  	_ =	sdelay $0x2  }
0x99: {  	s2 =	sadd.s32 $0x80, s7;
	v1 =	vshll.u32 v0, $0x10  }
0x9a: {  	v0 =	vand.u32 $0xFFFF0000, v0;
	[tilespmem:s2+$0xFFFFFFC0] =	vst v1  }
0x9b: {  	[tilespmem:s2+$0x0] =	vst v0  }
0x9c: {  	v0 =	vld [tilespmem:s11+$0x17010];
	_ =	sdelay $0x4  }
0x9d: {  	v1 =	vshll.u32 v0, $0x10  }
0x9e: {  	v0 =	vand.u32 $0xFFFF0000, v0;
	[tilespmem:s2+$0xFFFFFFD0] =	vst v1  }
0x9f: {  	[tilespmem:s2+$0x10] =	vst v0  }
0xa0: {  	v0 =	vld [tilespmem:s11+$0x17020];
	_ =	sdelay $0x4  }
0xa1: {  	v1 =	vand.u32 $0xFFFF0000, v0  }
0xa2: {  	v0 =	vshll.u32 v0, $0x10;
	[tilespmem:s2+$0x20] =	vst v1  }
0xa3: {  	[tilespmem:s2+$0xFFFFFFE0] =	vst v0  }
0xa4: {  	v0 =	vld [tilespmem:s11+$0x17030];
	_ =	sdelay $0x4  }
0xa5: {  	v1 =	vshll.u32 v0, $0x10  }
0xa6: {  	v0 =	vand.u32 $0xFFFF0000, v0;
	[tilespmem:s2+$0xFFFFFFF0] =	vst v1  }
0xa7: {  	s7 =	sadd.s32 $0x15040, s10;
	[tilespmem:s2+$0x30] =	vst v0  }
0xa8: {  	[spmem:s1] =	stream.indirect.scatter.add.f32 [tilespmem:s26], [sflag:$0x6], $0x80, s7, s15, $0xb8;
	[tilespmem:$0x1E000] =	vst v63  }
0xa9: {  	_ =	swait.ge [sflag:s28], $0x1000  }
0xaa: {  	s11 =	simm.s32 @!p0 $0x17000;
	[sflag:s28] =	ssyncset.done $0x0  }
0xab: {  	s2 =	sadd.s32 @!p0 $0x14140, s24;
	s7 =	simm.s32 @!p0 $0x40;
	[sflag:s28] =	ssyncadd.s32 $0xFFFFF000  }
0xac: {  	[tilespmem:s11], [sflag:$0x2] =	stream.indirect.gather @!p0 [hbm4b:s9+s7], $0x40, s2, s7, $0xb8;
	[tilespmem:$0x1E000] =	vst v63  }
0xad: {  	_ =	swait.ge [sflag:s29], $0x2000  }
0xae: {  	[sflag:s29] =	ssyncset.done $0x0  }
0xaf: {  	s11 =	simm.s32 $0x0;
	[sflag:s29] =	ssyncadd.s32 $0xFFFFE000  }
0xb0: {  	v0 =	vld [tilespmem:s11+$0x18000];
	_ =	sdelay $0x4  }
0xb1: {  	s7 =	simm.s32 $0x1A040;
	v1 =	vshll.u32 v0, $0x10  }
0xb2: {  	v0 =	vand.u32 $0xFFFF0000, v0;
	[tilespmem:s7+$0xFFFFFFC0] =	vst v1  }
0xb3: {  	[tilespmem:s7+$0x0] =	vst v0  }
0xb4: {  	v0 =	vld [tilespmem:s11+$0x18010];
	_ =	sdelay $0x4  }
0xb5: {  	v1 =	vshll.u32 v0, $0x10  }
0xb6: {  	v0 =	vand.u32 $0xFFFF0000, v0;
	[tilespmem:s7+$0xFFFFFFD0] =	vst v1  }
0xb7: {  	[tilespmem:s7+$0x10] =	vst v0  }
0xb8: {  	v0 =	vld [tilespmem:s11+$0x18020];
	_ =	sdelay $0x4  }
0xb9: {  	v1 =	vand.u32 $0xFFFF0000, v0  }
0xba: {  	v0 =	vshll.u32 v0, $0x10;
	[tilespmem:s7+$0x20] =	vst v1  }
0xbb: {  	[tilespmem:s7+$0xFFFFFFE0] =	vst v0  }
0xbc: {  	v0 =	vld [tilespmem:s11+$0x18030];
	_ =	sdelay $0x4  }
0xbd: {  	v1 =	vshll.u32 v0, $0x10  }
0xbe: {  	v0 =	vand.u32 $0xFFFF0000, v0;
	[tilespmem:s7+$0xFFFFFFF0] =	vst v1  }
0xbf: {  	s11 =	simm.s32 $0x40;
	[tilespmem:s7+$0x30] =	vst v0  }
0xc0: {  	v0 =	vld [tilespmem:s11+$0x18000]  }
0xc1: {  	s2 =	simm.s32 $0x200  }
.LBB2_8:
0xc2: {  	p1 =	sne.s32 s2, $0x3F00;
	_ =	sdelay $0x2  }
0xc3: {  	s7 =	sadd.s32 $0x80, s7;
	v1 =	vshll.u32 v0, $0x10  }
0xc4: {  	v0 =	vand.u32 $0xFFFF0000, v0;
	[tilespmem:s7+$0xFFFFFFC0] =	vst v1  }
0xc5: {  	[tilespmem:s7+$0x0] =	vst v0  }
0xc6: {  	v0 =	vld [tilespmem:s11+$0x18010];
	_ =	sdelay $0x4  }
0xc7: {  	v1 =	vshll.u32 v0, $0x10  }
0xc8: {  	v0 =	vand.u32 $0xFFFF0000, v0;
	[tilespmem:s7+$0xFFFFFFD0] =	vst v1  }
0xc9: {  	[tilespmem:s7+$0x10] =	vst v0  }
0xca: {  	v0 =	vld [tilespmem:s11+$0x18020];
	_ =	sdelay $0x4  }
0xcb: {  	v1 =	vshll.u32 v0, $0x10;
	v0 =	vand.u32 $0xFFFF0000, v0  }
0xcc: {  	[tilespmem:s7+$0x20] =	vst v0  }
0xcd: {  	[tilespmem:s7+$0xFFFFFFE0] =	vst v1  }
0xce: {  	v0 =	vld [tilespmem:s11+$0x18030];
	_ =	sdelay $0x4  }
.Ltmp2:
0xcf: {  	v1 =	vshll.u32 v0, $0x10;
	v0 =	vand.u32 $0xFFFF0000, v0;
	(pc) =	sbr.rel @p1 .LBB2_8-.Ltmp2, $4  }
0xd0: {  	[tilespmem:s7+$0xFFFFFFF0] =	vst v1  }
0xd1: {  	s11 =	sshra.s32 s2, $0x2;
	[tilespmem:s7+$0x30] =	vst v0  }
0xd2: {  	v0 =	vld [tilespmem:s11+$0x18000]  }
0xd3: {  	s2 =	sadd.s32 $0x100, s2  }
0xd4: {  	_ =	sdelay $0x2  }
0xd5: {  	s2 =	sadd.s32 $0x80, s7;
	v1 =	vshll.u32 v0, $0x10  }
0xd6: {  	v0 =	vand.u32 $0xFFFF0000, v0;
	[tilespmem:s2+$0xFFFFFFC0] =	vst v1  }
0xd7: {  	[tilespmem:s2+$0x0] =	vst v0  }
0xd8: {  	v0 =	vld [tilespmem:s11+$0x18010];
	_ =	sdelay $0x4  }
0xd9: {  	v1 =	vshll.u32 v0, $0x10  }
0xda: {  	v0 =	vand.u32 $0xFFFF0000, v0;
	[tilespmem:s2+$0xFFFFFFD0] =	vst v1  }
0xdb: {  	[tilespmem:s2+$0x10] =	vst v0  }
0xdc: {  	v0 =	vld [tilespmem:s11+$0x18020];
	_ =	sdelay $0x4  }
0xdd: {  	v1 =	vand.u32 $0xFFFF0000, v0  }
0xde: {  	v0 =	vshll.u32 v0, $0x10;
	[tilespmem:s2+$0x20] =	vst v1  }
0xdf: {  	[tilespmem:s2+$0xFFFFFFE0] =	vst v0  }
0xe0: {  	v0 =	vld [tilespmem:s11+$0x18030];
	_ =	sdelay $0x4  }
0xe1: {  	v1 =	vshll.u32 v0, $0x10  }
0xe2: {  	v0 =	vand.u32 $0xFFFF0000, v0;
	[tilespmem:s2+$0xFFFFFFF0] =	vst v1  }
0xe3: {  	s11 =	sadd.s32 $0x15080, s10;
	[tilespmem:s2+$0x30] =	vst v0  }
0xe4: {  	[spmem:s1] =	stream.indirect.scatter.add.f32 [tilespmem:s23], [sflag:$0x5], $0x80, s11, s15, $0xb8;
	[tilespmem:$0x1E000] =	vst v63  }
0xe5: {  	_ =	swait.ge [sflag:s30], $0x1000  }
0xe6: {  	s7 =	simm.s32 @!p0 $0x40;
	[sflag:s30] =	ssyncset.done $0x0  }
0xe7: {  	s10 =	simm.s32 @!p0 $0x18000;
	s2 =	sadd.s32 @!p0 $0x14180, s24;
	[sflag:s30] =	ssyncadd.s32 $0xFFFFF000  }
0xe8: {  	[tilespmem:s10], [sflag:$0x3] =	stream.indirect.gather @!p0 [hbm4b:s9+s7], $0x40, s2, s7, $0xb8;
	[tilespmem:$0x1E000] =	vst v63  }
0xe9: {  	_ =	swait.ge [sflag:s31], $0x2000  }
0xea: {  	[sflag:s31] =	ssyncset.done $0x0  }
0xeb: {  	s24 =	simm.s32 $0x0;
	[sflag:s31] =	ssyncadd.s32 $0xFFFFE000  }
0xec: {  	v0 =	vld [tilespmem:s24+$0x19000];
	_ =	sdelay $0x4  }
0xed: {  	s7 =	simm.s32 $0x1C040;
	v1 =	vshll.u32 v0, $0x10  }
0xee: {  	v0 =	vand.u32 $0xFFFF0000, v0;
	[tilespmem:s7+$0xFFFFFFC0] =	vst v1  }
0xef: {  	[tilespmem:s7+$0x0] =	vst v0  }
0xf0: {  	v0 =	vld [tilespmem:s24+$0x19010];
	_ =	sdelay $0x4  }
0xf1: {  	v1 =	vshll.u32 v0, $0x10  }
0xf2: {  	v0 =	vand.u32 $0xFFFF0000, v0;
	[tilespmem:s7+$0xFFFFFFD0] =	vst v1  }
0xf3: {  	[tilespmem:s7+$0x10] =	vst v0  }
0xf4: {  	v0 =	vld [tilespmem:s24+$0x19020];
	_ =	sdelay $0x4  }
0xf5: {  	v1 =	vand.u32 $0xFFFF0000, v0  }
0xf6: {  	v0 =	vshll.u32 v0, $0x10;
	[tilespmem:s7+$0x20] =	vst v1  }
0xf7: {  	[tilespmem:s7+$0xFFFFFFE0] =	vst v0  }
0xf8: {  	v0 =	vld [tilespmem:s24+$0x19030];
	_ =	sdelay $0x4  }
0xf9: {  	v1 =	vshll.u32 v0, $0x10  }
0xfa: {  	v0 =	vand.u32 $0xFFFF0000, v0;
	[tilespmem:s7+$0xFFFFFFF0] =	vst v1  }
0xfb: {  	s10 =	simm.s32 $0x40;
	[tilespmem:s7+$0x30] =	vst v0  }
0xfc: {  	v0 =	vld [tilespmem:s10+$0x19000]  }
0xfd: {  	s2 =	simm.s32 $0x200  }
.LBB2_10:
0xfe: {  	p0 =	sne.s32 s2, $0x3F00;
	_ =	sdelay $0x2  }
0xff: {  	s7 =	sadd.s32 $0x80, s7;
	v1 =	vshll.u32 v0, $0x10  }
0x100: {  	v0 =	vand.u32 $0xFFFF0000, v0;
	[tilespmem:s7+$0xFFFFFFC0] =	vst v1  }
0x101: {  	[tilespmem:s7+$0x0] =	vst v0  }
0x102: {  	v0 =	vld [tilespmem:s10+$0x19010];
	_ =	sdelay $0x4  }
0x103: {  	v1 =	vshll.u32 v0, $0x10  }
0x104: {  	v0 =	vand.u32 $0xFFFF0000, v0;
	[tilespmem:s7+$0xFFFFFFD0] =	vst v1  }
0x105: {  	[tilespmem:s7+$0x10] =	vst v0  }
0x106: {  	v0 =	vld [tilespmem:s10+$0x19020];
	_ =	sdelay $0x4  }
0x107: {  	v1 =	vshll.u32 v0, $0x10;
	v0 =	vand.u32 $0xFFFF0000, v0  }
0x108: {  	[tilespmem:s7+$0x20] =	vst v0  }
0x109: {  	[tilespmem:s7+$0xFFFFFFE0] =	vst v1  }
0x10a: {  	v0 =	vld [tilespmem:s10+$0x19030];
	_ =	sdelay $0x4  }
.Ltmp3:
0x10b: {  	v1 =	vshll.u32 v0, $0x10;
	v0 =	vand.u32 $0xFFFF0000, v0;
	(pc) =	sbr.rel @p0 .LBB2_10-.Ltmp3, $4  }
0x10c: {  	[tilespmem:s7+$0xFFFFFFF0] =	vst v1  }
0x10d: {  	s10 =	sshra.s32 s2, $0x2;
	[tilespmem:s7+$0x30] =	vst v0  }
0x10e: {  	v0 =	vld [tilespmem:s10+$0x19000]  }
0x10f: {  	s2 =	sadd.s32 $0x100, s2  }
0x110: {  	_ =	sdelay $0x2  }
0x111: {  	s2 =	sadd.s32 $0x80, s7;
	v1 =	vshll.u32 v0, $0x10  }
0x112: {  	v60 =	vand.u32 $0xFFFF0000, v0;
	[tilespmem:s2+$0xFFFFFFC0] =	vst v1  }
0x113: {  	[tilespmem:s2+$0x0] =	vst v60  }
0x114: {  	v0 =	vld [tilespmem:s10+$0x19010];
	_ =	sdelay $0x4  }
0x115: {  	v61 =	vshll.u32 v0, $0x10  }
0x116: {  	v0 =	vand.u32 $0xFFFF0000, v0;
	[tilespmem:s2+$0xFFFFFFD0] =	vst v61  }
0x117: {  	[tilespmem:s2+$0x10] =	vst v0  }
0x118: {  	v0 =	vld [tilespmem:s10+$0x19020];
	_ =	sdelay $0x4  }
0x119: {  	v62 =	vand.u32 $0xFFFF0000, v0  }
0x11a: {  	v0 =	vshll.u32 v0, $0x10;
	[tilespmem:s2+$0x20] =	vst v62  }
0x11b: {  	[tilespmem:s2+$0xFFFFFFE0] =	vst v0  }
0x11c: {  	v0 =	vld [tilespmem:s10+$0x19030];
	_ =	sdelay $0x1  }
0x11d: {  	s3 =	sadd.s32 $0x1, s3  }
0x11e: {  	p0 =	sne.s32 s3, $0x10  }
.Ltmp4:
0x11f: {  	_ = 	snop;
	(pc) =	sbr.rel @p0 .LBB2_3-.Ltmp4, $4  }
0x120: {  	v63 =	vshll.u32 v0, $0x10  }
0x121: {  	v0 =	vand.u32 $0xFFFF0000, v0;
	[tilespmem:s2+$0xFFFFFFF0] =	vst v63  }
0x122: {  	s24 =	sadd.s32 $0x15000, s6;
	[tilespmem:s2+$0x30] =	vst v0  }
0x123: {  	[spmem:s1] =	stream.indirect.scatter.add.f32 [tilespmem:s26], [sflag:$0x6], $0x80, s24, s15, $0xb8;
	[tilespmem:$0x1E000] =	vst v63  }
0x124: {  	s0 =	sadd.s32 $0x1, s0  }
0x125: {  	p0 =	sne.s32 s0, $0x5  }
.Ltmp5:
0x126: {  	_ = 	snop;
	(pc) =	sbr.rel @p0 .LBB2_2-.Ltmp5, $1  }
0x127: {  	_ =	sdelay $0x3  }
0x128: {  	_ =	swait.ge [sflag:s29], $0x2000  }
0x129: {  	[sflag:s29] =	ssyncset.done $0x0  }
0x12a: {  	[sflag:s29] =	ssyncadd.s32 $0xFFFFE000  }
0x12b: {  	_ =	swait.ge [sflag:s31], $0x2000  }
0x12c: {  	[sflag:s31] =	ssyncset.done $0x0  }
0x12d: {  	[sflag:s31] =	ssyncadd.s32 $0xFFFFE000  }
0x12e: {  	[bflag:$0x0] =	sbarrier.arrive $0xFFFF  }
0x12f: {  	s6 =	rddreg [dreg:$0x5]  }
0x130: {  	s2 =	rddreg [dreg:$0x7]  }
0x131: {  	s0 =	rddreg [dreg:$0x8]  }
0x132: {  	[hbm:s0], [sflag:s6] =	dma.local [spmem:s2], $0x2800  }
0x133: {  	_ =	swait.ge [sflag:s12], $0x2800  }
0x134: {  	s11 =	rddreg [dreg:$0x3]  }
0x135: {  	s24 =	rddreg [dreg:$0x6];
	s11 =	sadd.s32 $0x1, s11  }
0x136: {  	p0 =	sne.s32 s11, s24  }
.Ltmp6:
0x137: {  	_ = 	snop;
	(pc) =	sbr.rel @p0 .LBB2_1-.Ltmp6, $3  }
0x138: {  	_ =	sdelay $0x1  }
0x139: {  	[sflag:s12] =	ssyncset.done $0x0  }
0x13a: {  	[sflag:s12] =	ssyncadd.s32 $0xFFFFD800  }
0x13b: {  	_ =	sfence.sel $0x180000  }
0x13c: {  	[bflag:$0x0] =	sbarrier.arrive $0xFFFF  }
0x13d: {  	_ =	strace $0x9000004A  }
0x13e: {  	s0 =	stileid.u32;
	[bflag:$0x2] =	sbarrier.arrive $0xFFFF  }
0x13f: {  	p0 =	sne.s32 s0, $0x0;
	s0 =	rddreg [dreg:$0x2]  }
0x140: {  	s0 =	sadd.s32 @!p0 $0x100000, s0  }
0x141: {  	[sflag:s0] =	ssyncadd.tile.s32 @!p0 $0x1;
	_ =	shalt  }
.Lfunc_end2:
_tile_overlayer_lowered:
.L_overlay_start_2:
0x142: {  	(tag) =	ssettag $0x2  }
0x143: {  	s0 =	rddreg [dreg:$0x0];
	s2 =	stileid.u32  }
0x144: {  	s1 =	rddreg [dreg:$0x1];
	p0 =	sne.s32 s2, $0x0  }
0x145: {  	s3 =	rddreg [dreg:$0x2];
	[bflag:$0x3] =	sbarrier.arrive $0xFFFF;
	s2 =	simm.s32 @!p0 $0x1C07  }
0x146: {  	[timem:s3], [sflag:s2] =	dma.local @!p0 [hbm:s0], s1  }
0x147: {  	s0 =	simm.s32 @!p0 $0x7  }
0x148: {  	_ =	swait.ge @!p0 [sflag:s0], s1  }
0x149: {  	s1 =	ssub.s32 @!p0 $0x0, s1;
	[sflag:s0] =	ssyncset.done @!p0 $0x0  }
0x14a: {  	[sflag:s0] =	ssyncadd.s32 @!p0 s1  }
0x14b: {  	[bflag:$0x3] =	sbarrier.arrive $0xFFFF  }
0x14c: {  	_ =	shalt  }

// kernel: kernel.14.cloned.1.call-start
scs
__scs_entry_jumppad:
0x0: {  	(pc) =	sbr.rel $0x88, $3  }
0x1: {  	(tag) =	ssettag $0x0;
	lr =	simm.s32 $0x1  }
0x2: {  	[smem:$0x3F95] =	sst lr;
	_ =	strace $0xD0000000  }
0x3: {  	_ = 	snop  }
0x4: {  	_ = 	snop  }
0x5: {  	_ = 	snop  }
0x6: {  	_ = 	snop  }
0x7: {  	_ = 	snop  }
__scs_overlays_trampoline_lowered:
0x8: {  	[smem:$0x3FA4] =	sst s0  }
0x9: {  	[smem:$0x3FA5] =	sst s1  }
0xa: {  	[smem:$0x3FA6] =	sst s2  }
0xb: {  	[smem:$0x3FA7] =	sst s3  }
0xc: {  	[smem:$0x3FA8] =	sst s4  }
0xd: {  	[smem:$0x3FA9] =	sst s5  }
0xe: {  	[smem:$0x3FAA] =	sst s6  }
0xf: {  	[smem:$0x3FAB] =	sst s7  }
0x10: {  	[smem:$0x3FAC] =	sst s8  }
0x11: {  	[smem:$0x3FAD] =	sst s9;
	s0 =	simm.s32 @!p0 $0x0  }
0x12: {  	s1 =	sld [smem:$0x3F93];
	s0 =	simm.s32 @p0 $0x1  }
0x13: {  	[smem:$0x3FAE] =	sst s0;
	s0 =	simm.s32 @!p1 $0x0  }
0x14: {  	s2 =	sld [smem:$0x3F92];
	s0 =	simm.s32 @p1 $0x1  }
0x15: {  	[smem:$0x3FAF] =	sst s0;
	s0 =	simm.s32 @!p2 $0x0  }
0x16: {  	s3 =	sld [smem:$0x3FDB];
	s0 =	simm.s32 @p2 $0x1  }
0x17: {  	s4 =	simm.s32 $0x1BF5;
	[smem:$0x3FB1] =	sst s0  }
0x18: {  	s0 =	sld [smem:$0x3F94];
	_ =	swait.ge [sflag:s4], $0x0  }
0x19: {  	s7 =	sld [smem:$0x3F95]  }
0x1a: {  	s8 =	sadd.s32 $0xFFFFE003, lr  }
0x1b: {  	s9 =	sadd.s32 $0xFFFFFEF7, lr;
	s5 =	simm.s32 $0xFFFFFFFF;
	p2 =	slt.u32 s8, $0xFFFFF086  }
0x1c: {  	p1 =	slt.u32 s9, $0xF7A;
	s5 =	simm.s32 @!p2 $0x0  }
0x1d: {  	s5 =	simm.s32 @p1 $0x1;
	p0 =	seq.s32 s7, s2  }
0x1e: {  	s7 =	smul.u32 @!p0 $0xF7A, s2;
	p2 =	seq.s32 @!p0 s5, $0x0  }
0x1f: {  	s9 =	smul.u32 $0xF7A, s1;
	s8 =	simm.s32 @!p0 $0x1BF5;
	p2 =	por !p2, p0  }
0x20: {  	[sflag:s8] =	ssyncset.s32 @!p0 $0xFFFFF086;
	s6 =	sadd.s32 @!p0 s3, s7;
	s7 =	simm.s32 @!p0 $0x108  }
0x21: {  	s3 =	sadd.s32 s3, s9;
	s6 =	sadd.s32 @!p0 $0x88, s6;
	s7 =	simm.s32 @p2 $0x1082  }
0x22: {  	[simem:s7], [sflag:s8] =	dma.local @!p0 [hbm:s6], $0xF7A  }
0x23: {  	s9 =	sor.u32 $0xD0000000, s2;
	s6 =	simm.s32 $0x108;
	_ =	swait.ge @!p0 [sflag:s8], $0x0  }
0x24: {  	s3 =	sadd.s32 $0x88, s3;
	s6 =	simm.s32 @!p1 $0x1082;
	[sflag:s4] =	ssyncset.s32 $0xFFFFF086  }
0x25: {  	[simem:s6], [sflag:s4] =	dma.local [hbm:s3], $0xF7A  }
0x26: {  	[smem:$0x3F95] =	sst s1;
	(tag) =	ssettag s2;
	_ =	strace s9  }
0x27: {  	s1 =	sld [smem:$0x3FA5]  }
0x28: {  	s2 =	sld [smem:$0x3FA6]  }
0x29: {  	s4 =	sld [smem:$0x3FA8]  }
0x2a: {  	p0 =	seq.s32 s5, $0x0;
	s5 =	sld [smem:$0x3FA9]  }
0x2b: {  	s6 =	sld [smem:$0x3FAA]  }
0x2c: {  	s7 =	sld [smem:$0x3FAB]  }
0x2d: {  	s3 =	simm.s32 $0x108;
	s8 =	sld [smem:$0x3FAC]  }
0x2e: {  	s3 =	simm.s32 @!p0 $0x1082;
	s9 =	sld [smem:$0x3FAD]  }
0x2f: {  	lr =	sadd.s32 s0, s3;
	s0 =	sld [smem:$0x3FA4]  }
0x30: {  	s3 =	sld [smem:$0x3FA7]  }
0x31: {  	[smem:$0x3FB0] =	sst s10  }
0x32: {  	s10 =	sld [smem:$0x3FAE];
	_ =	sdelay $0x3  }
0x33: {  	p0 =	seq.s32 s10, $0x1;
	s10 =	sld [smem:$0x3FB0];
	_ =	sdelay $0x3  }
0x34: {  	[smem:$0x3FB0] =	sst s10  }
0x35: {  	s10 =	sld [smem:$0x3FAF];
	_ =	sdelay $0x3  }
0x36: {  	p1 =	seq.s32 s10, $0x1;
	s10 =	sld [smem:$0x3FB0];
	_ =	sdelay $0x3  }
0x37: {  	[smem:$0x3FB0] =	sst s10  }
0x38: {  	s10 =	sld [smem:$0x3FB1]  }
0x39: {  	_ = 	snop;
	(pc) =	sbr.ind lr, $3  }
0x3a: {  	_ = 	snop  }
0x3b: {  	_ = 	snop  }
0x3c: {  	p2 =	seq.s32 s10, $0x1;
	s10 =	sld [smem:$0x3FB0]  }
0x3d: {  	_ =	shalt  }
0x3e: {  	_ =	shalt  }
0x3f: {  	_ =	shalt  }
0x40: {  	_ =	shalt  }
0x41: {  	_ =	shalt  }
0x42: {  	_ =	shalt  }
0x43: {  	_ =	shalt  }
0x44: {  	_ =	shalt  }
0x45: {  	_ =	shalt  }
0x46: {  	_ =	shalt  }
0x47: {  	_ =	shalt  }
0x48: {  	_ =	shalt  }
0x49: {  	_ =	shalt  }
0x4a: {  	_ =	shalt  }
0x4b: {  	_ =	shalt  }
0x4c: {  	_ =	shalt  }
0x4d: {  	_ =	shalt  }
0x4e: {  	_ =	shalt  }
0x4f: {  	_ =	shalt  }
0x50: {  	_ =	shalt  }
0x51: {  	_ =	shalt  }
0x52: {  	_ =	shalt  }
0x53: {  	_ =	shalt  }
0x54: {  	_ =	shalt  }
0x55: {  	_ =	shalt  }
0x56: {  	_ =	shalt  }
0x57: {  	_ =	shalt  }
0x58: {  	_ =	shalt  }
0x59: {  	_ =	shalt  }
0x5a: {  	_ =	shalt  }
0x5b: {  	_ =	shalt  }
0x5c: {  	_ =	shalt  }
0x5d: {  	_ =	shalt  }
0x5e: {  	_ =	shalt  }
0x5f: {  	_ =	shalt  }
0x60: {  	_ =	shalt  }
0x61: {  	_ =	shalt  }
0x62: {  	_ =	shalt  }
0x63: {  	_ =	shalt  }
0x64: {  	_ =	shalt  }
0x65: {  	_ =	shalt  }
0x66: {  	_ =	shalt  }
0x67: {  	_ =	shalt  }
0x68: {  	_ =	shalt  }
0x69: {  	_ =	shalt  }
0x6a: {  	_ =	shalt  }
0x6b: {  	_ =	shalt  }
0x6c: {  	_ =	shalt  }
0x6d: {  	_ =	shalt  }
0x6e: {  	_ =	shalt  }
0x6f: {  	_ =	shalt  }
0x70: {  	_ =	shalt  }
0x71: {  	_ =	shalt  }
0x72: {  	_ =	shalt  }
0x73: {  	_ =	shalt  }
0x74: {  	_ =	shalt  }
0x75: {  	_ =	shalt  }
0x76: {  	_ =	shalt  }
0x77: {  	_ =	shalt  }
0x78: {  	_ =	shalt  }
0x79: {  	_ =	shalt  }
0x7a: {  	_ =	shalt  }
0x7b: {  	_ =	shalt  }
0x7c: {  	_ =	shalt  }
0x7d: {  	_ =	shalt  }
0x7e: {  	_ =	shalt  }
0x7f: {  	_ =	shalt  }
0x80: {  	_ =	shalt  }
0x81: {  	_ =	shalt  }
0x82: {  	_ =	shalt  }
0x83: {  	_ =	shalt  }
0x84: {  	_ =	shalt  }
0x85: {  	_ =	shalt  }
0x86: {  	_ =	shalt  }
0x87: {  	_ =	shalt  }
.Lfunc_end0:
.L_simem_size_0:
called_computation.2_lowered:
.L_overlay_start_0:
0x88: {  	s2 =	sld [smem:$0x3FD9]  }
0x89: {  	s3 =	sld [smem:$0x3FFE];
	_ =	sdelay $0x1  }
0x8a: {  	s1 =	srdreg.scid  }
0x8b: {  	s0 =	sand.u32 $0x1, s1  }
0x8c: {  	s16 =	sshll.u32 s0, $0xA;
	s2 =	sadd.s32 s3, s2  }
0x8d: {  	s2 =	sadd.s32 s2, s16  }
0x8e: {  	[smem:$0x3FBC] =	sst s2  }
0x8f: {  	_ = 	snop  }
0x90: {  	(tm) =	ssettm $0x1  }
0x91: {  	s17 =	sld [smem:$0x3FFB];
	_ =	sdelay $0x3  }
0x92: {  	_ =	strace s17  }
0x93: {  	s2 =	sld [smem:$0x3FFC];
	_ =	sdelay $0x3  }
0x94: {  	_ =	strace s2  }
0x95: {  	s2 =	sld [smem:$0x3FFD];
	_ =	sdelay $0x3  }
0x96: {  	_ =	strace s2  }
0x97: {  	_ =	strace $0x8FFFFFFF  }
0x98: {  	s18 =	sld [smem:$0x3FDB];
	_ =	sdelay $0x1  }
0x99: {  	s19 =	simm.s32 $_scs_section_size  }
0x9a: {  	s4 =	simm.s32 $_size__tile_overlayer_lowered;
	s5 =	simm.s32 $_tile_overlayer_lowered  }
0x9b: {  	s22 =	simm.s32 $0x1BFF;
	s21 =	sshll.u32 s5, $0x1;
	s2 =	sadd.s32 s19, s18  }
0x9c: {  	s6 =	simm.s32 $0x0;
	s20 =	sshll.u32 s4, $0x1;
	s4 =	sadd.s32 s21, s2  }
0x9d: {  	[timem:s6], [sflag:s22] =	dma.local [hbm:s4], s20  }
0x9e: {  	_ =	swait.ge [sflag:s22], s20  }
0x9f: {  	s3 =	ssub.s32 $0x0, s20;
	[sflag:s22] =	ssyncset.done $0x0  }
0xa0: {  	[sflag:s22] =	ssyncadd.s32 s3;
	_ =	sdelay $0x1  }
0xa1: {  	s23 =	simm.s32 $0x1B8B  }
0xa2: {  	_ =	swait.ge [sflag:s23], $0x1  }
0xa3: {  	[sflag:s23] =	ssyncset.done $0x0  }
0xa4: {  	s25 =	simm.s32 $0x1B8E;
	s24 =	sld [smem:$0x3FFE];
	[sflag:s23] =	ssyncadd.s32 $0xFFFFFFFF  }
0xa5: {  	s26 =	simm.s32 $execute0_lowered;
	[smem:$0x3FD2] =	sst s25  }
0xa6: {  	s4 =	sshll.u32 s26, $0x1;
	_ =	strace $0x8000004C;
	[dreg:$0x1] =	wrdreg $0xFFFFFFFF  }
0xa7: {  	s28 =	simm.s32 $_size_execute0_lowered;
	s2 =	sadd.s32 s2, s4;
	[dreg:$0x0] =	wrdreg $0x0  }
0xa8: {  	s4 =	sshll.u32 s28, $0x1;
	[dreg:$0x2] =	wrdreg s2  }
0xa9: {  	[dreg:$0x3] =	wrdreg s4  }
0xaa: {  	[dreg:$0x4] =	wrdreg $0xC0  }
0xab: {  	_ =	task [dreg:s6], $0x5FFFF  }
0xac: {  	[dreg:$0x1] =	wrdreg $0xFFFFFFFF  }
0xad: {  	[dreg:$0x0] =	wrdreg $0x60  }
0xae: {  	[dreg:$0x2] =	wrdreg s24  }
0xaf: {  	[dreg:$0x3] =	wrdreg $0x0  }
0xb0: {  	[dreg:$0x4] =	wrdreg $0x9  }
0xb1: {  	_ =	task.clear_ibuf [dreg:s6], $0x5FFFF;
	_ =	strace $0x9000004C  }
0xb2: {  	s29 =	simm.s32 $0x9;
	_ =	strace $0x8000004E  }
0xb3: {  	_ =	swait.ge [sflag:s29], $0x1  }
0xb4: {  	[sflag:s29] =	ssyncadd.s32 $0xFFFFFFFF  }
0xb5: {  	_ =	strace $0x9000004E  }
0xb6: {  	_ =	sfence  }
0xb7: {  	s30 =	sld [smem:$0x0];
	_ =	sdelay $0x2  }
0xb8: {  	s31 =	sshll.u32 s1, $0xD;
	s1 =	sshrl.u32 s1, $0x2  }
0xb9: {  	s3 =	sand.u32 $0x4000, s31;
	s1 =	sadd.s32 s1, s30  }
0xba: {  	s0 =	sor.u32 s3, s0;
	s1 =	sshll.u32 s1, $0x11  }
0xbb: {  	s0 =	sor.u32 s1, s0  }
0xbc: {  	s0 =	sadd.s32 $0x8F2B, s0  }
0xbd: {  	[sflag:s0] =	ssyncadd.remote.s32 $0x1  }
0xbe: {  	_ =	sfence.sel $0xFFFF  }
0xbf: {  	[dreg:$0x0] =	wrdreg $0xFFFFFFFF;
	(pc) =	sbr.abs _section_cstart, $3  }
0xc0: {  	[dreg:$0x1] =	wrdreg $0xFFFFFFFF  }
0xc1: {  	_ =	task.clear_ibuf [dreg:s6], $0x2FFFF;
	_ =	strace $0x9FFFFFFF  }
0xc2: {  	(tm) =	ssettm $0x7FFFFFFF  }
0xc3: {  	_ =	shalt  }
tec
execute0_lowered:
.L_overlay_start_1:
0x0: {  	(tag) =	ssettag $0x1  }
0x1: {  	s0 =	rddreg [dreg:$0x0]  }
0x2: {  	s1 =	rddreg [dreg:$0x1]  }
0x3: {  	s2 =	srdreg.scid;
	s11 =	simm.s32 $0x0;
	s9 =	stileid.u32  }
0x4: {  	s12 =	simm.s32 $0x7;
	s13 =	simm.s32 $0x14000;
	s14 =	simm.s32 $0x15000  }
0x5: {  	s15 =	simm.s32 $0x40;
	s16 =	simm.s32 $0x16000;
	s17 =	simm.s32 $0x14040  }
0x6: {  	s18 =	simm.s32 $0x17000;
	s19 =	simm.s32 $0x14080;
	s20 =	simm.s32 $0x18000  }
0x7: {  	s21 =	simm.s32 $0x1;
	s22 =	simm.s32 $0x19000;
	s23 =	simm.s32 $0x1A000  }
0x8: {  	s28 =	simm.s32 $0x3;
	s29 =	simm.s32 $0x5;
	s30 =	simm.s32 $0x4  }
0x9: {  	s31 =	simm.s32 $0x6;
	s2 =	sand.u32 $0x1, s2;
	s7 =	smul.u32 $0x14000, s9  }
0xa: {  	[smem:$0x7FF] =	sst s11;
	s4 =	sadd.s32 $0x16200, s0;
	s3 =	smul.u32 $0x14000, s2  }
0xb: {  	s5 =	sadd.s32 $0xC200, s0;
	s6 =	smul.u32 $0x28000, s2;
	s2 =	ssub.s32 $0x2, s2  }
0xc: {  	s8 =	sshll.u32 s9, $0x6;
	s25 =	sshrl.u32 s2, $0x1;
	s10 =	sshrl.u32 s7, $0x3  }
0xd: {  	s3 =	sadd.s32 s3, s0;
	s0 =	sadd.s32 s6, s0;
	s2 =	ssub.s32 s2, s25  }
0xe: {  	_ =	strace $0x8000004D;
	s26 =	sadd.s32 s10, s0;
	s2 =	smax.u32 s2, $0x1  }
0xf: {  	s0 =	sadd.s32 $0xE8200, s0;
	s6 =	sadd.s32 $0x70200, s26;
	[dreg:$0x6] =	wrdreg s2  }
0x10: {  	s7 =	sadd.s32 s7, s1;
	s0 =	sadd.s32 s10, s0;
	[dreg:$0x4] =	wrdreg s6  }
0x11: {  	s25 =	simm.s32 $0x2;
	s2 =	sshrl.u32 s7, $0x3;
	[dreg:$0x8] =	wrdreg s0  }
0x12: {  	s26 =	simm.s32 $0x1C000;
	s6 =	sor.u32 $0x1C07, s8;
	[dreg:$0x7] =	wrdreg s2  }
0x13: {  	s8 =	smul.u32 $0x5000, s9;
	s9 =	sadd.s32 $0xC0200, s3;
	[dreg:$0x5] =	wrdreg s6  }
.LBB2_1:
0x14: {  	[dreg:$0x3] =	wrdreg s11  }
0x15: {  	s0 =	rddreg [dreg:$0x4]  }
0x16: {  	[spmem:s2], [sflag:s6] =	dma.local [hbm:s0], $0x2800  }
0x17: {  	_ =	swait.ge [sflag:s12], $0x2800  }
0x18: {  	[sflag:s12] =	ssyncset.done $0x0  }
0x19: {  	[sflag:s12] =	ssyncadd.s32 $0xFFFFD800  }
0x1a: {  	s0 =	simm.s32 $0x0;
	[bflag:$0x0] =	sbarrier.arrive $0xFFFF  }
.LBB2_2:
0x1b: {  	p0 =	seq.s32 s0, $0x0  }
0x1c: {  	s2 =	simm.s32 @!p0 $0x5  }
0x1d: {  	_ =	swait.ge @!p0 [sflag:s2], $0x2000  }
0x1e: {  	[sflag:s2] =	ssyncset.done @!p0 $0x0  }
0x1f: {  	s3 =	sshll.u32 s0, $0xC;
	[sflag:s2] =	ssyncadd.s32 @!p0 $0xFFFFE000;
	s2 =	simm.s32 @!p0 $0x6  }
0x20: {  	s3 =	sadd.s32 s8, s3;
	_ =	swait.ge @!p0 [sflag:s2], $0x2000  }
0x21: {  	s6 =	sshrl.u32 s3, $0x3;
	[sflag:s2] =	ssyncset.done @!p0 $0x0  }
0x22: {  	s3 =	simm.s32 $0x0;
	s11 =	sadd.s32 s4, s6;
	[sflag:s2] =	ssyncadd.s32 @!p0 $0xFFFFE000  }
0x23: {  	[tilespmem:s13], [sflag:$0x7] =	stream.linear.gather [hbm4b:s11+s3], $0x1000, $0x38;
	[tilespmem:$0x1E000] =	vst v63  }
0x24: {  	_ =	swait.ge [sflag:s12], $0x1000  }
0x25: {  	[sflag:s12] =	ssyncset.done $0x0  }
0x26: {  	s24 =	sadd.s32 s5, s6;
	[sflag:s12] =	ssyncadd.s32 $0xFFFFF000  }
0x27: {  	[tilespmem:s14], [sflag:$0x7] =	stream.linear.gather [hbm4b:s24+s3], $0x1000, $0x38;
	[tilespmem:$0x1E000] =	vst v63  }
0x28: {  	_ =	swait.ge [sflag:s12], $0x1000  }
0x29: {  	[sflag:s12] =	ssyncset.done $0x0  }
0x2a: {  	[sflag:s12] =	ssyncadd.s32 $0xFFFFF000  }
0x2b: {  	[tilespmem:s16], [sflag:$0x1] =	stream.indirect.gather [hbm4b:s9+s15], $0x40, s13, s15, $0xb8;
	[tilespmem:$0x1E000] =	vst v63  }
0x2c: {  	_ = 	snop  }
0x2d: {  	[tilespmem:s18], [sflag:$0x2] =	stream.indirect.gather [hbm4b:s9+s15], $0x40, s17, s15, $0xb8;
	[tilespmem:$0x1E000] =	vst v63  }
0x2e: {  	_ = 	snop  }
0x2f: {  	[tilespmem:s20], [sflag:$0x3] =	stream.indirect.gather [hbm4b:s9+s15], $0x40, s19, s15, $0xb8;
	[tilespmem:$0x1E000] =	vst v63  }
.LBB2_3:
0x30: {  	_ =	swait.ge [sflag:s21], $0x1000  }
0x31: {  	s2 =	sshll.u32 s3, $0x8;
	[sflag:s21] =	ssyncset.done $0x0  }
0x32: {  	p0 =	seq.s32 s3, $0x0;
	s6 =	sadd.s32 $0x140C0, s2;
	[sflag:s21] =	ssyncadd.s32 $0xFFFFF000  }
0x33: {  	[tilespmem:s22], [sflag:$0x4] =	stream.indirect.gather [hbm4b:s9+s15], $0x40, s6, s15, $0xb8;
	[tilespmem:$0x1E000] =	vst v63  }
0x34: {  	s6 =	simm.s32 @!p0 $0x5  }
0x35: {  	_ =	swait.ge @!p0 [sflag:s6], $0x2000  }
0x36: {  	[sflag:s6] =	ssyncset.done @!p0 $0x0  }
0x37: {  	s24 =	simm.s32 $0x0;
	[sflag:s6] =	ssyncadd.s32 @!p0 $0xFFFFE000  }
0x38: {  	v0 =	vld [tilespmem:s24+$0x16000];
	_ =	sdelay $0x4  }
0x39: {  	s10 =	simm.s32 $0x1A040;
	v1 =	vshll.u32 v0, $0x10  }
0x3a: {  	v0 =	vand.u32 $0xFFFF0000, v0;
	[tilespmem:s10+$0xFFFFFFC0] =	vst v1  }
0x3b: {  	[tilespmem:s10+$0x0] =	vst v0  }
0x3c: {  	v0 =	vld [tilespmem:s24+$0x16010];
	_ =	sdelay $0x4  }
0x3d: {  	v1 =	vshll.u32 v0, $0x10  }
0x3e: {  	v0 =	vand.u32 $0xFFFF0000, v0;
	[tilespmem:s10+$0xFFFFFFD0] =	vst v1  }
0x3f: {  	[tilespmem:s10+$0x10] =	vst v0  }
0x40: {  	v0 =	vld [tilespmem:s24+$0x16020];
	_ =	sdelay $0x4  }
0x41: {  	v1 =	vand.u32 $0xFFFF0000, v0  }
0x42: {  	v0 =	vshll.u32 v0, $0x10;
	[tilespmem:s10+$0x20] =	vst v1  }
0x43: {  	[tilespmem:s10+$0xFFFFFFE0] =	vst v0  }
0x44: {  	v0 =	vld [tilespmem:s24+$0x16030];
	_ =	sdelay $0x4  }
0x45: {  	v1 =	vshll.u32 v0, $0x10  }
0x46: {  	v0 =	vand.u32 $0xFFFF0000, v0;
	[tilespmem:s10+$0xFFFFFFF0] =	vst v1  }
0x47: {  	s7 =	simm.s32 $0x40;
	[tilespmem:s10+$0x30] =	vst v0  }
0x48: {  	v0 =	vld [tilespmem:s7+$0x16000]  }
0x49: {  	s11 =	simm.s32 $0x200;
	s6 =	sor.u32 $0xC0, s2  }
.LBB2_4:
0x4a: {  	p0 =	sne.s32 s11, $0x3F00;
	_ =	sdelay $0x2  }
0x4b: {  	s10 =	sadd.s32 $0x80, s10;
	v1 =	vshll.u32 v0, $0x10  }
0x4c: {  	v0 =	vand.u32 $0xFFFF0000, v0;
	[tilespmem:s10+$0xFFFFFFC0] =	vst v1  }
0x4d: {  	[tilespmem:s10+$0x0] =	vst v0  }
0x4e: {  	v0 =	vld [tilespmem:s7+$0x16010];
	_ =	sdelay $0x4  }
0x4f: {  	v1 =	vshll.u32 v0, $0x10  }
0x50: {  	v0 =	vand.u32 $0xFFFF0000, v0;
	[tilespmem:s10+$0xFFFFFFD0] =	vst v1  }
0x51: {  	[tilespmem:s10+$0x10] =	vst v0  }
0x52: {  	v0 =	vld [tilespmem:s7+$0x16020];
	_ =	sdelay $0x4  }
0x53: {  	v1 =	vshll.u32 v0, $0x10;
	v0 =	vand.u32 $0xFFFF0000, v0  }
0x54: {  	[tilespmem:s10+$0x20] =	vst v0  }
0x55: {  	[tilespmem:s10+$0xFFFFFFE0] =	vst v1  }
0x56: {  	v0 =	vld [tilespmem:s7+$0x16030];
	_ =	sdelay $0x4  }
.Ltmp0:
0x57: {  	v1 =	vshll.u32 v0, $0x10;
	v0 =	vand.u32 $0xFFFF0000, v0;
	(pc) =	sbr.rel @p0 .LBB2_4-.Ltmp0, $4  }
0x58: {  	[tilespmem:s10+$0xFFFFFFF0] =	vst v1  }
0x59: {  	s7 =	sshra.s32 s11, $0x2;
	[tilespmem:s10+$0x30] =	vst v0  }
0x5a: {  	v0 =	vld [tilespmem:s7+$0x16000]  }
0x5b: {  	s11 =	sadd.s32 $0x100, s11  }
0x5c: {  	_ =	sdelay $0x2  }
0x5d: {  	s2 =	sadd.s32 $0x80, s10;
	v1 =	vshll.u32 v0, $0x10  }
0x5e: {  	v0 =	vand.u32 $0xFFFF0000, v0;
	[tilespmem:s2+$0xFFFFFFC0] =	vst v1  }
0x5f: {  	[tilespmem:s2+$0x0] =	vst v0  }
0x60: {  	v0 =	vld [tilespmem:s7+$0x16010];
	_ =	sdelay $0x4  }
0x61: {  	v1 =	vshll.u32 v0, $0x10  }
0x62: {  	v0 =	vand.u32 $0xFFFF0000, v0;
	[tilespmem:s2+$0xFFFFFFD0] =	vst v1  }
0x63: {  	[tilespmem:s2+$0x10] =	vst v0  }
0x64: {  	v0 =	vld [tilespmem:s7+$0x16020];
	_ =	sdelay $0x4  }
0x65: {  	v1 =	vand.u32 $0xFFFF0000, v0  }
0x66: {  	v0 =	vshll.u32 v0, $0x10;
	[tilespmem:s2+$0x20] =	vst v1  }
0x67: {  	[tilespmem:s2+$0xFFFFFFE0] =	vst v0  }
0x68: {  	v0 =	vld [tilespmem:s7+$0x16030];
	_ =	sdelay $0x4  }
0x69: {  	s7 =	sshll.u32 s3, $0xA;
	v1 =	vshll.u32 v0, $0x10  }
0x6a: {  	s10 =	sshrl.u32 s7, $0x2;
	v0 =	vand.u32 $0xFFFF0000, v0;
	[tilespmem:s2+$0xFFFFFFF0] =	vst v1  }
0x6b: {  	p0 =	seq.s32 s3, $0xF;
	s24 =	sadd.s32 $0x15000, s10;
	[tilespmem:s2+$0x30] =	vst v0  }
0x6c: {  	[spmem:s1] =	stream.indirect.scatter.add.f32 [tilespmem:s23], [sflag:$0x5], $0x80, s24, s15, $0xb8;
	[tilespmem:$0x1E000] =	vst v63  }
0x6d: {  	p1 =	seq.s32 @!p0 s3, $0x0;
	s11 =	simm.s32 @!p0 $0x16000;
	_ =	swait.ge [sflag:s25], $0x1000  }
0x6e: {  	p1 =	por p0, !p1;
	s24 =	sshrl.u32 @!p0 s7, $0x2;
	[sflag:s25] =	ssyncset.done $0x0  }
0x6f: {  	s7 =	simm.s32 @!p0 $0x40;
	s2 =	sadd.s32 @!p0 $0x14100, s24;
	[sflag:s25] =	ssyncadd.s32 $0xFFFFF000  }
0x70: {  	[tilespmem:s11], [sflag:$0x1] =	stream.indirect.gather @!p0 [hbm4b:s9+s7], $0x40, s2, s7, $0xb8;
	[tilespmem:$0x1E000] =	vst v63  }
0x71: {  	_ =	swait.ge @p1 [sflag:s31], $0x2000  }
0x72: {  	[sflag:s31] =	ssyncset.done @p1 $0x0  }
0x73: {  	s11 =	simm.s32 $0x0;
	[sflag:s31] =	ssyncadd.s32 @p1 $0xFFFFE000  }
0x74: {  	v0 =	vld [tilespmem:s11+$0x17000];
	_ =	sdelay $0x4  }
0x75: {  	s7 =	simm.s32 $0x1C040;
	v1 =	vshll.u32 v0, $0x10  }
0x76: {  	v0 =	vand.u32 $0xFFFF0000, v0;
	[tilespmem:s7+$0xFFFFFFC0] =	vst v1  }
0x77: {  	[tilespmem:s7+$0x0] =	vst v0  }
0x78: {  	v0 =	vld [tilespmem:s11+$0x17010];
	_ =	sdelay $0x4  }
0x79: {  	v1 =	vshll.u32 v0, $0x10  }
0x7a: {  	v0 =	vand.u32 $0xFFFF0000, v0;
	[tilespmem:s7+$0xFFFFFFD0] =	vst v1  }
0x7b: {  	[tilespmem:s7+$0x10] =	vst v0  }
0x7c: {  	v0 =	vld [tilespmem:s11+$0x17020];
	_ =	sdelay $0x4  }
0x7d: {  	v1 =	vand.u32 $0xFFFF0000, v0  }
0x7e: {  	v0 =	vshll.u32 v0, $0x10;
	[tilespmem:s7+$0x20] =	vst v1  }
0x7f: {  	[tilespmem:s7+$0xFFFFFFE0] =	vst v0  }
0x80: {  	v0 =	vld [tilespmem:s11+$0x17030];
	_ =	sdelay $0x4  }
0x81: {  	v1 =	vshll.u32 v0, $0x10  }
0x82: {  	v0 =	vand.u32 $0xFFFF0000, v0;
	[tilespmem:s7+$0xFFFFFFF0] =	vst v1  }
0x83: {  	s11 =	simm.s32 $0x40;
	[tilespmem:s7+$0x30] =	vst v0  }
0x84: {  	v0 =	vld [tilespmem:s11+$0x17000]  }
0x85: {  	s2 =	simm.s32 $0x200  }
.LBB2_6:
0x86: {  	p1 =	sne.s32 s2, $0x3F00;
	_ =	sdelay $0x2  }
0x87: {  	s7 =	sadd.s32 $0x80, s7;
	v1 =	vshll.u32 v0, $0x10  }
0x88: {  	v0 =	vand.u32 $0xFFFF0000, v0;
	[tilespmem:s7+$0xFFFFFFC0] =	vst v1  }
0x89: {  	[tilespmem:s7+$0x0] =	vst v0  }
0x8a: {  	v0 =	vld [tilespmem:s11+$0x17010];
	_ =	sdelay $0x4  }
0x8b: {  	v1 =	vshll.u32 v0, $0x10  }
0x8c: {  	v0 =	vand.u32 $0xFFFF0000, v0;
	[tilespmem:s7+$0xFFFFFFD0] =	vst v1  }
0x8d: {  	[tilespmem:s7+$0x10] =	vst v0  }
0x8e: {  	v0 =	vld [tilespmem:s11+$0x17020];
	_ =	sdelay $0x4  }
0x8f: {  	v1 =	vshll.u32 v0, $0x10;
	v0 =	vand.u32 $0xFFFF0000, v0  }
0x90: {  	[tilespmem:s7+$0x20] =	vst v0  }
0x91: {  	[tilespmem:s7+$0xFFFFFFE0] =	vst v1  }
0x92: {  	v0 =	vld [tilespmem:s11+$0x17030];
	_ =	sdelay $0x4  }
.Ltmp1:
0x93: {  	v1 =	vshll.u32 v0, $0x10;
	v0 =	vand.u32 $0xFFFF0000, v0;
	(pc) =	sbr.rel @p1 .LBB2_6-.Ltmp1, $4  }
0x94: {  	[tilespmem:s7+$0xFFFFFFF0] =	vst v1  }
0x95: {  	s11 =	sshra.s32 s2, $0x2;
	[tilespmem:s7+$0x30] =	vst v0  }
0x96: {  	v0 =	vld [tilespmem:s11+$0x17000]  }
0x97: {  	s2 =	sadd.s32 $0x100, s2  }
0x98: {  	_ =	sdelay $0x2  }
0x99: {  	s2 =	sadd.s32 $0x80, s7;
	v1 =	vshll.u32 v0, $0x10  }
0x9a: {  	v0 =	vand.u32 $0xFFFF0000, v0;
	[tilespmem:s2+$0xFFFFFFC0] =	vst v1  }
0x9b: {  	[tilespmem:s2+$0x0] =	vst v0  }
0x9c: {  	v0 =	vld [tilespmem:s11+$0x17010];
	_ =	sdelay $0x4  }
0x9d: {  	v1 =	vshll.u32 v0, $0x10  }
0x9e: {  	v0 =	vand.u32 $0xFFFF0000, v0;
	[tilespmem:s2+$0xFFFFFFD0] =	vst v1  }
0x9f: {  	[tilespmem:s2+$0x10] =	vst v0  }
0xa0: {  	v0 =	vld [tilespmem:s11+$0x17020];
	_ =	sdelay $0x4  }
0xa1: {  	v1 =	vand.u32 $0xFFFF0000, v0  }
0xa2: {  	v0 =	vshll.u32 v0, $0x10;
	[tilespmem:s2+$0x20] =	vst v1  }
0xa3: {  	[tilespmem:s2+$0xFFFFFFE0] =	vst v0  }
0xa4: {  	v0 =	vld [tilespmem:s11+$0x17030];
	_ =	sdelay $0x4  }
0xa5: {  	v1 =	vshll.u32 v0, $0x10  }
0xa6: {  	v0 =	vand.u32 $0xFFFF0000, v0;
	[tilespmem:s2+$0xFFFFFFF0] =	vst v1  }
0xa7: {  	s7 =	sadd.s32 $0x15040, s10;
	[tilespmem:s2+$0x30] =	vst v0  }
0xa8: {  	[spmem:s1] =	stream.indirect.scatter.add.f32 [tilespmem:s26], [sflag:$0x6], $0x80, s7, s15, $0xb8;
	[tilespmem:$0x1E000] =	vst v63  }
0xa9: {  	_ =	swait.ge [sflag:s28], $0x1000  }
0xaa: {  	s11 =	simm.s32 @!p0 $0x17000;
	[sflag:s28] =	ssyncset.done $0x0  }
0xab: {  	s2 =	sadd.s32 @!p0 $0x14140, s24;
	s7 =	simm.s32 @!p0 $0x40;
	[sflag:s28] =	ssyncadd.s32 $0xFFFFF000  }
0xac: {  	[tilespmem:s11], [sflag:$0x2] =	stream.indirect.gather @!p0 [hbm4b:s9+s7], $0x40, s2, s7, $0xb8;
	[tilespmem:$0x1E000] =	vst v63  }
0xad: {  	_ =	swait.ge [sflag:s29], $0x2000  }
0xae: {  	[sflag:s29] =	ssyncset.done $0x0  }
0xaf: {  	s11 =	simm.s32 $0x0;
	[sflag:s29] =	ssyncadd.s32 $0xFFFFE000  }
0xb0: {  	v0 =	vld [tilespmem:s11+$0x18000];
	_ =	sdelay $0x4  }
0xb1: {  	s7 =	simm.s32 $0x1A040;
	v1 =	vshll.u32 v0, $0x10  }
0xb2: {  	v0 =	vand.u32 $0xFFFF0000, v0;
	[tilespmem:s7+$0xFFFFFFC0] =	vst v1  }
0xb3: {  	[tilespmem:s7+$0x0] =	vst v0  }
0xb4: {  	v0 =	vld [tilespmem:s11+$0x18010];
	_ =	sdelay $0x4  }
0xb5: {  	v1 =	vshll.u32 v0, $0x10  }
0xb6: {  	v0 =	vand.u32 $0xFFFF0000, v0;
	[tilespmem:s7+$0xFFFFFFD0] =	vst v1  }
0xb7: {  	[tilespmem:s7+$0x10] =	vst v0  }
0xb8: {  	v0 =	vld [tilespmem:s11+$0x18020];
	_ =	sdelay $0x4  }
0xb9: {  	v1 =	vand.u32 $0xFFFF0000, v0  }
0xba: {  	v0 =	vshll.u32 v0, $0x10;
	[tilespmem:s7+$0x20] =	vst v1  }
0xbb: {  	[tilespmem:s7+$0xFFFFFFE0] =	vst v0  }
0xbc: {  	v0 =	vld [tilespmem:s11+$0x18030];
	_ =	sdelay $0x4  }
0xbd: {  	v1 =	vshll.u32 v0, $0x10  }
0xbe: {  	v0 =	vand.u32 $0xFFFF0000, v0;
	[tilespmem:s7+$0xFFFFFFF0] =	vst v1  }
0xbf: {  	s11 =	simm.s32 $0x40;
	[tilespmem:s7+$0x30] =	vst v0  }
0xc0: {  	v0 =	vld [tilespmem:s11+$0x18000]  }
0xc1: {  	s2 =	simm.s32 $0x200  }
.LBB2_8:
0xc2: {  	p1 =	sne.s32 s2, $0x3F00;
	_ =	sdelay $0x2  }
0xc3: {  	s7 =	sadd.s32 $0x80, s7;
	v1 =	vshll.u32 v0, $0x10  }
0xc4: {  	v0 =	vand.u32 $0xFFFF0000, v0;
	[tilespmem:s7+$0xFFFFFFC0] =	vst v1  }
0xc5: {  	[tilespmem:s7+$0x0] =	vst v0  }
0xc6: {  	v0 =	vld [tilespmem:s11+$0x18010];
	_ =	sdelay $0x4  }
0xc7: {  	v1 =	vshll.u32 v0, $0x10  }
0xc8: {  	v0 =	vand.u32 $0xFFFF0000, v0;
	[tilespmem:s7+$0xFFFFFFD0] =	vst v1  }
0xc9: {  	[tilespmem:s7+$0x10] =	vst v0  }
0xca: {  	v0 =	vld [tilespmem:s11+$0x18020];
	_ =	sdelay $0x4  }
0xcb: {  	v1 =	vshll.u32 v0, $0x10;
	v0 =	vand.u32 $0xFFFF0000, v0  }
0xcc: {  	[tilespmem:s7+$0x20] =	vst v0  }
0xcd: {  	[tilespmem:s7+$0xFFFFFFE0] =	vst v1  }
0xce: {  	v0 =	vld [tilespmem:s11+$0x18030];
	_ =	sdelay $0x4  }
.Ltmp2:
0xcf: {  	v1 =	vshll.u32 v0, $0x10;
	v0 =	vand.u32 $0xFFFF0000, v0;
	(pc) =	sbr.rel @p1 .LBB2_8-.Ltmp2, $4  }
0xd0: {  	[tilespmem:s7+$0xFFFFFFF0] =	vst v1  }
0xd1: {  	s11 =	sshra.s32 s2, $0x2;
	[tilespmem:s7+$0x30] =	vst v0  }
0xd2: {  	v0 =	vld [tilespmem:s11+$0x18000]  }
0xd3: {  	s2 =	sadd.s32 $0x100, s2  }
0xd4: {  	_ =	sdelay $0x2  }
0xd5: {  	s2 =	sadd.s32 $0x80, s7;
	v1 =	vshll.u32 v0, $0x10  }
0xd6: {  	v0 =	vand.u32 $0xFFFF0000, v0;
	[tilespmem:s2+$0xFFFFFFC0] =	vst v1  }
0xd7: {  	[tilespmem:s2+$0x0] =	vst v0  }
0xd8: {  	v0 =	vld [tilespmem:s11+$0x18010];
	_ =	sdelay $0x4  }
0xd9: {  	v1 =	vshll.u32 v0, $0x10  }
0xda: {  	v0 =	vand.u32 $0xFFFF0000, v0;
	[tilespmem:s2+$0xFFFFFFD0] =	vst v1  }
0xdb: {  	[tilespmem:s2+$0x10] =	vst v0  }
0xdc: {  	v0 =	vld [tilespmem:s11+$0x18020];
	_ =	sdelay $0x4  }
0xdd: {  	v1 =	vand.u32 $0xFFFF0000, v0  }
0xde: {  	v0 =	vshll.u32 v0, $0x10;
	[tilespmem:s2+$0x20] =	vst v1  }
0xdf: {  	[tilespmem:s2+$0xFFFFFFE0] =	vst v0  }
0xe0: {  	v0 =	vld [tilespmem:s11+$0x18030];
	_ =	sdelay $0x4  }
0xe1: {  	v1 =	vshll.u32 v0, $0x10  }
0xe2: {  	v0 =	vand.u32 $0xFFFF0000, v0;
	[tilespmem:s2+$0xFFFFFFF0] =	vst v1  }
0xe3: {  	s11 =	sadd.s32 $0x15080, s10;
	[tilespmem:s2+$0x30] =	vst v0  }
0xe4: {  	[spmem:s1] =	stream.indirect.scatter.add.f32 [tilespmem:s23], [sflag:$0x5], $0x80, s11, s15, $0xb8;
	[tilespmem:$0x1E000] =	vst v63  }
0xe5: {  	_ =	swait.ge [sflag:s30], $0x1000  }
0xe6: {  	s7 =	simm.s32 @!p0 $0x40;
	[sflag:s30] =	ssyncset.done $0x0  }
0xe7: {  	s10 =	simm.s32 @!p0 $0x18000;
	s2 =	sadd.s32 @!p0 $0x14180, s24;
	[sflag:s30] =	ssyncadd.s32 $0xFFFFF000  }
0xe8: {  	[tilespmem:s10], [sflag:$0x3] =	stream.indirect.gather @!p0 [hbm4b:s9+s7], $0x40, s2, s7, $0xb8;
	[tilespmem:$0x1E000] =	vst v63  }
0xe9: {  	_ =	swait.ge [sflag:s31], $0x2000  }
0xea: {  	[sflag:s31] =	ssyncset.done $0x0  }
0xeb: {  	s24 =	simm.s32 $0x0;
	[sflag:s31] =	ssyncadd.s32 $0xFFFFE000  }
0xec: {  	v0 =	vld [tilespmem:s24+$0x19000];
	_ =	sdelay $0x4  }
0xed: {  	s7 =	simm.s32 $0x1C040;
	v1 =	vshll.u32 v0, $0x10  }
0xee: {  	v0 =	vand.u32 $0xFFFF0000, v0;
	[tilespmem:s7+$0xFFFFFFC0] =	vst v1  }
0xef: {  	[tilespmem:s7+$0x0] =	vst v0  }
0xf0: {  	v0 =	vld [tilespmem:s24+$0x19010];
	_ =	sdelay $0x4  }
0xf1: {  	v1 =	vshll.u32 v0, $0x10  }
0xf2: {  	v0 =	vand.u32 $0xFFFF0000, v0;
	[tilespmem:s7+$0xFFFFFFD0] =	vst v1  }
0xf3: {  	[tilespmem:s7+$0x10] =	vst v0  }
0xf4: {  	v0 =	vld [tilespmem:s24+$0x19020];
	_ =	sdelay $0x4  }
0xf5: {  	v1 =	vand.u32 $0xFFFF0000, v0  }
0xf6: {  	v0 =	vshll.u32 v0, $0x10;
	[tilespmem:s7+$0x20] =	vst v1  }
0xf7: {  	[tilespmem:s7+$0xFFFFFFE0] =	vst v0  }
0xf8: {  	v0 =	vld [tilespmem:s24+$0x19030];
	_ =	sdelay $0x4  }
0xf9: {  	v1 =	vshll.u32 v0, $0x10  }
0xfa: {  	v0 =	vand.u32 $0xFFFF0000, v0;
	[tilespmem:s7+$0xFFFFFFF0] =	vst v1  }
0xfb: {  	s10 =	simm.s32 $0x40;
	[tilespmem:s7+$0x30] =	vst v0  }
0xfc: {  	v0 =	vld [tilespmem:s10+$0x19000]  }
0xfd: {  	s2 =	simm.s32 $0x200  }
.LBB2_10:
0xfe: {  	p0 =	sne.s32 s2, $0x3F00;
	_ =	sdelay $0x2  }
0xff: {  	s7 =	sadd.s32 $0x80, s7;
	v1 =	vshll.u32 v0, $0x10  }
0x100: {  	v0 =	vand.u32 $0xFFFF0000, v0;
	[tilespmem:s7+$0xFFFFFFC0] =	vst v1  }
0x101: {  	[tilespmem:s7+$0x0] =	vst v0  }
0x102: {  	v0 =	vld [tilespmem:s10+$0x19010];
	_ =	sdelay $0x4  }
0x103: {  	v1 =	vshll.u32 v0, $0x10  }
0x104: {  	v0 =	vand.u32 $0xFFFF0000, v0;
	[tilespmem:s7+$0xFFFFFFD0] =	vst v1  }
0x105: {  	[tilespmem:s7+$0x10] =	vst v0  }
0x106: {  	v0 =	vld [tilespmem:s10+$0x19020];
	_ =	sdelay $0x4  }
0x107: {  	v1 =	vshll.u32 v0, $0x10;
	v0 =	vand.u32 $0xFFFF0000, v0  }
0x108: {  	[tilespmem:s7+$0x20] =	vst v0  }
0x109: {  	[tilespmem:s7+$0xFFFFFFE0] =	vst v1  }
0x10a: {  	v0 =	vld [tilespmem:s10+$0x19030];
	_ =	sdelay $0x4  }
.Ltmp3:
0x10b: {  	v1 =	vshll.u32 v0, $0x10;
	v0 =	vand.u32 $0xFFFF0000, v0;
	(pc) =	sbr.rel @p0 .LBB2_10-.Ltmp3, $4  }
0x10c: {  	[tilespmem:s7+$0xFFFFFFF0] =	vst v1  }
0x10d: {  	s10 =	sshra.s32 s2, $0x2;
	[tilespmem:s7+$0x30] =	vst v0  }
0x10e: {  	v0 =	vld [tilespmem:s10+$0x19000]  }
0x10f: {  	s2 =	sadd.s32 $0x100, s2  }
0x110: {  	_ =	sdelay $0x2  }
0x111: {  	s2 =	sadd.s32 $0x80, s7;
	v1 =	vshll.u32 v0, $0x10  }
0x112: {  	v60 =	vand.u32 $0xFFFF0000, v0;
	[tilespmem:s2+$0xFFFFFFC0] =	vst v1  }
0x113: {  	[tilespmem:s2+$0x0] =	vst v60  }
0x114: {  	v0 =	vld [tilespmem:s10+$0x19010];
	_ =	sdelay $0x4  }
0x115: {  	v61 =	vshll.u32 v0, $0x10  }
0x116: {  	v0 =	vand.u32 $0xFFFF0000, v0;
	[tilespmem:s2+$0xFFFFFFD0] =	vst v61  }
0x117: {  	[tilespmem:s2+$0x10] =	vst v0  }
0x118: {  	v0 =	vld [tilespmem:s10+$0x19020];
	_ =	sdelay $0x4  }
0x119: {  	v62 =	vand.u32 $0xFFFF0000, v0  }
0x11a: {  	v0 =	vshll.u32 v0, $0x10;
	[tilespmem:s2+$0x20] =	vst v62  }
0x11b: {  	[tilespmem:s2+$0xFFFFFFE0] =	vst v0  }
0x11c: {  	v0 =	vld [tilespmem:s10+$0x19030];
	_ =	sdelay $0x1  }
0x11d: {  	s3 =	sadd.s32 $0x1, s3  }
0x11e: {  	p0 =	sne.s32 s3, $0x10  }
.Ltmp4:
0x11f: {  	_ = 	snop;
	(pc) =	sbr.rel @p0 .LBB2_3-.Ltmp4, $4  }
0x120: {  	v63 =	vshll.u32 v0, $0x10  }
0x121: {  	v0 =	vand.u32 $0xFFFF0000, v0;
	[tilespmem:s2+$0xFFFFFFF0] =	vst v63  }
0x122: {  	s24 =	sadd.s32 $0x15000, s6;
	[tilespmem:s2+$0x30] =	vst v0  }
0x123: {  	[spmem:s1] =	stream.indirect.scatter.add.f32 [tilespmem:s26], [sflag:$0x6], $0x80, s24, s15, $0xb8;
	[tilespmem:$0x1E000] =	vst v63  }
0x124: {  	s0 =	sadd.s32 $0x1, s0  }
0x125: {  	p0 =	sne.s32 s0, $0x5  }
.Ltmp5:
0x126: {  	_ = 	snop;
	(pc) =	sbr.rel @p0 .LBB2_2-.Ltmp5, $1  }
0x127: {  	_ =	sdelay $0x3  }
0x128: {  	_ =	swait.ge [sflag:s29], $0x2000  }
0x129: {  	[sflag:s29] =	ssyncset.done $0x0  }
0x12a: {  	[sflag:s29] =	ssyncadd.s32 $0xFFFFE000  }
0x12b: {  	_ =	swait.ge [sflag:s31], $0x2000  }
0x12c: {  	[sflag:s31] =	ssyncset.done $0x0  }
0x12d: {  	[sflag:s31] =	ssyncadd.s32 $0xFFFFE000  }
0x12e: {  	[bflag:$0x0] =	sbarrier.arrive $0xFFFF  }
0x12f: {  	s6 =	rddreg [dreg:$0x5]  }
0x130: {  	s2 =	rddreg [dreg:$0x7]  }
0x131: {  	s0 =	rddreg [dreg:$0x8]  }
0x132: {  	[hbm:s0], [sflag:s6] =	dma.local [spmem:s2], $0x2800  }
0x133: {  	_ =	swait.ge [sflag:s12], $0x2800  }
0x134: {  	s11 =	rddreg [dreg:$0x3]  }
0x135: {  	s24 =	rddreg [dreg:$0x6];
	s11 =	sadd.s32 $0x1, s11  }
0x136: {  	p0 =	sne.s32 s11, s24  }
.Ltmp6:
0x137: {  	_ = 	snop;
	(pc) =	sbr.rel @p0 .LBB2_1-.Ltmp6, $3  }
0x138: {  	_ =	sdelay $0x1  }
0x139: {  	[sflag:s12] =	ssyncset.done $0x0  }
0x13a: {  	[sflag:s12] =	ssyncadd.s32 $0xFFFFD800  }
0x13b: {  	_ =	sfence.sel $0x180000  }
0x13c: {  	[bflag:$0x0] =	sbarrier.arrive $0xFFFF  }
0x13d: {  	_ =	strace $0x9000004D  }
0x13e: {  	s0 =	stileid.u32;
	[bflag:$0x2] =	sbarrier.arrive $0xFFFF  }
0x13f: {  	p0 =	sne.s32 s0, $0x0;
	s0 =	rddreg [dreg:$0x2]  }
0x140: {  	s0 =	sadd.s32 @!p0 $0x100000, s0  }
0x141: {  	[sflag:s0] =	ssyncadd.tile.s32 @!p0 $0x1;
	_ =	shalt  }
.Lfunc_end2:
_tile_overlayer_lowered:
.L_overlay_start_2:
0x142: {  	(tag) =	ssettag $0x2  }
0x143: {  	s0 =	rddreg [dreg:$0x0];
	s2 =	stileid.u32  }
0x144: {  	s1 =	rddreg [dreg:$0x1];
	p0 =	sne.s32 s2, $0x0  }
0x145: {  	s3 =	rddreg [dreg:$0x2];
	[bflag:$0x3] =	sbarrier.arrive $0xFFFF;
	s2 =	simm.s32 @!p0 $0x1C07  }
0x146: {  	[timem:s3], [sflag:s2] =	dma.local @!p0 [hbm:s0], s1  }
0x147: {  	s0 =	simm.s32 @!p0 $0x7  }
0x148: {  	_ =	swait.ge @!p0 [sflag:s0], s1  }
0x149: {  	s1 =	ssub.s32 @!p0 $0x0, s1;
	[sflag:s0] =	ssyncset.done @!p0 $0x0  }
0x14a: {  	[sflag:s0] =	ssyncadd.s32 @!p0 s1  }
0x14b: {  	[bflag:$0x3] =	sbarrier.arrive $0xFFFF  }
0x14c: {  	_ =	shalt  }

// kernel: kernel.8.cloned.1.call-start
scs
__scs_entry_jumppad:
0x0: {  	(pc) =	sbr.rel $0x88, $3  }
0x1: {  	(tag) =	ssettag $0x0;
	lr =	simm.s32 $0x1  }
0x2: {  	[smem:$0x3F95] =	sst lr;
	_ =	strace $0xD0000000  }
0x3: {  	_ = 	snop  }
0x4: {  	_ = 	snop  }
0x5: {  	_ = 	snop  }
0x6: {  	_ = 	snop  }
0x7: {  	_ = 	snop  }
__scs_overlays_trampoline_lowered:
0x8: {  	[smem:$0x3FA4] =	sst s0  }
0x9: {  	[smem:$0x3FA5] =	sst s1  }
0xa: {  	[smem:$0x3FA6] =	sst s2  }
0xb: {  	[smem:$0x3FA7] =	sst s3  }
0xc: {  	[smem:$0x3FA8] =	sst s4  }
0xd: {  	[smem:$0x3FA9] =	sst s5  }
0xe: {  	[smem:$0x3FAA] =	sst s6  }
0xf: {  	[smem:$0x3FAB] =	sst s7  }
0x10: {  	[smem:$0x3FAC] =	sst s8  }
0x11: {  	[smem:$0x3FAD] =	sst s9;
	s0 =	simm.s32 @!p0 $0x0  }
0x12: {  	s1 =	sld [smem:$0x3F93];
	s0 =	simm.s32 @p0 $0x1  }
0x13: {  	[smem:$0x3FAE] =	sst s0;
	s0 =	simm.s32 @!p1 $0x0  }
0x14: {  	s2 =	sld [smem:$0x3F92];
	s0 =	simm.s32 @p1 $0x1  }
0x15: {  	[smem:$0x3FAF] =	sst s0;
	s0 =	simm.s32 @!p2 $0x0  }
0x16: {  	s3 =	sld [smem:$0x3FDB];
	s0 =	simm.s32 @p2 $0x1  }
0x17: {  	s4 =	simm.s32 $0x1BF5;
	[smem:$0x3FB1] =	sst s0  }
0x18: {  	s0 =	sld [smem:$0x3F94];
	_ =	swait.ge [sflag:s4], $0x0  }
0x19: {  	s7 =	sld [smem:$0x3F95]  }
0x1a: {  	s8 =	sadd.s32 $0xFFFFE003, lr  }
0x1b: {  	s9 =	sadd.s32 $0xFFFFFEF7, lr;
	s5 =	simm.s32 $0xFFFFFFFF;
	p2 =	slt.u32 s8, $0xFFFFF086  }
0x1c: {  	p1 =	slt.u32 s9, $0xF7A;
	s5 =	simm.s32 @!p2 $0x0  }
0x1d: {  	s5 =	simm.s32 @p1 $0x1;
	p0 =	seq.s32 s7, s2  }
0x1e: {  	s7 =	smul.u32 @!p0 $0xF7A, s2;
	p2 =	seq.s32 @!p0 s5, $0x0  }
0x1f: {  	s9 =	smul.u32 $0xF7A, s1;
	s8 =	simm.s32 @!p0 $0x1BF5;
	p2 =	por !p2, p0  }
0x20: {  	[sflag:s8] =	ssyncset.s32 @!p0 $0xFFFFF086;
	s6 =	sadd.s32 @!p0 s3, s7;
	s7 =	simm.s32 @!p0 $0x108  }
0x21: {  	s3 =	sadd.s32 s3, s9;
	s6 =	sadd.s32 @!p0 $0x88, s6;
	s7 =	simm.s32 @p2 $0x1082  }
0x22: {  	[simem:s7], [sflag:s8] =	dma.local @!p0 [hbm:s6], $0xF7A  }
0x23: {  	s9 =	sor.u32 $0xD0000000, s2;
	s6 =	simm.s32 $0x108;
	_ =	swait.ge @!p0 [sflag:s8], $0x0  }
0x24: {  	s3 =	sadd.s32 $0x88, s3;
	s6 =	simm.s32 @!p1 $0x1082;
	[sflag:s4] =	ssyncset.s32 $0xFFFFF086  }
0x25: {  	[simem:s6], [sflag:s4] =	dma.local [hbm:s3], $0xF7A  }
0x26: {  	[smem:$0x3F95] =	sst s1;
	(tag) =	ssettag s2;
	_ =	strace s9  }
0x27: {  	s1 =	sld [smem:$0x3FA5]  }
0x28: {  	s2 =	sld [smem:$0x3FA6]  }
0x29: {  	s4 =	sld [smem:$0x3FA8]  }
0x2a: {  	p0 =	seq.s32 s5, $0x0;
	s5 =	sld [smem:$0x3FA9]  }
0x2b: {  	s6 =	sld [smem:$0x3FAA]  }
0x2c: {  	s7 =	sld [smem:$0x3FAB]  }
0x2d: {  	s3 =	simm.s32 $0x108;
	s8 =	sld [smem:$0x3FAC]  }
0x2e: {  	s3 =	simm.s32 @!p0 $0x1082;
	s9 =	sld [smem:$0x3FAD]  }
0x2f: {  	lr =	sadd.s32 s0, s3;
	s0 =	sld [smem:$0x3FA4]  }
0x30: {  	s3 =	sld [smem:$0x3FA7]  }
0x31: {  	[smem:$0x3FB0] =	sst s10  }
0x32: {  	s10 =	sld [smem:$0x3FAE];
	_ =	sdelay $0x3  }
0x33: {  	p0 =	seq.s32 s10, $0x1;
	s10 =	sld [smem:$0x3FB0];
	_ =	sdelay $0x3  }
0x34: {  	[smem:$0x3FB0] =	sst s10  }
0x35: {  	s10 =	sld [smem:$0x3FAF];
	_ =	sdelay $0x3  }
0x36: {  	p1 =	seq.s32 s10, $0x1;
	s10 =	sld [smem:$0x3FB0];
	_ =	sdelay $0x3  }
0x37: {  	[smem:$0x3FB0] =	sst s10  }
0x38: {  	s10 =	sld [smem:$0x3FB1]  }
0x39: {  	_ = 	snop;
	(pc) =	sbr.ind lr, $3  }
0x3a: {  	_ = 	snop  }
0x3b: {  	_ = 	snop  }
0x3c: {  	p2 =	seq.s32 s10, $0x1;
	s10 =	sld [smem:$0x3FB0]  }
0x3d: {  	_ =	shalt  }
0x3e: {  	_ =	shalt  }
0x3f: {  	_ =	shalt  }
0x40: {  	_ =	shalt  }
0x41: {  	_ =	shalt  }
0x42: {  	_ =	shalt  }
0x43: {  	_ =	shalt  }
0x44: {  	_ =	shalt  }
0x45: {  	_ =	shalt  }
0x46: {  	_ =	shalt  }
0x47: {  	_ =	shalt  }
0x48: {  	_ =	shalt  }
0x49: {  	_ =	shalt  }
0x4a: {  	_ =	shalt  }
0x4b: {  	_ =	shalt  }
0x4c: {  	_ =	shalt  }
0x4d: {  	_ =	shalt  }
0x4e: {  	_ =	shalt  }
0x4f: {  	_ =	shalt  }
0x50: {  	_ =	shalt  }
0x51: {  	_ =	shalt  }
0x52: {  	_ =	shalt  }
0x53: {  	_ =	shalt  }
0x54: {  	_ =	shalt  }
0x55: {  	_ =	shalt  }
0x56: {  	_ =	shalt  }
0x57: {  	_ =	shalt  }
0x58: {  	_ =	shalt  }
0x59: {  	_ =	shalt  }
0x5a: {  	_ =	shalt  }
0x5b: {  	_ =	shalt  }
0x5c: {  	_ =	shalt  }
0x5d: {  	_ =	shalt  }
0x5e: {  	_ =	shalt  }
0x5f: {  	_ =	shalt  }
0x60: {  	_ =	shalt  }
0x61: {  	_ =	shalt  }
0x62: {  	_ =	shalt  }
0x63: {  	_ =	shalt  }
0x64: {  	_ =	shalt  }
0x65: {  	_ =	shalt  }
0x66: {  	_ =	shalt  }
0x67: {  	_ =	shalt  }
0x68: {  	_ =	shalt  }
0x69: {  	_ =	shalt  }
0x6a: {  	_ =	shalt  }
0x6b: {  	_ =	shalt  }
0x6c: {  	_ =	shalt  }
0x6d: {  	_ =	shalt  }
0x6e: {  	_ =	shalt  }
0x6f: {  	_ =	shalt  }
0x70: {  	_ =	shalt  }
0x71: {  	_ =	shalt  }
0x72: {  	_ =	shalt  }
0x73: {  	_ =	shalt  }
0x74: {  	_ =	shalt  }
0x75: {  	_ =	shalt  }
0x76: {  	_ =	shalt  }
0x77: {  	_ =	shalt  }
0x78: {  	_ =	shalt  }
0x79: {  	_ =	shalt  }
0x7a: {  	_ =	shalt  }
0x7b: {  	_ =	shalt  }
0x7c: {  	_ =	shalt  }
0x7d: {  	_ =	shalt  }
0x7e: {  	_ =	shalt  }
0x7f: {  	_ =	shalt  }
0x80: {  	_ =	shalt  }
0x81: {  	_ =	shalt  }
0x82: {  	_ =	shalt  }
0x83: {  	_ =	shalt  }
0x84: {  	_ =	shalt  }
0x85: {  	_ =	shalt  }
0x86: {  	_ =	shalt  }
0x87: {  	_ =	shalt  }
.Lfunc_end0:
.L_simem_size_0:
called_computation_lowered:
.L_overlay_start_0:
0x88: {  	s2 =	sld [smem:$0x3FD9]  }
0x89: {  	s3 =	sld [smem:$0x3FFE];
	_ =	sdelay $0x1  }
0x8a: {  	s1 =	srdreg.scid  }
0x8b: {  	s0 =	sand.u32 $0x1, s1  }
0x8c: {  	s17 =	sshll.u32 s0, $0xA;
	s2 =	sadd.s32 s3, s2  }
0x8d: {  	s2 =	sadd.s32 s2, s17  }
0x8e: {  	[smem:$0x3FBC] =	sst s2  }
0x8f: {  	_ = 	snop  }
0x90: {  	s2 =	sld [smem:$0x3FD0];
	(tm) =	ssettm $0x1  }
0x91: {  	s18 =	sld [smem:$0x3FFB];
	_ =	sdelay $0x3  }
0x92: {  	_ =	strace s18  }
0x93: {  	s3 =	sld [smem:$0x3FFC];
	_ =	sdelay $0x3  }
0x94: {  	_ =	strace s3  }
0x95: {  	s3 =	sld [smem:$0x3FFD];
	_ =	sdelay $0x3  }
0x96: {  	_ =	strace s3  }
0x97: {  	_ =	strace $0x8FFFFFFF  }
0x98: {  	s19 =	sld [smem:$0x3FDB];
	_ =	sdelay $0x1  }
0x99: {  	s4 =	simm.s32 $_scs_section_size  }
0x9a: {  	s5 =	simm.s32 $_size__tile_overlayer_lowered;
	s6 =	simm.s32 $_tile_overlayer_lowered  }
0x9b: {  	s22 =	simm.s32 $0x1BFF;
	s21 =	sshll.u32 s6, $0x1;
	s3 =	sadd.s32 s4, s19  }
0x9c: {  	s7 =	simm.s32 $0x0;
	s20 =	sshll.u32 s5, $0x1;
	s5 =	sadd.s32 s21, s3  }
0x9d: {  	[timem:s7], [sflag:s22] =	dma.local [hbm:s5], s20  }
0x9e: {  	_ =	swait.ge [sflag:s22], s20  }
0x9f: {  	s4 =	ssub.s32 $0x0, s20;
	[sflag:s22] =	ssyncset.done $0x0  }
0xa0: {  	[sflag:s22] =	ssyncadd.s32 s4;
	_ =	sdelay $0x1  }
0xa1: {  	s23 =	simm.s32 $0x1B8B  }
0xa2: {  	_ =	swait.ge [sflag:s23], $0x1  }
0xa3: {  	[sflag:s23] =	ssyncset.done $0x0  }
0xa4: {  	s25 =	simm.s32 $0x1B8E;
	s24 =	sld [smem:$0x3FFE];
	[sflag:s23] =	ssyncadd.s32 $0xFFFFFFFF  }
0xa5: {  	s26 =	simm.s32 $execute0_lowered;
	[smem:$0x3FD2] =	sst s25  }
0xa6: {  	s5 =	sshll.u32 s26, $0x1;
	_ =	strace $0x80000046;
	[dreg:$0x1] =	wrdreg $0xFFFFFFFF  }
0xa7: {  	s28 =	simm.s32 $_size_execute0_lowered;
	s3 =	sadd.s32 s3, s5;
	[dreg:$0x0] =	wrdreg $0x0  }
0xa8: {  	s5 =	sshll.u32 s28, $0x1;
	[dreg:$0x2] =	wrdreg s3  }
0xa9: {  	[dreg:$0x3] =	wrdreg s5  }
0xaa: {  	[dreg:$0x4] =	wrdreg $0xC0  }
0xab: {  	_ =	task [dreg:s7], $0x5FFFF  }
0xac: {  	[dreg:$0x1] =	wrdreg $0xFFFFFFFF  }
0xad: {  	[dreg:$0x0] =	wrdreg $0x60  }
0xae: {  	[dreg:$0x2] =	wrdreg s24  }
0xaf: {  	[dreg:$0x3] =	wrdreg s2  }
0xb0: {  	[dreg:$0x4] =	wrdreg $0x0  }
0xb1: {  	[dreg:$0x5] =	wrdreg $0x9  }
0xb2: {  	_ =	task.clear_ibuf [dreg:s7], $0x6FFFF;
	_ =	strace $0x90000046  }
0xb3: {  	s29 =	simm.s32 $0x9;
	_ =	strace $0x80000048  }
0xb4: {  	_ =	swait.ge [sflag:s29], $0x1  }
0xb5: {  	[sflag:s29] =	ssyncadd.s32 $0xFFFFFFFF  }
0xb6: {  	_ =	strace $0x90000048  }
0xb7: {  	_ =	sfence  }
0xb8: {  	s30 =	sld [smem:$0x0];
	_ =	sdelay $0x2  }
0xb9: {  	s31 =	sshll.u32 s1, $0xD;
	s1 =	sshrl.u32 s1, $0x2  }
0xba: {  	s3 =	sand.u32 $0x4000, s31;
	s1 =	sadd.s32 s1, s30  }
0xbb: {  	s0 =	sor.u32 s3, s0;
	s1 =	sshll.u32 s1, $0x11  }
0xbc: {  	s0 =	sor.u32 s1, s0  }
0xbd: {  	s0 =	sadd.s32 $0x8F2B, s0  }
0xbe: {  	[sflag:s0] =	ssyncadd.remote.s32 $0x1  }
0xbf: {  	_ =	sfence.sel $0xFFFF  }
0xc0: {  	[dreg:$0x0] =	wrdreg $0xFFFFFFFF;
	(pc) =	sbr.abs _section_cstart, $3  }
0xc1: {  	[dreg:$0x1] =	wrdreg $0xFFFFFFFF  }
0xc2: {  	_ =	task.clear_ibuf [dreg:s7], $0x2FFFF;
	_ =	strace $0x9FFFFFFF  }
0xc3: {  	(tm) =	ssettm $0x7FFFFFFF  }
tec
execute0_lowered:
.L_overlay_start_1:
0x0: {  	(tag) =	ssettag $0x1  }
0x1: {  	s4 =	rddreg [dreg:$0x0]  }
0x2: {  	s6 =	rddreg [dreg:$0x1]  }
0x3: {  	s2 =	rddreg [dreg:$0x2]  }
0x4: {  	s0 =	srdreg.scid;
	s1 =	rddreg [dreg:$0x3];
	s3 =	simm.s32 $0x0  }
0x5: {  	s11 =	simm.s32 $0x2A80;
	s15 =	simm.s32 $0x20;
	s16 =	simm.s32 $0x10  }
0x6: {  	s17 =	simm.s32 $0x0;
	s5 =	sand.u32 $0x1, s0;
	s0 =	stileid.u32  }
0x7: {  	[smem:$0x7FF] =	sst s3;
	s7 =	sshll.u32 s5, $0x4;
	s9 =	smul.u32 $0xA00, s0  }
0x8: {  	_ =	strace $0x80000047;
	s5 =	ssub.s32 $0x2, s5;
	s13 =	smul.u32 $0xA0, s0  }
0x9: {  	s14 =	sshll.u32 s0, $0x6;
	s8 =	sor.u32 s0, s7;
	s31 =	sshrl.u32 s5, $0x1  }
0xa: {  	s12 =	sadd.s32 s6, s7;
	s7 =	simm.s32 $0x2B00;
	s8 =	smul.u32 $0x500, s8  }
0xb: {  	s9 =	sshrl.u32 s9, $0x2;
	s10 =	ssub.s32 s5, s31;
	s12 =	sadd.s32 s13, s12  }
0xc: {  	s13 =	sor.u32 $0x1C01, s14;
	s6 =	smax.u32 s10, $0x1;
	s10 =	simm.s32 $0x80  }
0xd: {  	s8 =	sadd.s32 s8, s4;
	s4 =	sadd.s32 s9, s2;
	s9 =	simm.s32 $0x280  }
0xe: {  	v0 =	vimm.f32 $0.0e+00;
	v1 =	vimm.f32 $1.000000000e+00;
	s5 =	sadd.s32 $0x2200, s8;
	s8 =	simm.s32 $0x1;
	s14 =	sshrl.u32 s4, $0x3  }
.LBB2_1:
0xf: {  	[tilespmem:$0x2B00] =	vst v0  }
0x10: {  	[tilespmem:$0x2B10] =	vst v0  }
0x11: {  	[tilespmem:$0x2B20] =	vst v0  }
0x12: {  	[tilespmem:$0x2B30] =	vst v0  }
0x13: {  	[tilespmem:$0x2B40] =	vst v0  }
0x14: {  	[tilespmem:$0x2B50] =	vst v0  }
0x15: {  	[tilespmem:$0x2B60] =	vst v0  }
0x16: {  	[tilespmem:$0x2B70] =	vst v0  }
0x17: {  	[tilespmem:$0x2B80] =	vst v0  }
0x18: {  	[tilespmem:$0x2B90] =	vst v0  }
0x19: {  	[tilespmem:$0x2BA0] =	vst v0  }
0x1a: {  	[tilespmem:$0x2BB0] =	vst v0  }
0x1b: {  	[tilespmem:$0x2BC0] =	vst v0  }
0x1c: {  	[tilespmem:$0x2BD0] =	vst v0  }
0x1d: {  	[tilespmem:$0x2BE0] =	vst v0  }
0x1e: {  	[tilespmem:$0x2BF0] =	vst v0  }
0x1f: {  	[tilespmem:$0x2C00] =	vst v0  }
0x20: {  	[tilespmem:$0x2C10] =	vst v0  }
0x21: {  	[tilespmem:$0x2C20] =	vst v0  }
0x22: {  	[tilespmem:$0x2C30] =	vst v0  }
0x23: {  	[tilespmem:$0x2C40] =	vst v0  }
0x24: {  	[tilespmem:$0x2C50] =	vst v0  }
0x25: {  	[tilespmem:$0x2C60] =	vst v0  }
0x26: {  	[tilespmem:$0x2C70] =	vst v0  }
0x27: {  	[tilespmem:$0x2C80] =	vst v0  }
0x28: {  	[tilespmem:$0x2C90] =	vst v0  }
0x29: {  	[tilespmem:$0x2CA0] =	vst v0  }
0x2a: {  	[tilespmem:$0x2CB0] =	vst v0  }
0x2b: {  	[tilespmem:$0x2CC0] =	vst v0  }
0x2c: {  	[tilespmem:$0x2CD0] =	vst v0  }
0x2d: {  	[tilespmem:$0x2CE0] =	vst v0  }
0x2e: {  	[tilespmem:$0x2CF0] =	vst v0  }
0x2f: {  	[tilespmem:$0x2D00] =	vst v0  }
0x30: {  	[tilespmem:$0x2D10] =	vst v0  }
0x31: {  	[tilespmem:$0x2D20] =	vst v0  }
0x32: {  	[tilespmem:$0x2D30] =	vst v0  }
0x33: {  	[tilespmem:$0x2D40] =	vst v0  }
0x34: {  	[tilespmem:$0x2D50] =	vst v0  }
0x35: {  	[tilespmem:$0x2D60] =	vst v0  }
0x36: {  	[tilespmem:$0x2D70] =	vst v0  }
0x37: {  	[tilespmem:$0x2A80] =	vst v1  }
0x38: {  	[tilespmem:$0x2A90] =	vst v1  }
0x39: {  	[tilespmem:$0x2AA0] =	vst v1  }
0x3a: {  	[tilespmem:$0x2AB0] =	vst v1  }
0x3b: {  	[tilespmem:$0x2AC0] =	vst v1  }
0x3c: {  	[tilespmem:$0x2AD0] =	vst v1  }
0x3d: {  	[tilespmem:$0x2AE0] =	vst v1  }
0x3e: {  	[tilespmem:$0x2AF0] =	vst v1  }
0x3f: {  	[spmem:s4] =	stream.linear.scatter [tilespmem:s7], [sflag:$0x1], $0x280, $0x38;
	[tilespmem:$0x2D80] =	vst v63  }
0x40: {  	_ =	swait.ge [sflag:s8], $0x280  }
0x41: {  	[sflag:s8] =	ssyncset.done $0x0  }
0x42: {  	[sflag:s8] =	ssyncadd.s32 $0xFFFFFD80  }
0x43: {  	[tilespmem:s9], [sflag:$0x1] =	stream.linear.gather [hbm4b:s5+s3], $0x2800, $0x38;
	[tilespmem:$0x2D80] =	vst v63  }
0x44: {  	_ =	swait.ge [sflag:s8], $0x2800  }
0x45: {  	[sflag:s8] =	ssyncset.done $0x0  }
0x46: {  	[sflag:s8] =	ssyncadd.s32 $0xFFFFD800  }
0x47: {  	s18 =	simm.s32 $0x280;
	[bflag:$0x0] =	sbarrier.arrive $0xFFFF  }
0x48: {  	[spmem:s2] =	stream.indirect.scatter.add.f32 [tilespmem:s11], [sflag:$0x1], $0x1, s18, s10, $0xb8;
	[tilespmem:$0x2D80] =	vst v63  }
0x49: {  	s18 =	simm.s32 $0x200;
	_ =	swait.ge [sflag:s8], $0x80  }
.LBB2_2:
0x4a: {  	s19 =	sshra.s32 s18, $0x2;
	[sflag:s8] =	ssyncset.done $0x0;
	p0 =	sne.s32 s18, $0x9E00  }
.Ltmp0:
0x4b: {  	s19 =	sadd.s32 $0x280, s19;
	[sflag:s8] =	ssyncadd.s32 $0xFFFFFF80;
	(pc) =	sbr.rel @p0 .LBB2_2-.Ltmp0, $3  }
0x4c: {  	[spmem:s2] =	stream.indirect.scatter.add.f32 [tilespmem:s11], [sflag:$0x1], $0x1, s19, s10, $0xb8;
	[tilespmem:$0x2D80] =	vst v63  }
0x4d: {  	s18 =	sadd.s32 $0x200, s18;
	_ =	sdelay $0x1  }
0x4e: {  	_ =	swait.ge [sflag:s8], $0x80  }
0x4f: {  	[sflag:s8] =	ssyncset.done $0x0;
	s17 =	sadd.s32 $0x1, s17  }
0x50: {  	[sflag:s8] =	ssyncadd.s32 $0xFFFFFF80;
	p0 =	sne.s32 s17, s6  }
.Ltmp1:
0x51: {  	[bflag:$0x0] =	sbarrier.arrive $0xFFFF;
	(pc) =	sbr.rel @p0 .LBB2_1-.Ltmp1, $4  }
0x52: {  	[hbm:s12@s15], [sflag:s13] =	dma.strided [spmem:s14@s16], $0x50, s8, $0x10   }
0x53: {  	_ =	swait.ge [sflag:s8], $0x50  }
0x54: {  	[sflag:s8] =	ssyncset.done $0x0  }
0x55: {  	[sflag:s8] =	ssyncadd.s32 $0xFFFFFFB0  }
0x56: {  	_ =	sfence.sel $0x180000  }
0x57: {  	[bflag:$0x0] =	sbarrier.arrive $0xFFFF  }
0x58: {  	p0 =	sne.s32 s0, $0x0;
	_ =	strace $0x90000047  }
0x59: {  	s0 =	sadd.s32 @!p0 $0x100000, s1;
	[bflag:$0x2] =	sbarrier.arrive $0xFFFF  }
0x5a: {  	[sflag:s0] =	ssyncadd.tile.s32 @!p0 $0x1;
	_ =	shalt  }
.Lfunc_end2:
_tile_overlayer_lowered:
.L_overlay_start_2:
0x5b: {  	(tag) =	ssettag $0x2  }
0x5c: {  	s0 =	rddreg [dreg:$0x0];
	s2 =	stileid.u32  }
0x5d: {  	s1 =	rddreg [dreg:$0x1];
	p0 =	sne.s32 s2, $0x0  }
0x5e: {  	s3 =	rddreg [dreg:$0x2];
	[bflag:$0x3] =	sbarrier.arrive $0xFFFF;
	s2 =	simm.s32 @!p0 $0x1C01  }
0x5f: {  	[timem:s3], [sflag:s2] =	dma.local @!p0 [hbm:s0], s1  }
0x60: {  	s0 =	simm.s32 @!p0 $0x1  }
0x61: {  	_ =	swait.ge @!p0 [sflag:s0], s1  }
0x62: {  	s1 =	ssub.s32 @!p0 $0x0, s1;
	[sflag:s0] =	ssyncset.done @!p0 $0x0  }
0x63: {  	[sflag:s0] =	ssyncadd.s32 @!p0 s1  }
0x64: {  	[bflag:$0x3] =	sbarrier.arrive $0xFFFF  }
0x65: {  	_ =	shalt  }

</sc_bundles>
